<compile_context>
chip_gen: v7x
topology: tpu7x:2x2x1
jax: 0.10.2.dev20260603
libtpu: 0.0.44.dev20260713+nightly
codegen_flags: <defaults>
</compile_context>

<pallas_src>
import functools

import jax
import jax.numpy as jnp
from jax import lax
from jax.experimental import pallas as pl
from jax.experimental.pallas import tpu as pltpu
from jax.experimental.pallas import tpu_sc as plsc

_CHUNK = 64
_NBUF = 8


@functools.cache
def _make_gather(batch, seq, V, D):
    B = batch * seq
    info = plsc.get_sparse_core_info()
    nw = info.num_cores * info.num_subcores
    cols_per_w = batch // nw
    b_per_w = cols_per_w * seq
    cpr = cols_per_w // _CHUNK
    n_chunks = b_per_w // _CHUNK
    n_rings = n_chunks // _NBUF
    mesh = plsc.VectorSubcoreMesh(core_axis_name="c", subcore_axis_name="s")

    @functools.partial(
        pl.kernel,
        out_type=jax.ShapeDtypeStruct((B, D), jnp.float32),
        mesh=mesh,
        compiler_params=pltpu.CompilerParams(use_tc_tiling_on_sc=False),
        scratch_types=[
            pltpu.VMEM((seq, cols_per_w), jnp.int32),
            pltpu.VMEM((_NBUF, _CHUNK, D), jnp.float32),
            pltpu.SemaphoreType.DMA((_NBUF,)),
            pltpu.SemaphoreType.DMA((_NBUF,)),
        ],
    )
    def gather_kernel(idx_hbm, table_hbm, out_hbm, idx_v, rows_v, gsem, wsem):
        wid = lax.axis_index("s") * info.num_cores + lax.axis_index("c")
        cbase = wid * cols_per_w
        pltpu.sync_copy(idx_hbm.at[:, pl.ds(cbase, cols_per_w)], idx_v)

        def out_slice(j):
            s, c = j // cpr, j % cpr
            return out_hbm.at[pl.ds(s * batch + cbase + c * _CHUNK, _CHUNK)]

        def idx_slice(j):
            s, c = j // cpr, j % cpr
            return idx_v.at[s, pl.ds(c * _CHUNK, _CHUNK)]

        def fire(j, b):
            pltpu.async_copy(
                table_hbm.at[idx_slice(j)], rows_v.at[b], gsem.at[b]
            )

        def drain_fire_wb(j, b):
            pltpu.make_async_copy(
                table_hbm.at[idx_slice(0)], rows_v.at[b], gsem.at[b]
            ).wait()
            pltpu.async_copy(rows_v.at[b], out_slice(j), wsem.at[b])

        def wait_wb(j, b):
            pltpu.make_async_copy(rows_v.at[b], out_slice(j), wsem.at[b]).wait()

        for b in range(_NBUF):
            fire(b, b)

        def ring_body(g, carry):
            jbase = g * _NBUF
            for b in range(_NBUF):
                drain_fire_wb(jbase + b, b)
            for b in range(_NBUF):
                wait_wb(jbase + b, b)
                fire(jbase + _NBUF + b, b)
            return carry

        lax.fori_loop(0, n_rings - 1, ring_body, 0)

        jbase = (n_rings - 1) * _NBUF
        for b in range(_NBUF):
            drain_fire_wb(jbase + b, b)
        for b in range(_NBUF):
            wait_wb(jbase + b, b)

    return gather_kernel


@jax.jit
def kernel(inputs, table):
    batch, seq = inputs.shape
    vocab, embed = table.shape
    out = _make_gather(batch, seq, vocab, embed)(inputs.T, table)
    return out.reshape(seq, batch, embed).transpose(1, 0, 2)

# --- scband reference (transcript-rebuilt; emitter-appended) ---
"""Pipeline reference for scband-embedding-ncemodel-37580963840716 (READ-ONLY COPY).

The authoritative reference and input builder live on the scoring server;
editing this copy changes nothing except your own understanding.
"""

import jax, jax.numpy as jnp
import numpy as np

VOCAB = 100000
EMBED = 128
BATCH = 16384
SEQ = 50

def setup_inputs(seed: int = 0) -> dict:
    key = jax.random.key(seed)
    k1, k2 = jax.random.split(key)
    inputs = jax.random.randint(k1, (BATCH, SEQ), 0, VOCAB, dtype=jnp.int32)
    # Embedding table, keras 'uniform' initializer default range [-0.05, 0.05]
    table = jax.random.uniform(k2, (VOCAB, EMBED), dtype=jnp.float32, minval=-0.05, maxval=0.05)
    return {"inputs": inputs, "table": table}

def reference(inputs, table):
    # EmbeddingNCEModel.call at inference: EmbeddingNCELayer performs a
    # standard embedding lookup of the input ids into the embedding matrix.
    # (The NCE sampled-softmax loss path is only active in training with labels.)
    out = jnp.take(table, inputs, axis=0)  # [BATCH, SEQ, EMBED]
    return out

if __name__ == "__main__":
    import jax
    _d = setup_inputs()
    print(jax.jit(kernel)(*tuple(_d.values())))

</pallas_src>

<mosaic_0001>
#map = affine_map<(d0, d1) -> (0, 0)>
module attributes {stable_mosaic.version = 14 : i64} {
  func.func @gather_kernel(%arg0: i32, %arg1: i32, %arg2: memref<50x16384xi32, #tpu.memory_space<hbm>>, %arg3: memref<100000x128xf32, #tpu.memory_space<hbm>>, %arg4: memref<819200x128xf32, #tpu.memory_space<hbm>>, %arg5: memref<50x512xi32, #tpu.memory_space<vmem>>, %arg6: memref<8x64x128xf32, #tpu.memory_space<vmem>>, %arg7: memref<8x!tpu.dma_semaphore, #tpu.memory_space<semaphore_mem>>, %arg8: memref<8x!tpu.dma_semaphore, #tpu.memory_space<semaphore_mem>>) attributes {dimension_semantics = [#tpu.dimension_semantics<core_parallel>, #tpu.dimension_semantics<subcore_parallel>], iteration_bounds = array<i64: 2, 16>, scalar_prefetch = 0 : i64, scratch_operands = 4 : i64, tpu.core_type = #tpu.core_type<sc_vector_subcore>, window_params = [{transform_indices = #map}, {transform_indices = #map}, {transform_indices = #map}]} {
    %mul3A = arith.constant 2 : i32
    %mul3A_0 = arith.muli %arg1, %mul3A : i32
    %add3A = arith.addi %mul3A_0, %arg0 : i32
    %mul3A_1 = arith.constant 512 : i32
    %mul3A_2 = arith.muli %add3A, %mul3A_1 : i32
    "tpu.region"() ({
      %run_scoped3A = tpu.sem_alloc : memref<!tpu.dma_semaphore, #tpu.memory_space<semaphore_mem>>
      %dma_start3A_566 = arith.constant 0 : i32
      %dma_start3A_567 = tpu.memref_slice %arg2[%dma_start3A_566, %mul3A_2] : memref<50x16384xi32, #tpu.memory_space<hbm>> -> memref<50x512xi32, #tpu.memory_space<hbm>>
      %dma_start3A_568 = arith.constant 0 : i32
      %dma_start3A_569 = tpu.memref_slice %arg2[%dma_start3A_568, %mul3A_2] : memref<50x16384xi32, #tpu.memory_space<hbm>> -> memref<50x512xi32, #tpu.memory_space<hbm>>
      tpu.enqueue_dma source(%dma_start3A_569 : memref<50x512xi32, #tpu.memory_space<hbm>>) target(%arg5 : memref<50x512xi32, #tpu.memory_space<vmem>>) target_semaphore(%run_scoped3A : memref<!tpu.dma_semaphore, #tpu.memory_space<semaphore_mem>>)
      %dma_wait3A_570 = arith.constant 0 : i32
      %dma_wait3A_571 = tpu.memref_slice %arg2[%dma_wait3A_570, %mul3A_2] : memref<50x16384xi32, #tpu.memory_space<hbm>> -> memref<50x512xi32, #tpu.memory_space<hbm>>
      %dma_wait3A_572 = arith.constant 0 : i32
      %dma_wait3A_573 = tpu.memref_slice %arg2[%dma_wait3A_572, %mul3A_2] : memref<50x16384xi32, #tpu.memory_space<hbm>> -> memref<50x512xi32, #tpu.memory_space<hbm>>
      tpu.wait_dma2 semaphore(%run_scoped3A : memref<!tpu.dma_semaphore, #tpu.memory_space<semaphore_mem>>) src(%dma_wait3A_573 : memref<50x512xi32, #tpu.memory_space<hbm>>) dst(%arg5 : memref<50x512xi32, #tpu.memory_space<vmem>>)
      tpu.yield
    }) : () -> ()
    %dma_start3A = arith.constant 0 : i32
    %dma_start3A_3 = arith.constant 0 : i32
    %dma_start3A_4 = arith.constant 0 : i32
    %dma_start3A_5 = arith.constant 0 : i32
    %dma_start3A_6 = arith.constant 0 : i32
    %dma_start3A_7 = tpu.memref_slice %arg6[%dma_start3A_3, %dma_start3A_5, %dma_start3A_6] : memref<8x64x128xf32, #tpu.memory_space<vmem>> -> memref<1x64x128xf32, #tpu.memory_space<vmem>>
    %dma_start3A_8 = tpu.memref_squeeze %dma_start3A_7 : memref<1x64x128xf32, #tpu.memory_space<vmem>> -> memref<64x128xf32, #tpu.memory_space<vmem>>
    %dma_start3A_9 = arith.constant 0 : i32
    %dma_start3A_10 = tpu.memref_slice %arg5[%dma_start3A, %dma_start3A_9] : memref<50x512xi32, #tpu.memory_space<vmem>> -> memref<1x64xi32, #tpu.memory_space<vmem>>
    %dma_start3A_11 = tpu.memref_squeeze %dma_start3A_10 : memref<1x64xi32, #tpu.memory_space<vmem>> -> memref<64xi32, #tpu.memory_space<vmem>>
    %dma_start3A_12 = arith.constant 0 : i32
    %dma_start3A_13 = arith.constant 0 : i32
    %dma_start3A_14 = tpu.memref_slice %arg3[%dma_start3A_12, %dma_start3A_13] : memref<100000x128xf32, #tpu.memory_space<hbm>> -> memref<100000x128xf32, #tpu.memory_space<hbm>>
    %dma_start3A_15 = tpu.memref_slice %arg7[%dma_start3A_4] : memref<8x!tpu.dma_semaphore, #tpu.memory_space<semaphore_mem>> -> memref<1x!tpu.dma_semaphore, #tpu.memory_space<semaphore_mem>>
    %dma_start3A_16 = tpu.memref_squeeze %dma_start3A_15 : memref<1x!tpu.dma_semaphore, #tpu.memory_space<semaphore_mem>> -> memref<!tpu.dma_semaphore, #tpu.memory_space<semaphore_mem>>
    tpu.enqueue_indirect_dma source(%dma_start3A_14 : memref<100000x128xf32, #tpu.memory_space<hbm>>) target(%dma_start3A_8 : memref<64x128xf32, #tpu.memory_space<vmem>>) offsets(%dma_start3A_11 : memref<64xi32, #tpu.memory_space<vmem>>) semaphore(%dma_start3A_16 : memref<!tpu.dma_semaphore, #tpu.memory_space<semaphore_mem>>)
    %dma_start3A_17 = arith.constant 0 : i32
    %dma_start3A_18 = arith.constant 1 : i32
    %dma_start3A_19 = arith.constant 1 : i32
    %dma_start3A_20 = arith.constant 0 : i32
    %dma_start3A_21 = arith.constant 0 : i32
    %dma_start3A_22 = tpu.memref_slice %arg6[%dma_start3A_18, %dma_start3A_20, %dma_start3A_21] : memref<8x64x128xf32, #tpu.memory_space<vmem>> -> memref<1x64x128xf32, #tpu.memory_space<vmem>>
    %dma_start3A_23 = tpu.memref_squeeze %dma_start3A_22 : memref<1x64x128xf32, #tpu.memory_space<vmem>> -> memref<64x128xf32, #tpu.memory_space<vmem>>
    %dma_start3A_24 = arith.constant 64 : i32
    %dma_start3A_25 = tpu.memref_slice %arg5[%dma_start3A_17, %dma_start3A_24] : memref<50x512xi32, #tpu.memory_space<vmem>> -> memref<1x64xi32, #tpu.memory_space<vmem>>
    %dma_start3A_26 = tpu.memref_squeeze %dma_start3A_25 : memref<1x64xi32, #tpu.memory_space<vmem>> -> memref<64xi32, #tpu.memory_space<vmem>>
    %dma_start3A_27 = arith.constant 0 : i32
    %dma_start3A_28 = arith.constant 0 : i32
    %dma_start3A_29 = tpu.memref_slice %arg3[%dma_start3A_27, %dma_start3A_28] : memref<100000x128xf32, #tpu.memory_space<hbm>> -> memref<100000x128xf32, #tpu.memory_space<hbm>>
    %dma_start3A_30 = tpu.memref_slice %arg7[%dma_start3A_19] : memref<8x!tpu.dma_semaphore, #tpu.memory_space<semaphore_mem>> -> memref<1x!tpu.dma_semaphore, #tpu.memory_space<semaphore_mem>>
    %dma_start3A_31 = tpu.memref_squeeze %dma_start3A_30 : memref<1x!tpu.dma_semaphore, #tpu.memory_space<semaphore_mem>> -> memref<!tpu.dma_semaphore, #tpu.memory_space<semaphore_mem>>
    tpu.enqueue_indirect_dma source(%dma_start3A_29 : memref<100000x128xf32, #tpu.memory_space<hbm>>) target(%dma_start3A_23 : memref<64x128xf32, #tpu.memory_space<vmem>>) offsets(%dma_start3A_26 : memref<64xi32, #tpu.memory_space<vmem>>) semaphore(%dma_start3A_31 : memref<!tpu.dma_semaphore, #tpu.memory_space<semaphore_mem>>)
    %dma_start3A_32 = arith.constant 0 : i32
    %dma_start3A_33 = arith.constant 2 : i32
    %dma_start3A_34 = arith.constant 2 : i32
    %dma_start3A_35 = arith.constant 0 : i32
    %dma_start3A_36 = arith.constant 0 : i32
    %dma_start3A_37 = tpu.memref_slice %arg6[%dma_start3A_33, %dma_start3A_35, %dma_start3A_36] : memref<8x64x128xf32, #tpu.memory_space<vmem>> -> memref<1x64x128xf32, #tpu.memory_space<vmem>>
    %dma_start3A_38 = tpu.memref_squeeze %dma_start3A_37 : memref<1x64x128xf32, #tpu.memory_space<vmem>> -> memref<64x128xf32, #tpu.memory_space<vmem>>
    %dma_start3A_39 = arith.constant 128 : i32
    %dma_start3A_40 = tpu.memref_slice %arg5[%dma_start3A_32, %dma_start3A_39] : memref<50x512xi32, #tpu.memory_space<vmem>> -> memref<1x64xi32, #tpu.memory_space<vmem>>
    %dma_start3A_41 = tpu.memref_squeeze %dma_start3A_40 : memref<1x64xi32, #tpu.memory_space<vmem>> -> memref<64xi32, #tpu.memory_space<vmem>>
    %dma_start3A_42 = arith.constant 0 : i32
    %dma_start3A_43 = arith.constant 0 : i32
    %dma_start3A_44 = tpu.memref_slice %arg3[%dma_start3A_42, %dma_start3A_43] : memref<100000x128xf32, #tpu.memory_space<hbm>> -> memref<100000x128xf32, #tpu.memory_space<hbm>>
    %dma_start3A_45 = tpu.memref_slice %arg7[%dma_start3A_34] : memref<8x!tpu.dma_semaphore, #tpu.memory_space<semaphore_mem>> -> memref<1x!tpu.dma_semaphore, #tpu.memory_space<semaphore_mem>>
    %dma_start3A_46 = tpu.memref_squeeze %dma_start3A_45 : memref<1x!tpu.dma_semaphore, #tpu.memory_space<semaphore_mem>> -> memref<!tpu.dma_semaphore, #tpu.memory_space<semaphore_mem>>
    tpu.enqueue_indirect_dma source(%dma_start3A_44 : memref<100000x128xf32, #tpu.memory_space<hbm>>) target(%dma_start3A_38 : memref<64x128xf32, #tpu.memory_space<vmem>>) offsets(%dma_start3A_41 : memref<64xi32, #tpu.memory_space<vmem>>) semaphore(%dma_start3A_46 : memref<!tpu.dma_semaphore, #tpu.memory_space<semaphore_mem>>)
    %dma_start3A_47 = arith.constant 0 : i32
    %dma_start3A_48 = arith.constant 3 : i32
    %dma_start3A_49 = arith.constant 3 : i32
    %dma_start3A_50 = arith.constant 0 : i32
    %dma_start3A_51 = arith.constant 0 : i32
    %dma_start3A_52 = tpu.memref_slice %arg6[%dma_start3A_48, %dma_start3A_50, %dma_start3A_51] : memref<8x64x128xf32, #tpu.memory_space<vmem>> -> memref<1x64x128xf32, #tpu.memory_space<vmem>>
    %dma_start3A_53 = tpu.memref_squeeze %dma_start3A_52 : memref<1x64x128xf32, #tpu.memory_space<vmem>> -> memref<64x128xf32, #tpu.memory_space<vmem>>
    %dma_start3A_54 = arith.constant 192 : i32
    %dma_start3A_55 = tpu.memref_slice %arg5[%dma_start3A_47, %dma_start3A_54] : memref<50x512xi32, #tpu.memory_space<vmem>> -> memref<1x64xi32, #tpu.memory_space<vmem>>
    %dma_start3A_56 = tpu.memref_squeeze %dma_start3A_55 : memref<1x64xi32, #tpu.memory_space<vmem>> -> memref<64xi32, #tpu.memory_space<vmem>>
    %dma_start3A_57 = arith.constant 0 : i32
    %dma_start3A_58 = arith.constant 0 : i32
    %dma_start3A_59 = tpu.memref_slice %arg3[%dma_start3A_57, %dma_start3A_58] : memref<100000x128xf32, #tpu.memory_space<hbm>> -> memref<100000x128xf32, #tpu.memory_space<hbm>>
    %dma_start3A_60 = tpu.memref_slice %arg7[%dma_start3A_49] : memref<8x!tpu.dma_semaphore, #tpu.memory_space<semaphore_mem>> -> memref<1x!tpu.dma_semaphore, #tpu.memory_space<semaphore_mem>>
    %dma_start3A_61 = tpu.memref_squeeze %dma_start3A_60 : memref<1x!tpu.dma_semaphore, #tpu.memory_space<semaphore_mem>> -> memref<!tpu.dma_semaphore, #tpu.memory_space<semaphore_mem>>
    tpu.enqueue_indirect_dma source(%dma_start3A_59 : memref<100000x128xf32, #tpu.memory_space<hbm>>) target(%dma_start3A_53 : memref<64x128xf32, #tpu.memory_space<vmem>>) offsets(%dma_start3A_56 : memref<64xi32, #tpu.memory_space<vmem>>) semaphore(%dma_start3A_61 : memref<!tpu.dma_semaphore, #tpu.memory_space<semaphore_mem>>)
    %dma_start3A_62 = arith.constant 0 : i32
    %dma_start3A_63 = arith.constant 4 : i32
    %dma_start3A_64 = arith.constant 4 : i32
    %dma_start3A_65 = arith.constant 0 : i32
    %dma_start3A_66 = arith.constant 0 : i32
    %dma_start3A_67 = tpu.memref_slice %arg6[%dma_start3A_63, %dma_start3A_65, %dma_start3A_66] : memref<8x64x128xf32, #tpu.memory_space<vmem>> -> memref<1x64x128xf32, #tpu.memory_space<vmem>>
    %dma_start3A_68 = tpu.memref_squeeze %dma_start3A_67 : memref<1x64x128xf32, #tpu.memory_space<vmem>> -> memref<64x128xf32, #tpu.memory_space<vmem>>
    %dma_start3A_69 = arith.constant 256 : i32
    %dma_start3A_70 = tpu.memref_slice %arg5[%dma_start3A_62, %dma_start3A_69] : memref<50x512xi32, #tpu.memory_space<vmem>> -> memref<1x64xi32, #tpu.memory_space<vmem>>
    %dma_start3A_71 = tpu.memref_squeeze %dma_start3A_70 : memref<1x64xi32, #tpu.memory_space<vmem>> -> memref<64xi32, #tpu.memory_space<vmem>>
    %dma_start3A_72 = arith.constant 0 : i32
    %dma_start3A_73 = arith.constant 0 : i32
    %dma_start3A_74 = tpu.memref_slice %arg3[%dma_start3A_72, %dma_start3A_73] : memref<100000x128xf32, #tpu.memory_space<hbm>> -> memref<100000x128xf32, #tpu.memory_space<hbm>>
    %dma_start3A_75 = tpu.memref_slice %arg7[%dma_start3A_64] : memref<8x!tpu.dma_semaphore, #tpu.memory_space<semaphore_mem>> -> memref<1x!tpu.dma_semaphore, #tpu.memory_space<semaphore_mem>>
    %dma_start3A_76 = tpu.memref_squeeze %dma_start3A_75 : memref<1x!tpu.dma_semaphore, #tpu.memory_space<semaphore_mem>> -> memref<!tpu.dma_semaphore, #tpu.memory_space<semaphore_mem>>
    tpu.enqueue_indirect_dma source(%dma_start3A_74 : memref<100000x128xf32, #tpu.memory_space<hbm>>) target(%dma_start3A_68 : memref<64x128xf32, #tpu.memory_space<vmem>>) offsets(%dma_start3A_71 : memref<64xi32, #tpu.memory_space<vmem>>) semaphore(%dma_start3A_76 : memref<!tpu.dma_semaphore, #tpu.memory_space<semaphore_mem>>)
    %dma_start3A_77 = arith.constant 0 : i32
    %dma_start3A_78 = arith.constant 5 : i32
    %dma_start3A_79 = arith.constant 5 : i32
    %dma_start3A_80 = arith.constant 0 : i32
    %dma_start3A_81 = arith.constant 0 : i32
    %dma_start3A_82 = tpu.memref_slice %arg6[%dma_start3A_78, %dma_start3A_80, %dma_start3A_81] : memref<8x64x128xf32, #tpu.memory_space<vmem>> -> memref<1x64x128xf32, #tpu.memory_space<vmem>>
    %dma_start3A_83 = tpu.memref_squeeze %dma_start3A_82 : memref<1x64x128xf32, #tpu.memory_space<vmem>> -> memref<64x128xf32, #tpu.memory_space<vmem>>
    %dma_start3A_84 = arith.constant 320 : i32
    %dma_start3A_85 = tpu.memref_slice %arg5[%dma_start3A_77, %dma_start3A_84] : memref<50x512xi32, #tpu.memory_space<vmem>> -> memref<1x64xi32, #tpu.memory_space<vmem>>
    %dma_start3A_86 = tpu.memref_squeeze %dma_start3A_85 : memref<1x64xi32, #tpu.memory_space<vmem>> -> memref<64xi32, #tpu.memory_space<vmem>>
    %dma_start3A_87 = arith.constant 0 : i32
    %dma_start3A_88 = arith.constant 0 : i32
    %dma_start3A_89 = tpu.memref_slice %arg3[%dma_start3A_87, %dma_start3A_88] : memref<100000x128xf32, #tpu.memory_space<hbm>> -> memref<100000x128xf32, #tpu.memory_space<hbm>>
    %dma_start3A_90 = tpu.memref_slice %arg7[%dma_start3A_79] : memref<8x!tpu.dma_semaphore, #tpu.memory_space<semaphore_mem>> -> memref<1x!tpu.dma_semaphore, #tpu.memory_space<semaphore_mem>>
    %dma_start3A_91 = tpu.memref_squeeze %dma_start3A_90 : memref<1x!tpu.dma_semaphore, #tpu.memory_space<semaphore_mem>> -> memref<!tpu.dma_semaphore, #tpu.memory_space<semaphore_mem>>
    tpu.enqueue_indirect_dma source(%dma_start3A_89 : memref<100000x128xf32, #tpu.memory_space<hbm>>) target(%dma_start3A_83 : memref<64x128xf32, #tpu.memory_space<vmem>>) offsets(%dma_start3A_86 : memref<64xi32, #tpu.memory_space<vmem>>) semaphore(%dma_start3A_91 : memref<!tpu.dma_semaphore, #tpu.memory_space<semaphore_mem>>)
    %dma_start3A_92 = arith.constant 0 : i32
    %dma_start3A_93 = arith.constant 6 : i32
    %dma_start3A_94 = arith.constant 6 : i32
    %dma_start3A_95 = arith.constant 0 : i32
    %dma_start3A_96 = arith.constant 0 : i32
    %dma_start3A_97 = tpu.memref_slice %arg6[%dma_start3A_93, %dma_start3A_95, %dma_start3A_96] : memref<8x64x128xf32, #tpu.memory_space<vmem>> -> memref<1x64x128xf32, #tpu.memory_space<vmem>>
    %dma_start3A_98 = tpu.memref_squeeze %dma_start3A_97 : memref<1x64x128xf32, #tpu.memory_space<vmem>> -> memref<64x128xf32, #tpu.memory_space<vmem>>
    %dma_start3A_99 = arith.constant 384 : i32
    %dma_start3A_100 = tpu.memref_slice %arg5[%dma_start3A_92, %dma_start3A_99] : memref<50x512xi32, #tpu.memory_space<vmem>> -> memref<1x64xi32, #tpu.memory_space<vmem>>
    %dma_start3A_101 = tpu.memref_squeeze %dma_start3A_100 : memref<1x64xi32, #tpu.memory_space<vmem>> -> memref<64xi32, #tpu.memory_space<vmem>>
    %dma_start3A_102 = arith.constant 0 : i32
    %dma_start3A_103 = arith.constant 0 : i32
    %dma_start3A_104 = tpu.memref_slice %arg3[%dma_start3A_102, %dma_start3A_103] : memref<100000x128xf32, #tpu.memory_space<hbm>> -> memref<100000x128xf32, #tpu.memory_space<hbm>>
    %dma_start3A_105 = tpu.memref_slice %arg7[%dma_start3A_94] : memref<8x!tpu.dma_semaphore, #tpu.memory_space<semaphore_mem>> -> memref<1x!tpu.dma_semaphore, #tpu.memory_space<semaphore_mem>>
    %dma_start3A_106 = tpu.memref_squeeze %dma_start3A_105 : memref<1x!tpu.dma_semaphore, #tpu.memory_space<semaphore_mem>> -> memref<!tpu.dma_semaphore, #tpu.memory_space<semaphore_mem>>
    tpu.enqueue_indirect_dma source(%dma_start3A_104 : memref<100000x128xf32, #tpu.memory_space<hbm>>) target(%dma_start3A_98 : memref<64x128xf32, #tpu.memory_space<vmem>>) offsets(%dma_start3A_101 : memref<64xi32, #tpu.memory_space<vmem>>) semaphore(%dma_start3A_106 : memref<!tpu.dma_semaphore, #tpu.memory_space<semaphore_mem>>)
    %dma_start3A_107 = arith.constant 0 : i32
    %dma_start3A_108 = arith.constant 7 : i32
    %dma_start3A_109 = arith.constant 7 : i32
    %dma_start3A_110 = arith.constant 0 : i32
    %dma_start3A_111 = arith.constant 0 : i32
    %dma_start3A_112 = tpu.memref_slice %arg6[%dma_start3A_108, %dma_start3A_110, %dma_start3A_111] : memref<8x64x128xf32, #tpu.memory_space<vmem>> -> memref<1x64x128xf32, #tpu.memory_space<vmem>>
    %dma_start3A_113 = tpu.memref_squeeze %dma_start3A_112 : memref<1x64x128xf32, #tpu.memory_space<vmem>> -> memref<64x128xf32, #tpu.memory_space<vmem>>
    %dma_start3A_114 = arith.constant 448 : i32
    %dma_start3A_115 = tpu.memref_slice %arg5[%dma_start3A_107, %dma_start3A_114] : memref<50x512xi32, #tpu.memory_space<vmem>> -> memref<1x64xi32, #tpu.memory_space<vmem>>
    %dma_start3A_116 = tpu.memref_squeeze %dma_start3A_115 : memref<1x64xi32, #tpu.memory_space<vmem>> -> memref<64xi32, #tpu.memory_space<vmem>>
    %dma_start3A_117 = arith.constant 0 : i32
    %dma_start3A_118 = arith.constant 0 : i32
    %dma_start3A_119 = tpu.memref_slice %arg3[%dma_start3A_117, %dma_start3A_118] : memref<100000x128xf32, #tpu.memory_space<hbm>> -> memref<100000x128xf32, #tpu.memory_space<hbm>>
    %dma_start3A_120 = tpu.memref_slice %arg7[%dma_start3A_109] : memref<8x!tpu.dma_semaphore, #tpu.memory_space<semaphore_mem>> -> memref<1x!tpu.dma_semaphore, #tpu.memory_space<semaphore_mem>>
    %dma_start3A_121 = tpu.memref_squeeze %dma_start3A_120 : memref<1x!tpu.dma_semaphore, #tpu.memory_space<semaphore_mem>> -> memref<!tpu.dma_semaphore, #tpu.memory_space<semaphore_mem>>
    tpu.enqueue_indirect_dma source(%dma_start3A_119 : memref<100000x128xf32, #tpu.memory_space<hbm>>) target(%dma_start3A_113 : memref<64x128xf32, #tpu.memory_space<vmem>>) offsets(%dma_start3A_116 : memref<64xi32, #tpu.memory_space<vmem>>) semaphore(%dma_start3A_121 : memref<!tpu.dma_semaphore, #tpu.memory_space<semaphore_mem>>)
    %scan3A = arith.constant 0 : i32
    %scan3A_122 = arith.constant 0 : i32
    %scan3A_123 = arith.constant 49 : i32
    %scan3A_124 = arith.addi %scan3A_122, %scan3A_123 : i32
    %scan3A_125 = arith.constant 1 : i32
    scf.for %scan3A_566 = %scan3A_122 to %scan3A_124 step %scan3A_125  : i32 {
      %mul3A_567 = arith.constant 8 : i32
      %mul3A_568 = arith.muli %scan3A_566, %mul3A_567 : i32
      %add3A_569 = arith.constant 0 : i32
      %add3A_570 = arith.addi %mul3A_568, %add3A_569 : i32
      %dma_wait3A_571 = arith.constant 0 : i32
      %dma_wait3A_572 = arith.constant 0 : i32
      %dma_wait3A_573 = arith.constant 0 : i32
      %dma_wait3A_574 = arith.constant 0 : i32
      %dma_wait3A_575 = arith.constant 0 : i32
      %dma_wait3A_576 = tpu.memref_slice %arg6[%dma_wait3A_572, %dma_wait3A_574, %dma_wait3A_575] : memref<8x64x128xf32, #tpu.memory_space<vmem>> -> memref<1x64x128xf32, #tpu.memory_space<vmem>>
      %dma_wait3A_577 = tpu.memref_squeeze %dma_wait3A_576 : memref<1x64x128xf32, #tpu.memory_space<vmem>> -> memref<64x128xf32, #tpu.memory_space<vmem>>
      %dma_wait3A_578 = arith.constant 0 : i32
      %dma_wait3A_579 = tpu.memref_slice %arg5[%dma_wait3A_571, %dma_wait3A_578] : memref<50x512xi32, #tpu.memory_space<vmem>> -> memref<1x64xi32, #tpu.memory_space<vmem>>
      %dma_wait3A_580 = tpu.memref_squeeze %dma_wait3A_579 : memref<1x64xi32, #tpu.memory_space<vmem>> -> memref<64xi32, #tpu.memory_space<vmem>>
      %dma_wait3A_581 = arith.constant 0 : i32
      %dma_wait3A_582 = arith.constant 0 : i32
      %dma_wait3A_583 = tpu.memref_slice %arg3[%dma_wait3A_581, %dma_wait3A_582] : memref<100000x128xf32, #tpu.memory_space<hbm>> -> memref<100000x128xf32, #tpu.memory_space<hbm>>
      %dma_wait3A_584 = tpu.memref_slice %arg7[%dma_wait3A_573] : memref<8x!tpu.dma_semaphore, #tpu.memory_space<semaphore_mem>> -> memref<1x!tpu.dma_semaphore, #tpu.memory_space<semaphore_mem>>
      %dma_wait3A_585 = tpu.memref_squeeze %dma_wait3A_584 : memref<1x!tpu.dma_semaphore, #tpu.memory_space<semaphore_mem>> -> memref<!tpu.dma_semaphore, #tpu.memory_space<semaphore_mem>>
      tpu.wait_indirect_dma semaphore(%dma_wait3A_585 : memref<!tpu.dma_semaphore, #tpu.memory_space<semaphore_mem>>) src(%dma_wait3A_583 : memref<100000x128xf32, #tpu.memory_space<hbm>>) dst(%dma_wait3A_577 : memref<64x128xf32, #tpu.memory_space<vmem>>)
      %jit3A = arith.constant 8 : i32
      %div3A = arith.divsi %add3A_570, %jit3A : i32
      %sign3A = arith.constant 0 : i32
      %sign3A_586 = arith.cmpi sgt, %add3A_570, %sign3A : i32
      %sign3A_587 = arith.extui %sign3A_586 : i1 to i32
      %sign3A_588 = arith.constant 0 : i32
      %sign3A_589 = arith.cmpi slt, %add3A_570, %sign3A_588 : i32
      %sign3A_590 = arith.extui %sign3A_589 : i1 to i32
      %sign3A_591 = arith.subi %sign3A_587, %sign3A_590 : i32
      %sign3A_592 = arith.constant 0 : i32
      %sign3A_593 = arith.cmpi sgt, %jit3A, %sign3A_592 : i32
      %sign3A_594 = arith.extui %sign3A_593 : i1 to i32
      %sign3A_595 = arith.constant 0 : i32
      %sign3A_596 = arith.cmpi slt, %jit3A, %sign3A_595 : i32
      %sign3A_597 = arith.extui %sign3A_596 : i1 to i32
      %sign3A_598 = arith.subi %sign3A_594, %sign3A_597 : i32
      %ne3A = arith.cmpi ne, %sign3A_591, %sign3A_598 : i32
      %rem3A = arith.remsi %add3A_570, %jit3A : i32
      %ne3A_599 = arith.constant 0 : i32
      %ne3A_600 = arith.cmpi ne, %rem3A, %ne3A_599 : i32
      %and3A = arith.andi %ne3A, %ne3A_600 : i1
      %sub3A = arith.constant 1 : i32
      %sub3A_601 = arith.subi %div3A, %sub3A : i32
      %select_n3A = arith.select %and3A, %sub3A_601, %div3A : i32
      %jit3A_602 = arith.constant 8 : i32
      %eq3A = arith.constant 0 : i32
      %eq3A_603 = arith.cmpi eq, %jit3A_602, %eq3A : i32
      %jit3A_604 = arith.constant 1 : i32
      %select_n3A_605 = arith.select %eq3A_603, %jit3A_604, %jit3A_602 : i32
      %rem3A_606 = arith.remsi %add3A_570, %select_n3A_605 : i32
      %ne3A_607 = arith.constant 0 : i32
      %ne3A_608 = arith.cmpi ne, %rem3A_606, %ne3A_607 : i32
      %lt3A = arith.constant 0 : i32
      %lt3A_609 = arith.cmpi slt, %rem3A_606, %lt3A : i32
      %lt3A_610 = arith.constant 0 : i32
      %lt3A_611 = arith.cmpi slt, %select_n3A_605, %lt3A_610 : i32
      %ne3A_612 = arith.xori %lt3A_609, %lt3A_611 : i1
      %and3A_613 = arith.andi %ne3A_612, %ne3A_608 : i1
      %add3A_614 = arith.addi %rem3A_606, %select_n3A_605 : i32
      %select_n3A_615 = arith.select %and3A_613, %add3A_614, %rem3A_606 : i32
      %mul3A_616 = arith.constant 16384 : i32
      %mul3A_617 = arith.muli %select_n3A, %mul3A_616 : i32
      %add3A_618 = arith.addi %mul3A_617, %mul3A_2 : i32
      %mul3A_619 = arith.constant 64 : i32
      %mul3A_620 = arith.muli %select_n3A_615, %mul3A_619 : i32
      %add3A_621 = arith.addi %add3A_618, %mul3A_620 : i32
      %dma_start3A_622 = arith.constant 0 : i32
      %dma_start3A_623 = arith.constant 0 : i32
      %dma_start3A_624 = arith.constant 0 : i32
      %dma_start3A_625 = arith.constant 0 : i32
      %dma_start3A_626 = tpu.memref_slice %arg6[%dma_start3A_622, %dma_start3A_624, %dma_start3A_625] : memref<8x64x128xf32, #tpu.memory_space<vmem>> -> memref<1x64x128xf32, #tpu.memory_space<vmem>>
      %dma_start3A_627 = tpu.memref_squeeze %dma_start3A_626 : memref<1x64x128xf32, #tpu.memory_space<vmem>> -> memref<64x128xf32, #tpu.memory_space<vmem>>
      %dma_start3A_628 = arith.constant 0 : i32
      %dma_start3A_629 = tpu.memref_slice %arg4[%add3A_621, %dma_start3A_628] : memref<819200x128xf32, #tpu.memory_space<hbm>> -> memref<64x128xf32, #tpu.memory_space<hbm>>
      %dma_start3A_630 = tpu.memref_slice %arg8[%dma_start3A_623] : memref<8x!tpu.dma_semaphore, #tpu.memory_space<semaphore_mem>> -> memref<1x!tpu.dma_semaphore, #tpu.memory_space<semaphore_mem>>
      %dma_start3A_631 = tpu.memref_squeeze %dma_start3A_630 : memref<1x!tpu.dma_semaphore, #tpu.memory_space<semaphore_mem>> -> memref<!tpu.dma_semaphore, #tpu.memory_space<semaphore_mem>>
      %dma_start3A_632 = arith.constant 0 : i32
      %dma_start3A_633 = tpu.memref_slice %arg4[%add3A_621, %dma_start3A_632] : memref<819200x128xf32, #tpu.memory_space<hbm>> -> memref<64x128xf32, #tpu.memory_space<hbm>>
      %dma_start3A_634 = arith.constant 0 : i32
      %dma_start3A_635 = arith.constant 0 : i32
      %dma_start3A_636 = tpu.memref_slice %arg6[%dma_start3A_622, %dma_start3A_634, %dma_start3A_635] : memref<8x64x128xf32, #tpu.memory_space<vmem>> -> memref<1x64x128xf32, #tpu.memory_space<vmem>>
      %dma_start3A_637 = tpu.memref_squeeze %dma_start3A_636 : memref<1x64x128xf32, #tpu.memory_space<vmem>> -> memref<64x128xf32, #tpu.memory_space<vmem>>
      tpu.enqueue_dma source(%dma_start3A_637 : memref<64x128xf32, #tpu.memory_space<vmem>>) target(%dma_start3A_633 : memref<64x128xf32, #tpu.memory_space<hbm>>) target_semaphore(%dma_start3A_631 : memref<!tpu.dma_semaphore, #tpu.memory_space<semaphore_mem>>)
      %add3A_638 = arith.constant 1 : i32
      %add3A_639 = arith.addi %mul3A_568, %add3A_638 : i32
      %dma_wait3A_640 = arith.constant 0 : i32
      %dma_wait3A_641 = arith.constant 1 : i32
      %dma_wait3A_642 = arith.constant 1 : i32
      %dma_wait3A_643 = arith.constant 0 : i32
      %dma_wait3A_644 = arith.constant 0 : i32
      %dma_wait3A_645 = tpu.memref_slice %arg6[%dma_wait3A_641, %dma_wait3A_643, %dma_wait3A_644] : memref<8x64x128xf32, #tpu.memory_space<vmem>> -> memref<1x64x128xf32, #tpu.memory_space<vmem>>
      %dma_wait3A_646 = tpu.memref_squeeze %dma_wait3A_645 : memref<1x64x128xf32, #tpu.memory_space<vmem>> -> memref<64x128xf32, #tpu.memory_space<vmem>>
      %dma_wait3A_647 = arith.constant 0 : i32
      %dma_wait3A_648 = tpu.memref_slice %arg5[%dma_wait3A_640, %dma_wait3A_647] : memref<50x512xi32, #tpu.memory_space<vmem>> -> memref<1x64xi32, #tpu.memory_space<vmem>>
      %dma_wait3A_649 = tpu.memref_squeeze %dma_wait3A_648 : memref<1x64xi32, #tpu.memory_space<vmem>> -> memref<64xi32, #tpu.memory_space<vmem>>
      %dma_wait3A_650 = arith.constant 0 : i32
      %dma_wait3A_651 = arith.constant 0 : i32
      %dma_wait3A_652 = tpu.memref_slice %arg3[%dma_wait3A_650, %dma_wait3A_651] : memref<100000x128xf32, #tpu.memory_space<hbm>> -> memref<100000x128xf32, #tpu.memory_space<hbm>>
      %dma_wait3A_653 = tpu.memref_slice %arg7[%dma_wait3A_642] : memref<8x!tpu.dma_semaphore, #tpu.memory_space<semaphore_mem>> -> memref<1x!tpu.dma_semaphore, #tpu.memory_space<semaphore_mem>>
      %dma_wait3A_654 = tpu.memref_squeeze %dma_wait3A_653 : memref<1x!tpu.dma_semaphore, #tpu.memory_space<semaphore_mem>> -> memref<!tpu.dma_semaphore, #tpu.memory_space<semaphore_mem>>
      tpu.wait_indirect_dma semaphore(%dma_wait3A_654 : memref<!tpu.dma_semaphore, #tpu.memory_space<semaphore_mem>>) src(%dma_wait3A_652 : memref<100000x128xf32, #tpu.memory_space<hbm>>) dst(%dma_wait3A_646 : memref<64x128xf32, #tpu.memory_space<vmem>>)
      %jit3A_655 = arith.constant 8 : i32
      %div3A_656 = arith.divsi %add3A_639, %jit3A_655 : i32
      %sign3A_657 = arith.constant 0 : i32
      %sign3A_658 = arith.cmpi sgt, %add3A_639, %sign3A_657 : i32
      %sign3A_659 = arith.extui %sign3A_658 : i1 to i32
      %sign3A_660 = arith.constant 0 : i32
      %sign3A_661 = arith.cmpi slt, %add3A_639, %sign3A_660 : i32
      %sign3A_662 = arith.extui %sign3A_661 : i1 to i32
      %sign3A_663 = arith.subi %sign3A_659, %sign3A_662 : i32
      %sign3A_664 = arith.constant 0 : i32
      %sign3A_665 = arith.cmpi sgt, %jit3A_655, %sign3A_664 : i32
      %sign3A_666 = arith.extui %sign3A_665 : i1 to i32
      %sign3A_667 = arith.constant 0 : i32
      %sign3A_668 = arith.cmpi slt, %jit3A_655, %sign3A_667 : i32
      %sign3A_669 = arith.extui %sign3A_668 : i1 to i32
      %sign3A_670 = arith.subi %sign3A_666, %sign3A_669 : i32
      %ne3A_671 = arith.cmpi ne, %sign3A_663, %sign3A_670 : i32
      %rem3A_672 = arith.remsi %add3A_639, %jit3A_655 : i32
      %ne3A_673 = arith.constant 0 : i32
      %ne3A_674 = arith.cmpi ne, %rem3A_672, %ne3A_673 : i32
      %and3A_675 = arith.andi %ne3A_671, %ne3A_674 : i1
      %sub3A_676 = arith.constant 1 : i32
      %sub3A_677 = arith.subi %div3A_656, %sub3A_676 : i32
      %select_n3A_678 = arith.select %and3A_675, %sub3A_677, %div3A_656 : i32
      %jit3A_679 = arith.constant 8 : i32
      %eq3A_680 = arith.constant 0 : i32
      %eq3A_681 = arith.cmpi eq, %jit3A_679, %eq3A_680 : i32
      %jit3A_682 = arith.constant 1 : i32
      %select_n3A_683 = arith.select %eq3A_681, %jit3A_682, %jit3A_679 : i32
      %rem3A_684 = arith.remsi %add3A_639, %select_n3A_683 : i32
      %ne3A_685 = arith.constant 0 : i32
      %ne3A_686 = arith.cmpi ne, %rem3A_684, %ne3A_685 : i32
      %lt3A_687 = arith.constant 0 : i32
      %lt3A_688 = arith.cmpi slt, %rem3A_684, %lt3A_687 : i32
      %lt3A_689 = arith.constant 0 : i32
      %lt3A_690 = arith.cmpi slt, %select_n3A_683, %lt3A_689 : i32
      %ne3A_691 = arith.xori %lt3A_688, %lt3A_690 : i1
      %and3A_692 = arith.andi %ne3A_691, %ne3A_686 : i1
      %add3A_693 = arith.addi %rem3A_684, %select_n3A_683 : i32
      %select_n3A_694 = arith.select %and3A_692, %add3A_693, %rem3A_684 : i32
      %mul3A_695 = arith.constant 16384 : i32
      %mul3A_696 = arith.muli %select_n3A_678, %mul3A_695 : i32
      %add3A_697 = arith.addi %mul3A_696, %mul3A_2 : i32
      %mul3A_698 = arith.constant 64 : i32
      %mul3A_699 = arith.muli %select_n3A_694, %mul3A_698 : i32
      %add3A_700 = arith.addi %add3A_697, %mul3A_699 : i32
      %dma_start3A_701 = arith.constant 1 : i32
      %dma_start3A_702 = arith.constant 1 : i32
      %dma_start3A_703 = arith.constant 0 : i32
      %dma_start3A_704 = arith.constant 0 : i32
      %dma_start3A_705 = tpu.memref_slice %arg6[%dma_start3A_701, %dma_start3A_703, %dma_start3A_704] : memref<8x64x128xf32, #tpu.memory_space<vmem>> -> memref<1x64x128xf32, #tpu.memory_space<vmem>>
      %dma_start3A_706 = tpu.memref_squeeze %dma_start3A_705 : memref<1x64x128xf32, #tpu.memory_space<vmem>> -> memref<64x128xf32, #tpu.memory_space<vmem>>
      %dma_start3A_707 = arith.constant 0 : i32
      %dma_start3A_708 = tpu.memref_slice %arg4[%add3A_700, %dma_start3A_707] : memref<819200x128xf32, #tpu.memory_space<hbm>> -> memref<64x128xf32, #tpu.memory_space<hbm>>
      %dma_start3A_709 = tpu.memref_slice %arg8[%dma_start3A_702] : memref<8x!tpu.dma_semaphore, #tpu.memory_space<semaphore_mem>> -> memref<1x!tpu.dma_semaphore, #tpu.memory_space<semaphore_mem>>
      %dma_start3A_710 = tpu.memref_squeeze %dma_start3A_709 : memref<1x!tpu.dma_semaphore, #tpu.memory_space<semaphore_mem>> -> memref<!tpu.dma_semaphore, #tpu.memory_space<semaphore_mem>>
      %dma_start3A_711 = arith.constant 0 : i32
      %dma_start3A_712 = tpu.memref_slice %arg4[%add3A_700, %dma_start3A_711] : memref<819200x128xf32, #tpu.memory_space<hbm>> -> memref<64x128xf32, #tpu.memory_space<hbm>>
      %dma_start3A_713 = arith.constant 0 : i32
      %dma_start3A_714 = arith.constant 0 : i32
      %dma_start3A_715 = tpu.memref_slice %arg6[%dma_start3A_701, %dma_start3A_713, %dma_start3A_714] : memref<8x64x128xf32, #tpu.memory_space<vmem>> -> memref<1x64x128xf32, #tpu.memory_space<vmem>>
      %dma_start3A_716 = tpu.memref_squeeze %dma_start3A_715 : memref<1x64x128xf32, #tpu.memory_space<vmem>> -> memref<64x128xf32, #tpu.memory_space<vmem>>
      tpu.enqueue_dma source(%dma_start3A_716 : memref<64x128xf32, #tpu.memory_space<vmem>>) target(%dma_start3A_712 : memref<64x128xf32, #tpu.memory_space<hbm>>) target_semaphore(%dma_start3A_710 : memref<!tpu.dma_semaphore, #tpu.memory_space<semaphore_mem>>)
      %add3A_717 = arith.constant 2 : i32
      %add3A_718 = arith.addi %mul3A_568, %add3A_717 : i32
      %dma_wait3A_719 = arith.constant 0 : i32
      %dma_wait3A_720 = arith.constant 2 : i32
      %dma_wait3A_721 = arith.constant 2 : i32
      %dma_wait3A_722 = arith.constant 0 : i32
      %dma_wait3A_723 = arith.constant 0 : i32
      %dma_wait3A_724 = tpu.memref_slice %arg6[%dma_wait3A_720, %dma_wait3A_722, %dma_wait3A_723] : memref<8x64x128xf32, #tpu.memory_space<vmem>> -> memref<1x64x128xf32, #tpu.memory_space<vmem>>
      %dma_wait3A_725 = tpu.memref_squeeze %dma_wait3A_724 : memref<1x64x128xf32, #tpu.memory_space<vmem>> -> memref<64x128xf32, #tpu.memory_space<vmem>>
      %dma_wait3A_726 = arith.constant 0 : i32
      %dma_wait3A_727 = tpu.memref_slice %arg5[%dma_wait3A_719, %dma_wait3A_726] : memref<50x512xi32, #tpu.memory_space<vmem>> -> memref<1x64xi32, #tpu.memory_space<vmem>>
      %dma_wait3A_728 = tpu.memref_squeeze %dma_wait3A_727 : memref<1x64xi32, #tpu.memory_space<vmem>> -> memref<64xi32, #tpu.memory_space<vmem>>
      %dma_wait3A_729 = arith.constant 0 : i32
      %dma_wait3A_730 = arith.constant 0 : i32
      %dma_wait3A_731 = tpu.memref_slice %arg3[%dma_wait3A_729, %dma_wait3A_730] : memref<100000x128xf32, #tpu.memory_space<hbm>> -> memref<100000x128xf32, #tpu.memory_space<hbm>>
      %dma_wait3A_732 = tpu.memref_slice %arg7[%dma_wait3A_721] : memref<8x!tpu.dma_semaphore, #tpu.memory_space<semaphore_mem>> -> memref<1x!tpu.dma_semaphore, #tpu.memory_space<semaphore_mem>>
      %dma_wait3A_733 = tpu.memref_squeeze %dma_wait3A_732 : memref<1x!tpu.dma_semaphore, #tpu.memory_space<semaphore_mem>> -> memref<!tpu.dma_semaphore, #tpu.memory_space<semaphore_mem>>
      tpu.wait_indirect_dma semaphore(%dma_wait3A_733 : memref<!tpu.dma_semaphore, #tpu.memory_space<semaphore_mem>>) src(%dma_wait3A_731 : memref<100000x128xf32, #tpu.memory_space<hbm>>) dst(%dma_wait3A_725 : memref<64x128xf32, #tpu.memory_space<vmem>>)
      %jit3A_734 = arith.constant 8 : i32
      %div3A_735 = arith.divsi %add3A_718, %jit3A_734 : i32
      %sign3A_736 = arith.constant 0 : i32
      %sign3A_737 = arith.cmpi sgt, %add3A_718, %sign3A_736 : i32
      %sign3A_738 = arith.extui %sign3A_737 : i1 to i32
      %sign3A_739 = arith.constant 0 : i32
      %sign3A_740 = arith.cmpi slt, %add3A_718, %sign3A_739 : i32
      %sign3A_741 = arith.extui %sign3A_740 : i1 to i32
      %sign3A_742 = arith.subi %sign3A_738, %sign3A_741 : i32
      %sign3A_743 = arith.constant 0 : i32
      %sign3A_744 = arith.cmpi sgt, %jit3A_734, %sign3A_743 : i32
      %sign3A_745 = arith.extui %sign3A_744 : i1 to i32
      %sign3A_746 = arith.constant 0 : i32
      %sign3A_747 = arith.cmpi slt, %jit3A_734, %sign3A_746 : i32
      %sign3A_748 = arith.extui %sign3A_747 : i1 to i32
      %sign3A_749 = arith.subi %sign3A_745, %sign3A_748 : i32
      %ne3A_750 = arith.cmpi ne, %sign3A_742, %sign3A_749 : i32
      %rem3A_751 = arith.remsi %add3A_718, %jit3A_734 : i32
      %ne3A_752 = arith.constant 0 : i32
      %ne3A_753 = arith.cmpi ne, %rem3A_751, %ne3A_752 : i32
      %and3A_754 = arith.andi %ne3A_750, %ne3A_753 : i1
      %sub3A_755 = arith.constant 1 : i32
      %sub3A_756 = arith.subi %div3A_735, %sub3A_755 : i32
      %select_n3A_757 = arith.select %and3A_754, %sub3A_756, %div3A_735 : i32
      %jit3A_758 = arith.constant 8 : i32
      %eq3A_759 = arith.constant 0 : i32
      %eq3A_760 = arith.cmpi eq, %jit3A_758, %eq3A_759 : i32
      %jit3A_761 = arith.constant 1 : i32
      %select_n3A_762 = arith.select %eq3A_760, %jit3A_761, %jit3A_758 : i32
      %rem3A_763 = arith.remsi %add3A_718, %select_n3A_762 : i32
      %ne3A_764 = arith.constant 0 : i32
      %ne3A_765 = arith.cmpi ne, %rem3A_763, %ne3A_764 : i32
      %lt3A_766 = arith.constant 0 : i32
      %lt3A_767 = arith.cmpi slt, %rem3A_763, %lt3A_766 : i32
      %lt3A_768 = arith.constant 0 : i32
      %lt3A_769 = arith.cmpi slt, %select_n3A_762, %lt3A_768 : i32
      %ne3A_770 = arith.xori %lt3A_767, %lt3A_769 : i1
      %and3A_771 = arith.andi %ne3A_770, %ne3A_765 : i1
      %add3A_772 = arith.addi %rem3A_763, %select_n3A_762 : i32
      %select_n3A_773 = arith.select %and3A_771, %add3A_772, %rem3A_763 : i32
      %mul3A_774 = arith.constant 16384 : i32
      %mul3A_775 = arith.muli %select_n3A_757, %mul3A_774 : i32
      %add3A_776 = arith.addi %mul3A_775, %mul3A_2 : i32
      %mul3A_777 = arith.constant 64 : i32
      %mul3A_778 = arith.muli %select_n3A_773, %mul3A_777 : i32
      %add3A_779 = arith.addi %add3A_776, %mul3A_778 : i32
      %dma_start3A_780 = arith.constant 2 : i32
      %dma_start3A_781 = arith.constant 2 : i32
      %dma_start3A_782 = arith.constant 0 : i32
      %dma_start3A_783 = arith.constant 0 : i32
      %dma_start3A_784 = tpu.memref_slice %arg6[%dma_start3A_780, %dma_start3A_782, %dma_start3A_783] : memref<8x64x128xf32, #tpu.memory_space<vmem>> -> memref<1x64x128xf32, #tpu.memory_space<vmem>>
      %dma_start3A_785 = tpu.memref_squeeze %dma_start3A_784 : memref<1x64x128xf32, #tpu.memory_space<vmem>> -> memref<64x128xf32, #tpu.memory_space<vmem>>
      %dma_start3A_786 = arith.constant 0 : i32
      %dma_start3A_787 = tpu.memref_slice %arg4[%add3A_779, %dma_start3A_786] : memref<819200x128xf32, #tpu.memory_space<hbm>> -> memref<64x128xf32, #tpu.memory_space<hbm>>
      %dma_start3A_788 = tpu.memref_slice %arg8[%dma_start3A_781] : memref<8x!tpu.dma_semaphore, #tpu.memory_space<semaphore_mem>> -> memref<1x!tpu.dma_semaphore, #tpu.memory_space<semaphore_mem>>
      %dma_start3A_789 = tpu.memref_squeeze %dma_start3A_788 : memref<1x!tpu.dma_semaphore, #tpu.memory_space<semaphore_mem>> -> memref<!tpu.dma_semaphore, #tpu.memory_space<semaphore_mem>>
      %dma_start3A_790 = arith.constant 0 : i32
      %dma_start3A_791 = tpu.memref_slice %arg4[%add3A_779, %dma_start3A_790] : memref<819200x128xf32, #tpu.memory_space<hbm>> -> memref<64x128xf32, #tpu.memory_space<hbm>>
      %dma_start3A_792 = arith.constant 0 : i32
      %dma_start3A_793 = arith.constant 0 : i32
      %dma_start3A_794 = tpu.memref_slice %arg6[%dma_start3A_780, %dma_start3A_792, %dma_start3A_793] : memref<8x64x128xf32, #tpu.memory_space<vmem>> -> memref<1x64x128xf32, #tpu.memory_space<vmem>>
      %dma_start3A_795 = tpu.memref_squeeze %dma_start3A_794 : memref<1x64x128xf32, #tpu.memory_space<vmem>> -> memref<64x128xf32, #tpu.memory_space<vmem>>
      tpu.enqueue_dma source(%dma_start3A_795 : memref<64x128xf32, #tpu.memory_space<vmem>>) target(%dma_start3A_791 : memref<64x128xf32, #tpu.memory_space<hbm>>) target_semaphore(%dma_start3A_789 : memref<!tpu.dma_semaphore, #tpu.memory_space<semaphore_mem>>)
      %add3A_796 = arith.constant 3 : i32
      %add3A_797 = arith.addi %mul3A_568, %add3A_796 : i32
      %dma_wait3A_798 = arith.constant 0 : i32
      %dma_wait3A_799 = arith.constant 3 : i32
      %dma_wait3A_800 = arith.constant 3 : i32
      %dma_wait3A_801 = arith.constant 0 : i32
      %dma_wait3A_802 = arith.constant 0 : i32
      %dma_wait3A_803 = tpu.memref_slice %arg6[%dma_wait3A_799, %dma_wait3A_801, %dma_wait3A_802] : memref<8x64x128xf32, #tpu.memory_space<vmem>> -> memref<1x64x128xf32, #tpu.memory_space<vmem>>
      %dma_wait3A_804 = tpu.memref_squeeze %dma_wait3A_803 : memref<1x64x128xf32, #tpu.memory_space<vmem>> -> memref<64x128xf32, #tpu.memory_space<vmem>>
      %dma_wait3A_805 = arith.constant 0 : i32
      %dma_wait3A_806 = tpu.memref_slice %arg5[%dma_wait3A_798, %dma_wait3A_805] : memref<50x512xi32, #tpu.memory_space<vmem>> -> memref<1x64xi32, #tpu.memory_space<vmem>>
      %dma_wait3A_807 = tpu.memref_squeeze %dma_wait3A_806 : memref<1x64xi32, #tpu.memory_space<vmem>> -> memref<64xi32, #tpu.memory_space<vmem>>
      %dma_wait3A_808 = arith.constant 0 : i32
      %dma_wait3A_809 = arith.constant 0 : i32
      %dma_wait3A_810 = tpu.memref_slice %arg3[%dma_wait3A_808, %dma_wait3A_809] : memref<100000x128xf32, #tpu.memory_space<hbm>> -> memref<100000x128xf32, #tpu.memory_space<hbm>>
      %dma_wait3A_811 = tpu.memref_slice %arg7[%dma_wait3A_800] : memref<8x!tpu.dma_semaphore, #tpu.memory_space<semaphore_mem>> -> memref<1x!tpu.dma_semaphore, #tpu.memory_space<semaphore_mem>>
      %dma_wait3A_812 = tpu.memref_squeeze %dma_wait3A_811 : memref<1x!tpu.dma_semaphore, #tpu.memory_space<semaphore_mem>> -> memref<!tpu.dma_semaphore, #tpu.memory_space<semaphore_mem>>
      tpu.wait_indirect_dma semaphore(%dma_wait3A_812 : memref<!tpu.dma_semaphore, #tpu.memory_space<semaphore_mem>>) src(%dma_wait3A_810 : memref<100000x128xf32, #tpu.memory_space<hbm>>) dst(%dma_wait3A_804 : memref<64x128xf32, #tpu.memory_space<vmem>>)
      %jit3A_813 = arith.constant 8 : i32
      %div3A_814 = arith.divsi %add3A_797, %jit3A_813 : i32
      %sign3A_815 = arith.constant 0 : i32
      %sign3A_816 = arith.cmpi sgt, %add3A_797, %sign3A_815 : i32
      %sign3A_817 = arith.extui %sign3A_816 : i1 to i32
      %sign3A_818 = arith.constant 0 : i32
      %sign3A_819 = arith.cmpi slt, %add3A_797, %sign3A_818 : i32
      %sign3A_820 = arith.extui %sign3A_819 : i1 to i32
      %sign3A_821 = arith.subi %sign3A_817, %sign3A_820 : i32
      %sign3A_822 = arith.constant 0 : i32
      %sign3A_823 = arith.cmpi sgt, %jit3A_813, %sign3A_822 : i32
      %sign3A_824 = arith.extui %sign3A_823 : i1 to i32
      %sign3A_825 = arith.constant 0 : i32
      %sign3A_826 = arith.cmpi slt, %jit3A_813, %sign3A_825 : i32
      %sign3A_827 = arith.extui %sign3A_826 : i1 to i32
      %sign3A_828 = arith.subi %sign3A_824, %sign3A_827 : i32
      %ne3A_829 = arith.cmpi ne, %sign3A_821, %sign3A_828 : i32
      %rem3A_830 = arith.remsi %add3A_797, %jit3A_813 : i32
      %ne3A_831 = arith.constant 0 : i32
      %ne3A_832 = arith.cmpi ne, %rem3A_830, %ne3A_831 : i32
      %and3A_833 = arith.andi %ne3A_829, %ne3A_832 : i1
      %sub3A_834 = arith.constant 1 : i32
      %sub3A_835 = arith.subi %div3A_814, %sub3A_834 : i32
      %select_n3A_836 = arith.select %and3A_833, %sub3A_835, %div3A_814 : i32
      %jit3A_837 = arith.constant 8 : i32
      %eq3A_838 = arith.constant 0 : i32
      %eq3A_839 = arith.cmpi eq, %jit3A_837, %eq3A_838 : i32
      %jit3A_840 = arith.constant 1 : i32
      %select_n3A_841 = arith.select %eq3A_839, %jit3A_840, %jit3A_837 : i32
      %rem3A_842 = arith.remsi %add3A_797, %select_n3A_841 : i32
      %ne3A_843 = arith.constant 0 : i32
      %ne3A_844 = arith.cmpi ne, %rem3A_842, %ne3A_843 : i32
      %lt3A_845 = arith.constant 0 : i32
      %lt3A_846 = arith.cmpi slt, %rem3A_842, %lt3A_845 : i32
      %lt3A_847 = arith.constant 0 : i32
      %lt3A_848 = arith.cmpi slt, %select_n3A_841, %lt3A_847 : i32
      %ne3A_849 = arith.xori %lt3A_846, %lt3A_848 : i1
      %and3A_850 = arith.andi %ne3A_849, %ne3A_844 : i1
      %add3A_851 = arith.addi %rem3A_842, %select_n3A_841 : i32
      %select_n3A_852 = arith.select %and3A_850, %add3A_851, %rem3A_842 : i32
      %mul3A_853 = arith.constant 16384 : i32
      %mul3A_854 = arith.muli %select_n3A_836, %mul3A_853 : i32
      %add3A_855 = arith.addi %mul3A_854, %mul3A_2 : i32
      %mul3A_856 = arith.constant 64 : i32
      %mul3A_857 = arith.muli %select_n3A_852, %mul3A_856 : i32
      %add3A_858 = arith.addi %add3A_855, %mul3A_857 : i32
      %dma_start3A_859 = arith.constant 3 : i32
      %dma_start3A_860 = arith.constant 3 : i32
      %dma_start3A_861 = arith.constant 0 : i32
      %dma_start3A_862 = arith.constant 0 : i32
      %dma_start3A_863 = tpu.memref_slice %arg6[%dma_start3A_859, %dma_start3A_861, %dma_start3A_862] : memref<8x64x128xf32, #tpu.memory_space<vmem>> -> memref<1x64x128xf32, #tpu.memory_space<vmem>>
      %dma_start3A_864 = tpu.memref_squeeze %dma_start3A_863 : memref<1x64x128xf32, #tpu.memory_space<vmem>> -> memref<64x128xf32, #tpu.memory_space<vmem>>
      %dma_start3A_865 = arith.constant 0 : i32
      %dma_start3A_866 = tpu.memref_slice %arg4[%add3A_858, %dma_start3A_865] : memref<819200x128xf32, #tpu.memory_space<hbm>> -> memref<64x128xf32, #tpu.memory_space<hbm>>
      %dma_start3A_867 = tpu.memref_slice %arg8[%dma_start3A_860] : memref<8x!tpu.dma_semaphore, #tpu.memory_space<semaphore_mem>> -> memref<1x!tpu.dma_semaphore, #tpu.memory_space<semaphore_mem>>
      %dma_start3A_868 = tpu.memref_squeeze %dma_start3A_867 : memref<1x!tpu.dma_semaphore, #tpu.memory_space<semaphore_mem>> -> memref<!tpu.dma_semaphore, #tpu.memory_space<semaphore_mem>>
      %dma_start3A_869 = arith.constant 0 : i32
      %dma_start3A_870 = tpu.memref_slice %arg4[%add3A_858, %dma_start3A_869] : memref<819200x128xf32, #tpu.memory_space<hbm>> -> memref<64x128xf32, #tpu.memory_space<hbm>>
      %dma_start3A_871 = arith.constant 0 : i32
      %dma_start3A_872 = arith.constant 0 : i32
      %dma_start3A_873 = tpu.memref_slice %arg6[%dma_start3A_859, %dma_start3A_871, %dma_start3A_872] : memref<8x64x128xf32, #tpu.memory_space<vmem>> -> memref<1x64x128xf32, #tpu.memory_space<vmem>>
      %dma_start3A_874 = tpu.memref_squeeze %dma_start3A_873 : memref<1x64x128xf32, #tpu.memory_space<vmem>> -> memref<64x128xf32, #tpu.memory_space<vmem>>
      tpu.enqueue_dma source(%dma_start3A_874 : memref<64x128xf32, #tpu.memory_space<vmem>>) target(%dma_start3A_870 : memref<64x128xf32, #tpu.memory_space<hbm>>) target_semaphore(%dma_start3A_868 : memref<!tpu.dma_semaphore, #tpu.memory_space<semaphore_mem>>)
      %add3A_875 = arith.constant 4 : i32
      %add3A_876 = arith.addi %mul3A_568, %add3A_875 : i32
      %dma_wait3A_877 = arith.constant 0 : i32
      %dma_wait3A_878 = arith.constant 4 : i32
      %dma_wait3A_879 = arith.constant 4 : i32
      %dma_wait3A_880 = arith.constant 0 : i32
      %dma_wait3A_881 = arith.constant 0 : i32
      %dma_wait3A_882 = tpu.memref_slice %arg6[%dma_wait3A_878, %dma_wait3A_880, %dma_wait3A_881] : memref<8x64x128xf32, #tpu.memory_space<vmem>> -> memref<1x64x128xf32, #tpu.memory_space<vmem>>
      %dma_wait3A_883 = tpu.memref_squeeze %dma_wait3A_882 : memref<1x64x128xf32, #tpu.memory_space<vmem>> -> memref<64x128xf32, #tpu.memory_space<vmem>>
      %dma_wait3A_884 = arith.constant 0 : i32
      %dma_wait3A_885 = tpu.memref_slice %arg5[%dma_wait3A_877, %dma_wait3A_884] : memref<50x512xi32, #tpu.memory_space<vmem>> -> memref<1x64xi32, #tpu.memory_space<vmem>>
      %dma_wait3A_886 = tpu.memref_squeeze %dma_wait3A_885 : memref<1x64xi32, #tpu.memory_space<vmem>> -> memref<64xi32, #tpu.memory_space<vmem>>
      %dma_wait3A_887 = arith.constant 0 : i32
      %dma_wait3A_888 = arith.constant 0 : i32
      %dma_wait3A_889 = tpu.memref_slice %arg3[%dma_wait3A_887, %dma_wait3A_888] : memref<100000x128xf32, #tpu.memory_space<hbm>> -> memref<100000x128xf32, #tpu.memory_space<hbm>>
      %dma_wait3A_890 = tpu.memref_slice %arg7[%dma_wait3A_879] : memref<8x!tpu.dma_semaphore, #tpu.memory_space<semaphore_mem>> -> memref<1x!tpu.dma_semaphore, #tpu.memory_space<semaphore_mem>>
      %dma_wait3A_891 = tpu.memref_squeeze %dma_wait3A_890 : memref<1x!tpu.dma_semaphore, #tpu.memory_space<semaphore_mem>> -> memref<!tpu.dma_semaphore, #tpu.memory_space<semaphore_mem>>
      tpu.wait_indirect_dma semaphore(%dma_wait3A_891 : memref<!tpu.dma_semaphore, #tpu.memory_space<semaphore_mem>>) src(%dma_wait3A_889 : memref<100000x128xf32, #tpu.memory_space<hbm>>) dst(%dma_wait3A_883 : memref<64x128xf32, #tpu.memory_space<vmem>>)
      %jit3A_892 = arith.constant 8 : i32
      %div3A_893 = arith.divsi %add3A_876, %jit3A_892 : i32
      %sign3A_894 = arith.constant 0 : i32
      %sign3A_895 = arith.cmpi sgt, %add3A_876, %sign3A_894 : i32
      %sign3A_896 = arith.extui %sign3A_895 : i1 to i32
      %sign3A_897 = arith.constant 0 : i32
      %sign3A_898 = arith.cmpi slt, %add3A_876, %sign3A_897 : i32
      %sign3A_899 = arith.extui %sign3A_898 : i1 to i32
      %sign3A_900 = arith.subi %sign3A_896, %sign3A_899 : i32
      %sign3A_901 = arith.constant 0 : i32
      %sign3A_902 = arith.cmpi sgt, %jit3A_892, %sign3A_901 : i32
      %sign3A_903 = arith.extui %sign3A_902 : i1 to i32
      %sign3A_904 = arith.constant 0 : i32
      %sign3A_905 = arith.cmpi slt, %jit3A_892, %sign3A_904 : i32
      %sign3A_906 = arith.extui %sign3A_905 : i1 to i32
      %sign3A_907 = arith.subi %sign3A_903, %sign3A_906 : i32
      %ne3A_908 = arith.cmpi ne, %sign3A_900, %sign3A_907 : i32
      %rem3A_909 = arith.remsi %add3A_876, %jit3A_892 : i32
      %ne3A_910 = arith.constant 0 : i32
      %ne3A_911 = arith.cmpi ne, %rem3A_909, %ne3A_910 : i32
      %and3A_912 = arith.andi %ne3A_908, %ne3A_911 : i1
      %sub3A_913 = arith.constant 1 : i32
      %sub3A_914 = arith.subi %div3A_893, %sub3A_913 : i32
      %select_n3A_915 = arith.select %and3A_912, %sub3A_914, %div3A_893 : i32
      %jit3A_916 = arith.constant 8 : i32
      %eq3A_917 = arith.constant 0 : i32
      %eq3A_918 = arith.cmpi eq, %jit3A_916, %eq3A_917 : i32
      %jit3A_919 = arith.constant 1 : i32
      %select_n3A_920 = arith.select %eq3A_918, %jit3A_919, %jit3A_916 : i32
      %rem3A_921 = arith.remsi %add3A_876, %select_n3A_920 : i32
      %ne3A_922 = arith.constant 0 : i32
      %ne3A_923 = arith.cmpi ne, %rem3A_921, %ne3A_922 : i32
      %lt3A_924 = arith.constant 0 : i32
      %lt3A_925 = arith.cmpi slt, %rem3A_921, %lt3A_924 : i32
      %lt3A_926 = arith.constant 0 : i32
      %lt3A_927 = arith.cmpi slt, %select_n3A_920, %lt3A_926 : i32
      %ne3A_928 = arith.xori %lt3A_925, %lt3A_927 : i1
      %and3A_929 = arith.andi %ne3A_928, %ne3A_923 : i1
      %add3A_930 = arith.addi %rem3A_921, %select_n3A_920 : i32
      %select_n3A_931 = arith.select %and3A_929, %add3A_930, %rem3A_921 : i32
      %mul3A_932 = arith.constant 16384 : i32
      %mul3A_933 = arith.muli %select_n3A_915, %mul3A_932 : i32
      %add3A_934 = arith.addi %mul3A_933, %mul3A_2 : i32
      %mul3A_935 = arith.constant 64 : i32
      %mul3A_936 = arith.muli %select_n3A_931, %mul3A_935 : i32
      %add3A_937 = arith.addi %add3A_934, %mul3A_936 : i32
      %dma_start3A_938 = arith.constant 4 : i32
      %dma_start3A_939 = arith.constant 4 : i32
      %dma_start3A_940 = arith.constant 0 : i32
      %dma_start3A_941 = arith.constant 0 : i32
      %dma_start3A_942 = tpu.memref_slice %arg6[%dma_start3A_938, %dma_start3A_940, %dma_start3A_941] : memref<8x64x128xf32, #tpu.memory_space<vmem>> -> memref<1x64x128xf32, #tpu.memory_space<vmem>>
      %dma_start3A_943 = tpu.memref_squeeze %dma_start3A_942 : memref<1x64x128xf32, #tpu.memory_space<vmem>> -> memref<64x128xf32, #tpu.memory_space<vmem>>
      %dma_start3A_944 = arith.constant 0 : i32
      %dma_start3A_945 = tpu.memref_slice %arg4[%add3A_937, %dma_start3A_944] : memref<819200x128xf32, #tpu.memory_space<hbm>> -> memref<64x128xf32, #tpu.memory_space<hbm>>
      %dma_start3A_946 = tpu.memref_slice %arg8[%dma_start3A_939] : memref<8x!tpu.dma_semaphore, #tpu.memory_space<semaphore_mem>> -> memref<1x!tpu.dma_semaphore, #tpu.memory_space<semaphore_mem>>
      %dma_start3A_947 = tpu.memref_squeeze %dma_start3A_946 : memref<1x!tpu.dma_semaphore, #tpu.memory_space<semaphore_mem>> -> memref<!tpu.dma_semaphore, #tpu.memory_space<semaphore_mem>>
      %dma_start3A_948 = arith.constant 0 : i32
      %dma_start3A_949 = tpu.memref_slice %arg4[%add3A_937, %dma_start3A_948] : memref<819200x128xf32, #tpu.memory_space<hbm>> -> memref<64x128xf32, #tpu.memory_space<hbm>>
      %dma_start3A_950 = arith.constant 0 : i32
      %dma_start3A_951 = arith.constant 0 : i32
      %dma_start3A_952 = tpu.memref_slice %arg6[%dma_start3A_938, %dma_start3A_950, %dma_start3A_951] : memref<8x64x128xf32, #tpu.memory_space<vmem>> -> memref<1x64x128xf32, #tpu.memory_space<vmem>>
      %dma_start3A_953 = tpu.memref_squeeze %dma_start3A_952 : memref<1x64x128xf32, #tpu.memory_space<vmem>> -> memref<64x128xf32, #tpu.memory_space<vmem>>
      tpu.enqueue_dma source(%dma_start3A_953 : memref<64x128xf32, #tpu.memory_space<vmem>>) target(%dma_start3A_949 : memref<64x128xf32, #tpu.memory_space<hbm>>) target_semaphore(%dma_start3A_947 : memref<!tpu.dma_semaphore, #tpu.memory_space<semaphore_mem>>)
      %add3A_954 = arith.constant 5 : i32
      %add3A_955 = arith.addi %mul3A_568, %add3A_954 : i32
      %dma_wait3A_956 = arith.constant 0 : i32
      %dma_wait3A_957 = arith.constant 5 : i32
      %dma_wait3A_958 = arith.constant 5 : i32
      %dma_wait3A_959 = arith.constant 0 : i32
      %dma_wait3A_960 = arith.constant 0 : i32
      %dma_wait3A_961 = tpu.memref_slice %arg6[%dma_wait3A_957, %dma_wait3A_959, %dma_wait3A_960] : memref<8x64x128xf32, #tpu.memory_space<vmem>> -> memref<1x64x128xf32, #tpu.memory_space<vmem>>
      %dma_wait3A_962 = tpu.memref_squeeze %dma_wait3A_961 : memref<1x64x128xf32, #tpu.memory_space<vmem>> -> memref<64x128xf32, #tpu.memory_space<vmem>>
      %dma_wait3A_963 = arith.constant 0 : i32
      %dma_wait3A_964 = tpu.memref_slice %arg5[%dma_wait3A_956, %dma_wait3A_963] : memref<50x512xi32, #tpu.memory_space<vmem>> -> memref<1x64xi32, #tpu.memory_space<vmem>>
      %dma_wait3A_965 = tpu.memref_squeeze %dma_wait3A_964 : memref<1x64xi32, #tpu.memory_space<vmem>> -> memref<64xi32, #tpu.memory_space<vmem>>
      %dma_wait3A_966 = arith.constant 0 : i32
      %dma_wait3A_967 = arith.constant 0 : i32
      %dma_wait3A_968 = tpu.memref_slice %arg3[%dma_wait3A_966, %dma_wait3A_967] : memref<100000x128xf32, #tpu.memory_space<hbm>> -> memref<100000x128xf32, #tpu.memory_space<hbm>>
      %dma_wait3A_969 = tpu.memref_slice %arg7[%dma_wait3A_958] : memref<8x!tpu.dma_semaphore, #tpu.memory_space<semaphore_mem>> -> memref<1x!tpu.dma_semaphore, #tpu.memory_space<semaphore_mem>>
      %dma_wait3A_970 = tpu.memref_squeeze %dma_wait3A_969 : memref<1x!tpu.dma_semaphore, #tpu.memory_space<semaphore_mem>> -> memref<!tpu.dma_semaphore, #tpu.memory_space<semaphore_mem>>
      tpu.wait_indirect_dma semaphore(%dma_wait3A_970 : memref<!tpu.dma_semaphore, #tpu.memory_space<semaphore_mem>>) src(%dma_wait3A_968 : memref<100000x128xf32, #tpu.memory_space<hbm>>) dst(%dma_wait3A_962 : memref<64x128xf32, #tpu.memory_space<vmem>>)
      %jit3A_971 = arith.constant 8 : i32
      %div3A_972 = arith.divsi %add3A_955, %jit3A_971 : i32
      %sign3A_973 = arith.constant 0 : i32
      %sign3A_974 = arith.cmpi sgt, %add3A_955, %sign3A_973 : i32
      %sign3A_975 = arith.extui %sign3A_974 : i1 to i32
      %sign3A_976 = arith.constant 0 : i32
      %sign3A_977 = arith.cmpi slt, %add3A_955, %sign3A_976 : i32
      %sign3A_978 = arith.extui %sign3A_977 : i1 to i32
      %sign3A_979 = arith.subi %sign3A_975, %sign3A_978 : i32
      %sign3A_980 = arith.constant 0 : i32
      %sign3A_981 = arith.cmpi sgt, %jit3A_971, %sign3A_980 : i32
      %sign3A_982 = arith.extui %sign3A_981 : i1 to i32
      %sign3A_983 = arith.constant 0 : i32
      %sign3A_984 = arith.cmpi slt, %jit3A_971, %sign3A_983 : i32
      %sign3A_985 = arith.extui %sign3A_984 : i1 to i32
      %sign3A_986 = arith.subi %sign3A_982, %sign3A_985 : i32
      %ne3A_987 = arith.cmpi ne, %sign3A_979, %sign3A_986 : i32
      %rem3A_988 = arith.remsi %add3A_955, %jit3A_971 : i32
      %ne3A_989 = arith.constant 0 : i32
      %ne3A_990 = arith.cmpi ne, %rem3A_988, %ne3A_989 : i32
      %and3A_991 = arith.andi %ne3A_987, %ne3A_990 : i1
      %sub3A_992 = arith.constant 1 : i32
      %sub3A_993 = arith.subi %div3A_972, %sub3A_992 : i32
      %select_n3A_994 = arith.select %and3A_991, %sub3A_993, %div3A_972 : i32
      %jit3A_995 = arith.constant 8 : i32
      %eq3A_996 = arith.constant 0 : i32
      %eq3A_997 = arith.cmpi eq, %jit3A_995, %eq3A_996 : i32
      %jit3A_998 = arith.constant 1 : i32
      %select_n3A_999 = arith.select %eq3A_997, %jit3A_998, %jit3A_995 : i32
      %rem3A_1000 = arith.remsi %add3A_955, %select_n3A_999 : i32
      %ne3A_1001 = arith.constant 0 : i32
      %ne3A_1002 = arith.cmpi ne, %rem3A_1000, %ne3A_1001 : i32
      %lt3A_1003 = arith.constant 0 : i32
      %lt3A_1004 = arith.cmpi slt, %rem3A_1000, %lt3A_1003 : i32
      %lt3A_1005 = arith.constant 0 : i32
      %lt3A_1006 = arith.cmpi slt, %select_n3A_999, %lt3A_1005 : i32
      %ne3A_1007 = arith.xori %lt3A_1004, %lt3A_1006 : i1
      %and3A_1008 = arith.andi %ne3A_1007, %ne3A_1002 : i1
      %add3A_1009 = arith.addi %rem3A_1000, %select_n3A_999 : i32
      %select_n3A_1010 = arith.select %and3A_1008, %add3A_1009, %rem3A_1000 : i32
      %mul3A_1011 = arith.constant 16384 : i32
      %mul3A_1012 = arith.muli %select_n3A_994, %mul3A_1011 : i32
      %add3A_1013 = arith.addi %mul3A_1012, %mul3A_2 : i32
      %mul3A_1014 = arith.constant 64 : i32
      %mul3A_1015 = arith.muli %select_n3A_1010, %mul3A_1014 : i32
      %add3A_1016 = arith.addi %add3A_1013, %mul3A_1015 : i32
      %dma_start3A_1017 = arith.constant 5 : i32
      %dma_start3A_1018 = arith.constant 5 : i32
      %dma_start3A_1019 = arith.constant 0 : i32
      %dma_start3A_1020 = arith.constant 0 : i32
      %dma_start3A_1021 = tpu.memref_slice %arg6[%dma_start3A_1017, %dma_start3A_1019, %dma_start3A_1020] : memref<8x64x128xf32, #tpu.memory_space<vmem>> -> memref<1x64x128xf32, #tpu.memory_space<vmem>>
      %dma_start3A_1022 = tpu.memref_squeeze %dma_start3A_1021 : memref<1x64x128xf32, #tpu.memory_space<vmem>> -> memref<64x128xf32, #tpu.memory_space<vmem>>
      %dma_start3A_1023 = arith.constant 0 : i32
      %dma_start3A_1024 = tpu.memref_slice %arg4[%add3A_1016, %dma_start3A_1023] : memref<819200x128xf32, #tpu.memory_space<hbm>> -> memref<64x128xf32, #tpu.memory_space<hbm>>
      %dma_start3A_1025 = tpu.memref_slice %arg8[%dma_start3A_1018] : memref<8x!tpu.dma_semaphore, #tpu.memory_space<semaphore_mem>> -> memref<1x!tpu.dma_semaphore, #tpu.memory_space<semaphore_mem>>
      %dma_start3A_1026 = tpu.memref_squeeze %dma_start3A_1025 : memref<1x!tpu.dma_semaphore, #tpu.memory_space<semaphore_mem>> -> memref<!tpu.dma_semaphore, #tpu.memory_space<semaphore_mem>>
      %dma_start3A_1027 = arith.constant 0 : i32
      %dma_start3A_1028 = tpu.memref_slice %arg4[%add3A_1016, %dma_start3A_1027] : memref<819200x128xf32, #tpu.memory_space<hbm>> -> memref<64x128xf32, #tpu.memory_space<hbm>>
      %dma_start3A_1029 = arith.constant 0 : i32
      %dma_start3A_1030 = arith.constant 0 : i32
      %dma_start3A_1031 = tpu.memref_slice %arg6[%dma_start3A_1017, %dma_start3A_1029, %dma_start3A_1030] : memref<8x64x128xf32, #tpu.memory_space<vmem>> -> memref<1x64x128xf32, #tpu.memory_space<vmem>>
      %dma_start3A_1032 = tpu.memref_squeeze %dma_start3A_1031 : memref<1x64x128xf32, #tpu.memory_space<vmem>> -> memref<64x128xf32, #tpu.memory_space<vmem>>
      tpu.enqueue_dma source(%dma_start3A_1032 : memref<64x128xf32, #tpu.memory_space<vmem>>) target(%dma_start3A_1028 : memref<64x128xf32, #tpu.memory_space<hbm>>) target_semaphore(%dma_start3A_1026 : memref<!tpu.dma_semaphore, #tpu.memory_space<semaphore_mem>>)
      %add3A_1033 = arith.constant 6 : i32
      %add3A_1034 = arith.addi %mul3A_568, %add3A_1033 : i32
      %dma_wait3A_1035 = arith.constant 0 : i32
      %dma_wait3A_1036 = arith.constant 6 : i32
      %dma_wait3A_1037 = arith.constant 6 : i32
      %dma_wait3A_1038 = arith.constant 0 : i32
      %dma_wait3A_1039 = arith.constant 0 : i32
      %dma_wait3A_1040 = tpu.memref_slice %arg6[%dma_wait3A_1036, %dma_wait3A_1038, %dma_wait3A_1039] : memref<8x64x128xf32, #tpu.memory_space<vmem>> -> memref<1x64x128xf32, #tpu.memory_space<vmem>>
      %dma_wait3A_1041 = tpu.memref_squeeze %dma_wait3A_1040 : memref<1x64x128xf32, #tpu.memory_space<vmem>> -> memref<64x128xf32, #tpu.memory_space<vmem>>
      %dma_wait3A_1042 = arith.constant 0 : i32
      %dma_wait3A_1043 = tpu.memref_slice %arg5[%dma_wait3A_1035, %dma_wait3A_1042] : memref<50x512xi32, #tpu.memory_space<vmem>> -> memref<1x64xi32, #tpu.memory_space<vmem>>
      %dma_wait3A_1044 = tpu.memref_squeeze %dma_wait3A_1043 : memref<1x64xi32, #tpu.memory_space<vmem>> -> memref<64xi32, #tpu.memory_space<vmem>>
      %dma_wait3A_1045 = arith.constant 0 : i32
      %dma_wait3A_1046 = arith.constant 0 : i32
      %dma_wait3A_1047 = tpu.memref_slice %arg3[%dma_wait3A_1045, %dma_wait3A_1046] : memref<100000x128xf32, #tpu.memory_space<hbm>> -> memref<100000x128xf32, #tpu.memory_space<hbm>>
      %dma_wait3A_1048 = tpu.memref_slice %arg7[%dma_wait3A_1037] : memref<8x!tpu.dma_semaphore, #tpu.memory_space<semaphore_mem>> -> memref<1x!tpu.dma_semaphore, #tpu.memory_space<semaphore_mem>>
      %dma_wait3A_1049 = tpu.memref_squeeze %dma_wait3A_1048 : memref<1x!tpu.dma_semaphore, #tpu.memory_space<semaphore_mem>> -> memref<!tpu.dma_semaphore, #tpu.memory_space<semaphore_mem>>
      tpu.wait_indirect_dma semaphore(%dma_wait3A_1049 : memref<!tpu.dma_semaphore, #tpu.memory_space<semaphore_mem>>) src(%dma_wait3A_1047 : memref<100000x128xf32, #tpu.memory_space<hbm>>) dst(%dma_wait3A_1041 : memref<64x128xf32, #tpu.memory_space<vmem>>)
      %jit3A_1050 = arith.constant 8 : i32
      %div3A_1051 = arith.divsi %add3A_1034, %jit3A_1050 : i32
      %sign3A_1052 = arith.constant 0 : i32
      %sign3A_1053 = arith.cmpi sgt, %add3A_1034, %sign3A_1052 : i32
      %sign3A_1054 = arith.extui %sign3A_1053 : i1 to i32
      %sign3A_1055 = arith.constant 0 : i32
      %sign3A_1056 = arith.cmpi slt, %add3A_1034, %sign3A_1055 : i32
      %sign3A_1057 = arith.extui %sign3A_1056 : i1 to i32
      %sign3A_1058 = arith.subi %sign3A_1054, %sign3A_1057 : i32
      %sign3A_1059 = arith.constant 0 : i32
      %sign3A_1060 = arith.cmpi sgt, %jit3A_1050, %sign3A_1059 : i32
      %sign3A_1061 = arith.extui %sign3A_1060 : i1 to i32
      %sign3A_1062 = arith.constant 0 : i32
      %sign3A_1063 = arith.cmpi slt, %jit3A_1050, %sign3A_1062 : i32
      %sign3A_1064 = arith.extui %sign3A_1063 : i1 to i32
      %sign3A_1065 = arith.subi %sign3A_1061, %sign3A_1064 : i32
      %ne3A_1066 = arith.cmpi ne, %sign3A_1058, %sign3A_1065 : i32
      %rem3A_1067 = arith.remsi %add3A_1034, %jit3A_1050 : i32
      %ne3A_1068 = arith.constant 0 : i32
      %ne3A_1069 = arith.cmpi ne, %rem3A_1067, %ne3A_1068 : i32
      %and3A_1070 = arith.andi %ne3A_1066, %ne3A_1069 : i1
      %sub3A_1071 = arith.constant 1 : i32
      %sub3A_1072 = arith.subi %div3A_1051, %sub3A_1071 : i32
      %select_n3A_1073 = arith.select %and3A_1070, %sub3A_1072, %div3A_1051 : i32
      %jit3A_1074 = arith.constant 8 : i32
      %eq3A_1075 = arith.constant 0 : i32
      %eq3A_1076 = arith.cmpi eq, %jit3A_1074, %eq3A_1075 : i32
      %jit3A_1077 = arith.constant 1 : i32
      %select_n3A_1078 = arith.select %eq3A_1076, %jit3A_1077, %jit3A_1074 : i32
      %rem3A_1079 = arith.remsi %add3A_1034, %select_n3A_1078 : i32
      %ne3A_1080 = arith.constant 0 : i32
      %ne3A_1081 = arith.cmpi ne, %rem3A_1079, %ne3A_1080 : i32
      %lt3A_1082 = arith.constant 0 : i32
      %lt3A_1083 = arith.cmpi slt, %rem3A_1079, %lt3A_1082 : i32
      %lt3A_1084 = arith.constant 0 : i32
      %lt3A_1085 = arith.cmpi slt, %select_n3A_1078, %lt3A_1084 : i32
      %ne3A_1086 = arith.xori %lt3A_1083, %lt3A_1085 : i1
      %and3A_1087 = arith.andi %ne3A_1086, %ne3A_1081 : i1
      %add3A_1088 = arith.addi %rem3A_1079, %select_n3A_1078 : i32
      %select_n3A_1089 = arith.select %and3A_1087, %add3A_1088, %rem3A_1079 : i32
      %mul3A_1090 = arith.constant 16384 : i32
      %mul3A_1091 = arith.muli %select_n3A_1073, %mul3A_1090 : i32
      %add3A_1092 = arith.addi %mul3A_1091, %mul3A_2 : i32
      %mul3A_1093 = arith.constant 64 : i32
      %mul3A_1094 = arith.muli %select_n3A_1089, %mul3A_1093 : i32
      %add3A_1095 = arith.addi %add3A_1092, %mul3A_1094 : i32
      %dma_start3A_1096 = arith.constant 6 : i32
      %dma_start3A_1097 = arith.constant 6 : i32
      %dma_start3A_1098 = arith.constant 0 : i32
      %dma_start3A_1099 = arith.constant 0 : i32
      %dma_start3A_1100 = tpu.memref_slice %arg6[%dma_start3A_1096, %dma_start3A_1098, %dma_start3A_1099] : memref<8x64x128xf32, #tpu.memory_space<vmem>> -> memref<1x64x128xf32, #tpu.memory_space<vmem>>
      %dma_start3A_1101 = tpu.memref_squeeze %dma_start3A_1100 : memref<1x64x128xf32, #tpu.memory_space<vmem>> -> memref<64x128xf32, #tpu.memory_space<vmem>>
      %dma_start3A_1102 = arith.constant 0 : i32
      %dma_start3A_1103 = tpu.memref_slice %arg4[%add3A_1095, %dma_start3A_1102] : memref<819200x128xf32, #tpu.memory_space<hbm>> -> memref<64x128xf32, #tpu.memory_space<hbm>>
      %dma_start3A_1104 = tpu.memref_slice %arg8[%dma_start3A_1097] : memref<8x!tpu.dma_semaphore, #tpu.memory_space<semaphore_mem>> -> memref<1x!tpu.dma_semaphore, #tpu.memory_space<semaphore_mem>>
      %dma_start3A_1105 = tpu.memref_squeeze %dma_start3A_1104 : memref<1x!tpu.dma_semaphore, #tpu.memory_space<semaphore_mem>> -> memref<!tpu.dma_semaphore, #tpu.memory_space<semaphore_mem>>
      %dma_start3A_1106 = arith.constant 0 : i32
      %dma_start3A_1107 = tpu.memref_slice %arg4[%add3A_1095, %dma_start3A_1106] : memref<819200x128xf32, #tpu.memory_space<hbm>> -> memref<64x128xf32, #tpu.memory_space<hbm>>
      %dma_start3A_1108 = arith.constant 0 : i32
      %dma_start3A_1109 = arith.constant 0 : i32
      %dma_start3A_1110 = tpu.memref_slice %arg6[%dma_start3A_1096, %dma_start3A_1108, %dma_start3A_1109] : memref<8x64x128xf32, #tpu.memory_space<vmem>> -> memref<1x64x128xf32, #tpu.memory_space<vmem>>
      %dma_start3A_1111 = tpu.memref_squeeze %dma_start3A_1110 : memref<1x64x128xf32, #tpu.memory_space<vmem>> -> memref<64x128xf32, #tpu.memory_space<vmem>>
      tpu.enqueue_dma source(%dma_start3A_1111 : memref<64x128xf32, #tpu.memory_space<vmem>>) target(%dma_start3A_1107 : memref<64x128xf32, #tpu.memory_space<hbm>>) target_semaphore(%dma_start3A_1105 : memref<!tpu.dma_semaphore, #tpu.memory_space<semaphore_mem>>)
      %add3A_1112 = arith.constant 7 : i32
      %add3A_1113 = arith.addi %mul3A_568, %add3A_1112 : i32
      %dma_wait3A_1114 = arith.constant 0 : i32
      %dma_wait3A_1115 = arith.constant 7 : i32
      %dma_wait3A_1116 = arith.constant 7 : i32
      %dma_wait3A_1117 = arith.constant 0 : i32
      %dma_wait3A_1118 = arith.constant 0 : i32
      %dma_wait3A_1119 = tpu.memref_slice %arg6[%dma_wait3A_1115, %dma_wait3A_1117, %dma_wait3A_1118] : memref<8x64x128xf32, #tpu.memory_space<vmem>> -> memref<1x64x128xf32, #tpu.memory_space<vmem>>
      %dma_wait3A_1120 = tpu.memref_squeeze %dma_wait3A_1119 : memref<1x64x128xf32, #tpu.memory_space<vmem>> -> memref<64x128xf32, #tpu.memory_space<vmem>>
      %dma_wait3A_1121 = arith.constant 0 : i32
      %dma_wait3A_1122 = tpu.memref_slice %arg5[%dma_wait3A_1114, %dma_wait3A_1121] : memref<50x512xi32, #tpu.memory_space<vmem>> -> memref<1x64xi32, #tpu.memory_space<vmem>>
      %dma_wait3A_1123 = tpu.memref_squeeze %dma_wait3A_1122 : memref<1x64xi32, #tpu.memory_space<vmem>> -> memref<64xi32, #tpu.memory_space<vmem>>
      %dma_wait3A_1124 = arith.constant 0 : i32
      %dma_wait3A_1125 = arith.constant 0 : i32
      %dma_wait3A_1126 = tpu.memref_slice %arg3[%dma_wait3A_1124, %dma_wait3A_1125] : memref<100000x128xf32, #tpu.memory_space<hbm>> -> memref<100000x128xf32, #tpu.memory_space<hbm>>
      %dma_wait3A_1127 = tpu.memref_slice %arg7[%dma_wait3A_1116] : memref<8x!tpu.dma_semaphore, #tpu.memory_space<semaphore_mem>> -> memref<1x!tpu.dma_semaphore, #tpu.memory_space<semaphore_mem>>
      %dma_wait3A_1128 = tpu.memref_squeeze %dma_wait3A_1127 : memref<1x!tpu.dma_semaphore, #tpu.memory_space<semaphore_mem>> -> memref<!tpu.dma_semaphore, #tpu.memory_space<semaphore_mem>>
      tpu.wait_indirect_dma semaphore(%dma_wait3A_1128 : memref<!tpu.dma_semaphore, #tpu.memory_space<semaphore_mem>>) src(%dma_wait3A_1126 : memref<100000x128xf32, #tpu.memory_space<hbm>>) dst(%dma_wait3A_1120 : memref<64x128xf32, #tpu.memory_space<vmem>>)
      %jit3A_1129 = arith.constant 8 : i32
      %div3A_1130 = arith.divsi %add3A_1113, %jit3A_1129 : i32
      %sign3A_1131 = arith.constant 0 : i32
      %sign3A_1132 = arith.cmpi sgt, %add3A_1113, %sign3A_1131 : i32
      %sign3A_1133 = arith.extui %sign3A_1132 : i1 to i32
      %sign3A_1134 = arith.constant 0 : i32
      %sign3A_1135 = arith.cmpi slt, %add3A_1113, %sign3A_1134 : i32
      %sign3A_1136 = arith.extui %sign3A_1135 : i1 to i32
      %sign3A_1137 = arith.subi %sign3A_1133, %sign3A_1136 : i32
      %sign3A_1138 = arith.constant 0 : i32
      %sign3A_1139 = arith.cmpi sgt, %jit3A_1129, %sign3A_1138 : i32
      %sign3A_1140 = arith.extui %sign3A_1139 : i1 to i32
      %sign3A_1141 = arith.constant 0 : i32
      %sign3A_1142 = arith.cmpi slt, %jit3A_1129, %sign3A_1141 : i32
      %sign3A_1143 = arith.extui %sign3A_1142 : i1 to i32
      %sign3A_1144 = arith.subi %sign3A_1140, %sign3A_1143 : i32
      %ne3A_1145 = arith.cmpi ne, %sign3A_1137, %sign3A_1144 : i32
      %rem3A_1146 = arith.remsi %add3A_1113, %jit3A_1129 : i32
      %ne3A_1147 = arith.constant 0 : i32
      %ne3A_1148 = arith.cmpi ne, %rem3A_1146, %ne3A_1147 : i32
      %and3A_1149 = arith.andi %ne3A_1145, %ne3A_1148 : i1
      %sub3A_1150 = arith.constant 1 : i32
      %sub3A_1151 = arith.subi %div3A_1130, %sub3A_1150 : i32
      %select_n3A_1152 = arith.select %and3A_1149, %sub3A_1151, %div3A_1130 : i32
      %jit3A_1153 = arith.constant 8 : i32
      %eq3A_1154 = arith.constant 0 : i32
      %eq3A_1155 = arith.cmpi eq, %jit3A_1153, %eq3A_1154 : i32
      %jit3A_1156 = arith.constant 1 : i32
      %select_n3A_1157 = arith.select %eq3A_1155, %jit3A_1156, %jit3A_1153 : i32
      %rem3A_1158 = arith.remsi %add3A_1113, %select_n3A_1157 : i32
      %ne3A_1159 = arith.constant 0 : i32
      %ne3A_1160 = arith.cmpi ne, %rem3A_1158, %ne3A_1159 : i32
      %lt3A_1161 = arith.constant 0 : i32
      %lt3A_1162 = arith.cmpi slt, %rem3A_1158, %lt3A_1161 : i32
      %lt3A_1163 = arith.constant 0 : i32
      %lt3A_1164 = arith.cmpi slt, %select_n3A_1157, %lt3A_1163 : i32
      %ne3A_1165 = arith.xori %lt3A_1162, %lt3A_1164 : i1
      %and3A_1166 = arith.andi %ne3A_1165, %ne3A_1160 : i1
      %add3A_1167 = arith.addi %rem3A_1158, %select_n3A_1157 : i32
      %select_n3A_1168 = arith.select %and3A_1166, %add3A_1167, %rem3A_1158 : i32
      %mul3A_1169 = arith.constant 16384 : i32
      %mul3A_1170 = arith.muli %select_n3A_1152, %mul3A_1169 : i32
      %add3A_1171 = arith.addi %mul3A_1170, %mul3A_2 : i32
      %mul3A_1172 = arith.constant 64 : i32
      %mul3A_1173 = arith.muli %select_n3A_1168, %mul3A_1172 : i32
      %add3A_1174 = arith.addi %add3A_1171, %mul3A_1173 : i32
      %dma_start3A_1175 = arith.constant 7 : i32
      %dma_start3A_1176 = arith.constant 7 : i32
      %dma_start3A_1177 = arith.constant 0 : i32
      %dma_start3A_1178 = arith.constant 0 : i32
      %dma_start3A_1179 = tpu.memref_slice %arg6[%dma_start3A_1175, %dma_start3A_1177, %dma_start3A_1178] : memref<8x64x128xf32, #tpu.memory_space<vmem>> -> memref<1x64x128xf32, #tpu.memory_space<vmem>>
      %dma_start3A_1180 = tpu.memref_squeeze %dma_start3A_1179 : memref<1x64x128xf32, #tpu.memory_space<vmem>> -> memref<64x128xf32, #tpu.memory_space<vmem>>
      %dma_start3A_1181 = arith.constant 0 : i32
      %dma_start3A_1182 = tpu.memref_slice %arg4[%add3A_1174, %dma_start3A_1181] : memref<819200x128xf32, #tpu.memory_space<hbm>> -> memref<64x128xf32, #tpu.memory_space<hbm>>
      %dma_start3A_1183 = tpu.memref_slice %arg8[%dma_start3A_1176] : memref<8x!tpu.dma_semaphore, #tpu.memory_space<semaphore_mem>> -> memref<1x!tpu.dma_semaphore, #tpu.memory_space<semaphore_mem>>
      %dma_start3A_1184 = tpu.memref_squeeze %dma_start3A_1183 : memref<1x!tpu.dma_semaphore, #tpu.memory_space<semaphore_mem>> -> memref<!tpu.dma_semaphore, #tpu.memory_space<semaphore_mem>>
      %dma_start3A_1185 = arith.constant 0 : i32
      %dma_start3A_1186 = tpu.memref_slice %arg4[%add3A_1174, %dma_start3A_1185] : memref<819200x128xf32, #tpu.memory_space<hbm>> -> memref<64x128xf32, #tpu.memory_space<hbm>>
      %dma_start3A_1187 = arith.constant 0 : i32
      %dma_start3A_1188 = arith.constant 0 : i32
      %dma_start3A_1189 = tpu.memref_slice %arg6[%dma_start3A_1175, %dma_start3A_1187, %dma_start3A_1188] : memref<8x64x128xf32, #tpu.memory_space<vmem>> -> memref<1x64x128xf32, #tpu.memory_space<vmem>>
      %dma_start3A_1190 = tpu.memref_squeeze %dma_start3A_1189 : memref<1x64x128xf32, #tpu.memory_space<vmem>> -> memref<64x128xf32, #tpu.memory_space<vmem>>
      tpu.enqueue_dma source(%dma_start3A_1190 : memref<64x128xf32, #tpu.memory_space<vmem>>) target(%dma_start3A_1186 : memref<64x128xf32, #tpu.memory_space<hbm>>) target_semaphore(%dma_start3A_1184 : memref<!tpu.dma_semaphore, #tpu.memory_space<semaphore_mem>>)
      %add3A_1191 = arith.constant 0 : i32
      %add3A_1192 = arith.addi %mul3A_568, %add3A_1191 : i32
      %jit3A_1193 = arith.constant 8 : i32
      %div3A_1194 = arith.divsi %add3A_1192, %jit3A_1193 : i32
      %sign3A_1195 = arith.constant 0 : i32
      %sign3A_1196 = arith.cmpi sgt, %add3A_1192, %sign3A_1195 : i32
      %sign3A_1197 = arith.extui %sign3A_1196 : i1 to i32
      %sign3A_1198 = arith.constant 0 : i32
      %sign3A_1199 = arith.cmpi slt, %add3A_1192, %sign3A_1198 : i32
      %sign3A_1200 = arith.extui %sign3A_1199 : i1 to i32
      %sign3A_1201 = arith.subi %sign3A_1197, %sign3A_1200 : i32
      %sign3A_1202 = arith.constant 0 : i32
      %sign3A_1203 = arith.cmpi sgt, %jit3A_1193, %sign3A_1202 : i32
      %sign3A_1204 = arith.extui %sign3A_1203 : i1 to i32
      %sign3A_1205 = arith.constant 0 : i32
      %sign3A_1206 = arith.cmpi slt, %jit3A_1193, %sign3A_1205 : i32
      %sign3A_1207 = arith.extui %sign3A_1206 : i1 to i32
      %sign3A_1208 = arith.subi %sign3A_1204, %sign3A_1207 : i32
      %ne3A_1209 = arith.cmpi ne, %sign3A_1201, %sign3A_1208 : i32
      %rem3A_1210 = arith.remsi %add3A_1192, %jit3A_1193 : i32
      %ne3A_1211 = arith.constant 0 : i32
      %ne3A_1212 = arith.cmpi ne, %rem3A_1210, %ne3A_1211 : i32
      %and3A_1213 = arith.andi %ne3A_1209, %ne3A_1212 : i1
      %sub3A_1214 = arith.constant 1 : i32
      %sub3A_1215 = arith.subi %div3A_1194, %sub3A_1214 : i32
      %select_n3A_1216 = arith.select %and3A_1213, %sub3A_1215, %div3A_1194 : i32
      %jit3A_1217 = arith.constant 8 : i32
      %eq3A_1218 = arith.constant 0 : i32
      %eq3A_1219 = arith.cmpi eq, %jit3A_1217, %eq3A_1218 : i32
      %jit3A_1220 = arith.constant 1 : i32
      %select_n3A_1221 = arith.select %eq3A_1219, %jit3A_1220, %jit3A_1217 : i32
      %rem3A_1222 = arith.remsi %add3A_1192, %select_n3A_1221 : i32
      %ne3A_1223 = arith.constant 0 : i32
      %ne3A_1224 = arith.cmpi ne, %rem3A_1222, %ne3A_1223 : i32
      %lt3A_1225 = arith.constant 0 : i32
      %lt3A_1226 = arith.cmpi slt, %rem3A_1222, %lt3A_1225 : i32
      %lt3A_1227 = arith.constant 0 : i32
      %lt3A_1228 = arith.cmpi slt, %select_n3A_1221, %lt3A_1227 : i32
      %ne3A_1229 = arith.xori %lt3A_1226, %lt3A_1228 : i1
      %and3A_1230 = arith.andi %ne3A_1229, %ne3A_1224 : i1
      %add3A_1231 = arith.addi %rem3A_1222, %select_n3A_1221 : i32
      %select_n3A_1232 = arith.select %and3A_1230, %add3A_1231, %rem3A_1222 : i32
      %mul3A_1233 = arith.constant 16384 : i32
      %mul3A_1234 = arith.muli %select_n3A_1216, %mul3A_1233 : i32
      %add3A_1235 = arith.addi %mul3A_1234, %mul3A_2 : i32
      %mul3A_1236 = arith.constant 64 : i32
      %mul3A_1237 = arith.muli %select_n3A_1232, %mul3A_1236 : i32
      %add3A_1238 = arith.addi %add3A_1235, %mul3A_1237 : i32
      %dma_wait3A_1239 = arith.constant 0 : i32
      %dma_wait3A_1240 = arith.constant 0 : i32
      %dma_wait3A_1241 = arith.constant 0 : i32
      %dma_wait3A_1242 = arith.constant 0 : i32
      %dma_wait3A_1243 = tpu.memref_slice %arg6[%dma_wait3A_1239, %dma_wait3A_1241, %dma_wait3A_1242] : memref<8x64x128xf32, #tpu.memory_space<vmem>> -> memref<1x64x128xf32, #tpu.memory_space<vmem>>
      %dma_wait3A_1244 = tpu.memref_squeeze %dma_wait3A_1243 : memref<1x64x128xf32, #tpu.memory_space<vmem>> -> memref<64x128xf32, #tpu.memory_space<vmem>>
      %dma_wait3A_1245 = arith.constant 0 : i32
      %dma_wait3A_1246 = tpu.memref_slice %arg4[%add3A_1238, %dma_wait3A_1245] : memref<819200x128xf32, #tpu.memory_space<hbm>> -> memref<64x128xf32, #tpu.memory_space<hbm>>
      %dma_wait3A_1247 = tpu.memref_slice %arg8[%dma_wait3A_1240] : memref<8x!tpu.dma_semaphore, #tpu.memory_space<semaphore_mem>> -> memref<1x!tpu.dma_semaphore, #tpu.memory_space<semaphore_mem>>
      %dma_wait3A_1248 = tpu.memref_squeeze %dma_wait3A_1247 : memref<1x!tpu.dma_semaphore, #tpu.memory_space<semaphore_mem>> -> memref<!tpu.dma_semaphore, #tpu.memory_space<semaphore_mem>>
      %dma_wait3A_1249 = arith.constant 0 : i32
      %dma_wait3A_1250 = tpu.memref_slice %arg4[%add3A_1238, %dma_wait3A_1249] : memref<819200x128xf32, #tpu.memory_space<hbm>> -> memref<64x128xf32, #tpu.memory_space<hbm>>
      %dma_wait3A_1251 = arith.constant 0 : i32
      %dma_wait3A_1252 = arith.constant 0 : i32
      %dma_wait3A_1253 = tpu.memref_slice %arg6[%dma_wait3A_1239, %dma_wait3A_1251, %dma_wait3A_1252] : memref<8x64x128xf32, #tpu.memory_space<vmem>> -> memref<1x64x128xf32, #tpu.memory_space<vmem>>
      %dma_wait3A_1254 = tpu.memref_squeeze %dma_wait3A_1253 : memref<1x64x128xf32, #tpu.memory_space<vmem>> -> memref<64x128xf32, #tpu.memory_space<vmem>>
      tpu.wait_dma2 semaphore(%dma_wait3A_1248 : memref<!tpu.dma_semaphore, #tpu.memory_space<semaphore_mem>>) src(%dma_wait3A_1254 : memref<64x128xf32, #tpu.memory_space<vmem>>) dst(%dma_wait3A_1250 : memref<64x128xf32, #tpu.memory_space<hbm>>)
      %add3A_1255 = arith.constant 8 : i32
      %add3A_1256 = arith.addi %mul3A_568, %add3A_1255 : i32
      %add3A_1257 = arith.constant 0 : i32
      %add3A_1258 = arith.addi %add3A_1256, %add3A_1257 : i32
      %jit3A_1259 = arith.constant 8 : i32
      %div3A_1260 = arith.divsi %add3A_1258, %jit3A_1259 : i32
      %sign3A_1261 = arith.constant 0 : i32
      %sign3A_1262 = arith.cmpi sgt, %add3A_1258, %sign3A_1261 : i32
      %sign3A_1263 = arith.extui %sign3A_1262 : i1 to i32
      %sign3A_1264 = arith.constant 0 : i32
      %sign3A_1265 = arith.cmpi slt, %add3A_1258, %sign3A_1264 : i32
      %sign3A_1266 = arith.extui %sign3A_1265 : i1 to i32
      %sign3A_1267 = arith.subi %sign3A_1263, %sign3A_1266 : i32
      %sign3A_1268 = arith.constant 0 : i32
      %sign3A_1269 = arith.cmpi sgt, %jit3A_1259, %sign3A_1268 : i32
      %sign3A_1270 = arith.extui %sign3A_1269 : i1 to i32
      %sign3A_1271 = arith.constant 0 : i32
      %sign3A_1272 = arith.cmpi slt, %jit3A_1259, %sign3A_1271 : i32
      %sign3A_1273 = arith.extui %sign3A_1272 : i1 to i32
      %sign3A_1274 = arith.subi %sign3A_1270, %sign3A_1273 : i32
      %ne3A_1275 = arith.cmpi ne, %sign3A_1267, %sign3A_1274 : i32
      %rem3A_1276 = arith.remsi %add3A_1258, %jit3A_1259 : i32
      %ne3A_1277 = arith.constant 0 : i32
      %ne3A_1278 = arith.cmpi ne, %rem3A_1276, %ne3A_1277 : i32
      %and3A_1279 = arith.andi %ne3A_1275, %ne3A_1278 : i1
      %sub3A_1280 = arith.constant 1 : i32
      %sub3A_1281 = arith.subi %div3A_1260, %sub3A_1280 : i32
      %select_n3A_1282 = arith.select %and3A_1279, %sub3A_1281, %div3A_1260 : i32
      %jit3A_1283 = arith.constant 8 : i32
      %eq3A_1284 = arith.constant 0 : i32
      %eq3A_1285 = arith.cmpi eq, %jit3A_1283, %eq3A_1284 : i32
      %jit3A_1286 = arith.constant 1 : i32
      %select_n3A_1287 = arith.select %eq3A_1285, %jit3A_1286, %jit3A_1283 : i32
      %rem3A_1288 = arith.remsi %add3A_1258, %select_n3A_1287 : i32
      %ne3A_1289 = arith.constant 0 : i32
      %ne3A_1290 = arith.cmpi ne, %rem3A_1288, %ne3A_1289 : i32
      %lt3A_1291 = arith.constant 0 : i32
      %lt3A_1292 = arith.cmpi slt, %rem3A_1288, %lt3A_1291 : i32
      %lt3A_1293 = arith.constant 0 : i32
      %lt3A_1294 = arith.cmpi slt, %select_n3A_1287, %lt3A_1293 : i32
      %ne3A_1295 = arith.xori %lt3A_1292, %lt3A_1294 : i1
      %and3A_1296 = arith.andi %ne3A_1295, %ne3A_1290 : i1
      %add3A_1297 = arith.addi %rem3A_1288, %select_n3A_1287 : i32
      %select_n3A_1298 = arith.select %and3A_1296, %add3A_1297, %rem3A_1288 : i32
      %mul3A_1299 = arith.constant 64 : i32
      %mul3A_1300 = arith.muli %select_n3A_1298, %mul3A_1299 : i32
      %dma_start3A_1301 = arith.constant 0 : i32
      %dma_start3A_1302 = arith.constant 0 : i32
      %dma_start3A_1303 = arith.constant 0 : i32
      %dma_start3A_1304 = arith.constant 0 : i32
      %dma_start3A_1305 = tpu.memref_slice %arg6[%dma_start3A_1301, %dma_start3A_1303, %dma_start3A_1304] : memref<8x64x128xf32, #tpu.memory_space<vmem>> -> memref<1x64x128xf32, #tpu.memory_space<vmem>>
      %dma_start3A_1306 = tpu.memref_squeeze %dma_start3A_1305 : memref<1x64x128xf32, #tpu.memory_space<vmem>> -> memref<64x128xf32, #tpu.memory_space<vmem>>
      %dma_start3A_1307 = tpu.memref_slice %arg5[%select_n3A_1282, %mul3A_1300] : memref<50x512xi32, #tpu.memory_space<vmem>> -> memref<1x64xi32, #tpu.memory_space<vmem>>
      %dma_start3A_1308 = tpu.memref_squeeze %dma_start3A_1307 : memref<1x64xi32, #tpu.memory_space<vmem>> -> memref<64xi32, #tpu.memory_space<vmem>>
      %dma_start3A_1309 = arith.constant 0 : i32
      %dma_start3A_1310 = arith.constant 0 : i32
      %dma_start3A_1311 = tpu.memref_slice %arg3[%dma_start3A_1309, %dma_start3A_1310] : memref<100000x128xf32, #tpu.memory_space<hbm>> -> memref<100000x128xf32, #tpu.memory_space<hbm>>
      %dma_start3A_1312 = tpu.memref_slice %arg7[%dma_start3A_1302] : memref<8x!tpu.dma_semaphore, #tpu.memory_space<semaphore_mem>> -> memref<1x!tpu.dma_semaphore, #tpu.memory_space<semaphore_mem>>
      %dma_start3A_1313 = tpu.memref_squeeze %dma_start3A_1312 : memref<1x!tpu.dma_semaphore, #tpu.memory_space<semaphore_mem>> -> memref<!tpu.dma_semaphore, #tpu.memory_space<semaphore_mem>>
      tpu.enqueue_indirect_dma source(%dma_start3A_1311 : memref<100000x128xf32, #tpu.memory_space<hbm>>) target(%dma_start3A_1306 : memref<64x128xf32, #tpu.memory_space<vmem>>) offsets(%dma_start3A_1308 : memref<64xi32, #tpu.memory_space<vmem>>) semaphore(%dma_start3A_1313 : memref<!tpu.dma_semaphore, #tpu.memory_space<semaphore_mem>>)
      %add3A_1314 = arith.constant 1 : i32
      %add3A_1315 = arith.addi %mul3A_568, %add3A_1314 : i32
      %jit3A_1316 = arith.constant 8 : i32
      %div3A_1317 = arith.divsi %add3A_1315, %jit3A_1316 : i32
      %sign3A_1318 = arith.constant 0 : i32
      %sign3A_1319 = arith.cmpi sgt, %add3A_1315, %sign3A_1318 : i32
      %sign3A_1320 = arith.extui %sign3A_1319 : i1 to i32
      %sign3A_1321 = arith.constant 0 : i32
      %sign3A_1322 = arith.cmpi slt, %add3A_1315, %sign3A_1321 : i32
      %sign3A_1323 = arith.extui %sign3A_1322 : i1 to i32
      %sign3A_1324 = arith.subi %sign3A_1320, %sign3A_1323 : i32
      %sign3A_1325 = arith.constant 0 : i32
      %sign3A_1326 = arith.cmpi sgt, %jit3A_1316, %sign3A_1325 : i32
      %sign3A_1327 = arith.extui %sign3A_1326 : i1 to i32
      %sign3A_1328 = arith.constant 0 : i32
      %sign3A_1329 = arith.cmpi slt, %jit3A_1316, %sign3A_1328 : i32
      %sign3A_1330 = arith.extui %sign3A_1329 : i1 to i32
      %sign3A_1331 = arith.subi %sign3A_1327, %sign3A_1330 : i32
      %ne3A_1332 = arith.cmpi ne, %sign3A_1324, %sign3A_1331 : i32
      %rem3A_1333 = arith.remsi %add3A_1315, %jit3A_1316 : i32
      %ne3A_1334 = arith.constant 0 : i32
      %ne3A_1335 = arith.cmpi ne, %rem3A_1333, %ne3A_1334 : i32
      %and3A_1336 = arith.andi %ne3A_1332, %ne3A_1335 : i1
      %sub3A_1337 = arith.constant 1 : i32
      %sub3A_1338 = arith.subi %div3A_1317, %sub3A_1337 : i32
      %select_n3A_1339 = arith.select %and3A_1336, %sub3A_1338, %div3A_1317 : i32
      %jit3A_1340 = arith.constant 8 : i32
      %eq3A_1341 = arith.constant 0 : i32
      %eq3A_1342 = arith.cmpi eq, %jit3A_1340, %eq3A_1341 : i32
      %jit3A_1343 = arith.constant 1 : i32
      %select_n3A_1344 = arith.select %eq3A_1342, %jit3A_1343, %jit3A_1340 : i32
      %rem3A_1345 = arith.remsi %add3A_1315, %select_n3A_1344 : i32
      %ne3A_1346 = arith.constant 0 : i32
      %ne3A_1347 = arith.cmpi ne, %rem3A_1345, %ne3A_1346 : i32
      %lt3A_1348 = arith.constant 0 : i32
      %lt3A_1349 = arith.cmpi slt, %rem3A_1345, %lt3A_1348 : i32
      %lt3A_1350 = arith.constant 0 : i32
      %lt3A_1351 = arith.cmpi slt, %select_n3A_1344, %lt3A_1350 : i32
      %ne3A_1352 = arith.xori %lt3A_1349, %lt3A_1351 : i1
      %and3A_1353 = arith.andi %ne3A_1352, %ne3A_1347 : i1
      %add3A_1354 = arith.addi %rem3A_1345, %select_n3A_1344 : i32
      %select_n3A_1355 = arith.select %and3A_1353, %add3A_1354, %rem3A_1345 : i32
      %mul3A_1356 = arith.constant 16384 : i32
      %mul3A_1357 = arith.muli %select_n3A_1339, %mul3A_1356 : i32
      %add3A_1358 = arith.addi %mul3A_1357, %mul3A_2 : i32
      %mul3A_1359 = arith.constant 64 : i32
      %mul3A_1360 = arith.muli %select_n3A_1355, %mul3A_1359 : i32
      %add3A_1361 = arith.addi %add3A_1358, %mul3A_1360 : i32
      %dma_wait3A_1362 = arith.constant 1 : i32
      %dma_wait3A_1363 = arith.constant 1 : i32
      %dma_wait3A_1364 = arith.constant 0 : i32
      %dma_wait3A_1365 = arith.constant 0 : i32
      %dma_wait3A_1366 = tpu.memref_slice %arg6[%dma_wait3A_1362, %dma_wait3A_1364, %dma_wait3A_1365] : memref<8x64x128xf32, #tpu.memory_space<vmem>> -> memref<1x64x128xf32, #tpu.memory_space<vmem>>
      %dma_wait3A_1367 = tpu.memref_squeeze %dma_wait3A_1366 : memref<1x64x128xf32, #tpu.memory_space<vmem>> -> memref<64x128xf32, #tpu.memory_space<vmem>>
      %dma_wait3A_1368 = arith.constant 0 : i32
      %dma_wait3A_1369 = tpu.memref_slice %arg4[%add3A_1361, %dma_wait3A_1368] : memref<819200x128xf32, #tpu.memory_space<hbm>> -> memref<64x128xf32, #tpu.memory_space<hbm>>
      %dma_wait3A_1370 = tpu.memref_slice %arg8[%dma_wait3A_1363] : memref<8x!tpu.dma_semaphore, #tpu.memory_space<semaphore_mem>> -> memref<1x!tpu.dma_semaphore, #tpu.memory_space<semaphore_mem>>
      %dma_wait3A_1371 = tpu.memref_squeeze %dma_wait3A_1370 : memref<1x!tpu.dma_semaphore, #tpu.memory_space<semaphore_mem>> -> memref<!tpu.dma_semaphore, #tpu.memory_space<semaphore_mem>>
      %dma_wait3A_1372 = arith.constant 0 : i32
      %dma_wait3A_1373 = tpu.memref_slice %arg4[%add3A_1361, %dma_wait3A_1372] : memref<819200x128xf32, #tpu.memory_space<hbm>> -> memref<64x128xf32, #tpu.memory_space<hbm>>
      %dma_wait3A_1374 = arith.constant 0 : i32
      %dma_wait3A_1375 = arith.constant 0 : i32
      %dma_wait3A_1376 = tpu.memref_slice %arg6[%dma_wait3A_1362, %dma_wait3A_1374, %dma_wait3A_1375] : memref<8x64x128xf32, #tpu.memory_space<vmem>> -> memref<1x64x128xf32, #tpu.memory_space<vmem>>
      %dma_wait3A_1377 = tpu.memref_squeeze %dma_wait3A_1376 : memref<1x64x128xf32, #tpu.memory_space<vmem>> -> memref<64x128xf32, #tpu.memory_space<vmem>>
      tpu.wait_dma2 semaphore(%dma_wait3A_1371 : memref<!tpu.dma_semaphore, #tpu.memory_space<semaphore_mem>>) src(%dma_wait3A_1377 : memref<64x128xf32, #tpu.memory_space<vmem>>) dst(%dma_wait3A_1373 : memref<64x128xf32, #tpu.memory_space<hbm>>)
      %add3A_1378 = arith.constant 8 : i32
      %add3A_1379 = arith.addi %mul3A_568, %add3A_1378 : i32
      %add3A_1380 = arith.constant 1 : i32
      %add3A_1381 = arith.addi %add3A_1379, %add3A_1380 : i32
      %jit3A_1382 = arith.constant 8 : i32
      %div3A_1383 = arith.divsi %add3A_1381, %jit3A_1382 : i32
      %sign3A_1384 = arith.constant 0 : i32
      %sign3A_1385 = arith.cmpi sgt, %add3A_1381, %sign3A_1384 : i32
      %sign3A_1386 = arith.extui %sign3A_1385 : i1 to i32
      %sign3A_1387 = arith.constant 0 : i32
      %sign3A_1388 = arith.cmpi slt, %add3A_1381, %sign3A_1387 : i32
      %sign3A_1389 = arith.extui %sign3A_1388 : i1 to i32
      %sign3A_1390 = arith.subi %sign3A_1386, %sign3A_1389 : i32
      %sign3A_1391 = arith.constant 0 : i32
      %sign3A_1392 = arith.cmpi sgt, %jit3A_1382, %sign3A_1391 : i32
      %sign3A_1393 = arith.extui %sign3A_1392 : i1 to i32
      %sign3A_1394 = arith.constant 0 : i32
      %sign3A_1395 = arith.cmpi slt, %jit3A_1382, %sign3A_1394 : i32
      %sign3A_1396 = arith.extui %sign3A_1395 : i1 to i32
      %sign3A_1397 = arith.subi %sign3A_1393, %sign3A_1396 : i32
      %ne3A_1398 = arith.cmpi ne, %sign3A_1390, %sign3A_1397 : i32
      %rem3A_1399 = arith.remsi %add3A_1381, %jit3A_1382 : i32
      %ne3A_1400 = arith.constant 0 : i32
      %ne3A_1401 = arith.cmpi ne, %rem3A_1399, %ne3A_1400 : i32
      %and3A_1402 = arith.andi %ne3A_1398, %ne3A_1401 : i1
      %sub3A_1403 = arith.constant 1 : i32
      %sub3A_1404 = arith.subi %div3A_1383, %sub3A_1403 : i32
      %select_n3A_1405 = arith.select %and3A_1402, %sub3A_1404, %div3A_1383 : i32
      %jit3A_1406 = arith.constant 8 : i32
      %eq3A_1407 = arith.constant 0 : i32
      %eq3A_1408 = arith.cmpi eq, %jit3A_1406, %eq3A_1407 : i32
      %jit3A_1409 = arith.constant 1 : i32
      %select_n3A_1410 = arith.select %eq3A_1408, %jit3A_1409, %jit3A_1406 : i32
      %rem3A_1411 = arith.remsi %add3A_1381, %select_n3A_1410 : i32
      %ne3A_1412 = arith.constant 0 : i32
      %ne3A_1413 = arith.cmpi ne, %rem3A_1411, %ne3A_1412 : i32
      %lt3A_1414 = arith.constant 0 : i32
      %lt3A_1415 = arith.cmpi slt, %rem3A_1411, %lt3A_1414 : i32
      %lt3A_1416 = arith.constant 0 : i32
      %lt3A_1417 = arith.cmpi slt, %select_n3A_1410, %lt3A_1416 : i32
      %ne3A_1418 = arith.xori %lt3A_1415, %lt3A_1417 : i1
      %and3A_1419 = arith.andi %ne3A_1418, %ne3A_1413 : i1
      %add3A_1420 = arith.addi %rem3A_1411, %select_n3A_1410 : i32
      %select_n3A_1421 = arith.select %and3A_1419, %add3A_1420, %rem3A_1411 : i32
      %mul3A_1422 = arith.constant 64 : i32
      %mul3A_1423 = arith.muli %select_n3A_1421, %mul3A_1422 : i32
      %dma_start3A_1424 = arith.constant 1 : i32
      %dma_start3A_1425 = arith.constant 1 : i32
      %dma_start3A_1426 = arith.constant 0 : i32
      %dma_start3A_1427 = arith.constant 0 : i32
      %dma_start3A_1428 = tpu.memref_slice %arg6[%dma_start3A_1424, %dma_start3A_1426, %dma_start3A_1427] : memref<8x64x128xf32, #tpu.memory_space<vmem>> -> memref<1x64x128xf32, #tpu.memory_space<vmem>>
      %dma_start3A_1429 = tpu.memref_squeeze %dma_start3A_1428 : memref<1x64x128xf32, #tpu.memory_space<vmem>> -> memref<64x128xf32, #tpu.memory_space<vmem>>
      %dma_start3A_1430 = tpu.memref_slice %arg5[%select_n3A_1405, %mul3A_1423] : memref<50x512xi32, #tpu.memory_space<vmem>> -> memref<1x64xi32, #tpu.memory_space<vmem>>
      %dma_start3A_1431 = tpu.memref_squeeze %dma_start3A_1430 : memref<1x64xi32, #tpu.memory_space<vmem>> -> memref<64xi32, #tpu.memory_space<vmem>>
      %dma_start3A_1432 = arith.constant 0 : i32
      %dma_start3A_1433 = arith.constant 0 : i32
      %dma_start3A_1434 = tpu.memref_slice %arg3[%dma_start3A_1432, %dma_start3A_1433] : memref<100000x128xf32, #tpu.memory_space<hbm>> -> memref<100000x128xf32, #tpu.memory_space<hbm>>
      %dma_start3A_1435 = tpu.memref_slice %arg7[%dma_start3A_1425] : memref<8x!tpu.dma_semaphore, #tpu.memory_space<semaphore_mem>> -> memref<1x!tpu.dma_semaphore, #tpu.memory_space<semaphore_mem>>
      %dma_start3A_1436 = tpu.memref_squeeze %dma_start3A_1435 : memref<1x!tpu.dma_semaphore, #tpu.memory_space<semaphore_mem>> -> memref<!tpu.dma_semaphore, #tpu.memory_space<semaphore_mem>>
      tpu.enqueue_indirect_dma source(%dma_start3A_1434 : memref<100000x128xf32, #tpu.memory_space<hbm>>) target(%dma_start3A_1429 : memref<64x128xf32, #tpu.memory_space<vmem>>) offsets(%dma_start3A_1431 : memref<64xi32, #tpu.memory_space<vmem>>) semaphore(%dma_start3A_1436 : memref<!tpu.dma_semaphore, #tpu.memory_space<semaphore_mem>>)
      %add3A_1437 = arith.constant 2 : i32
      %add3A_1438 = arith.addi %mul3A_568, %add3A_1437 : i32
      %jit3A_1439 = arith.constant 8 : i32
      %div3A_1440 = arith.divsi %add3A_1438, %jit3A_1439 : i32
      %sign3A_1441 = arith.constant 0 : i32
      %sign3A_1442 = arith.cmpi sgt, %add3A_1438, %sign3A_1441 : i32
      %sign3A_1443 = arith.extui %sign3A_1442 : i1 to i32
      %sign3A_1444 = arith.constant 0 : i32
      %sign3A_1445 = arith.cmpi slt, %add3A_1438, %sign3A_1444 : i32
      %sign3A_1446 = arith.extui %sign3A_1445 : i1 to i32
      %sign3A_1447 = arith.subi %sign3A_1443, %sign3A_1446 : i32
      %sign3A_1448 = arith.constant 0 : i32
      %sign3A_1449 = arith.cmpi sgt, %jit3A_1439, %sign3A_1448 : i32
      %sign3A_1450 = arith.extui %sign3A_1449 : i1 to i32
      %sign3A_1451 = arith.constant 0 : i32
      %sign3A_1452 = arith.cmpi slt, %jit3A_1439, %sign3A_1451 : i32
      %sign3A_1453 = arith.extui %sign3A_1452 : i1 to i32
      %sign3A_1454 = arith.subi %sign3A_1450, %sign3A_1453 : i32
      %ne3A_1455 = arith.cmpi ne, %sign3A_1447, %sign3A_1454 : i32
      %rem3A_1456 = arith.remsi %add3A_1438, %jit3A_1439 : i32
      %ne3A_1457 = arith.constant 0 : i32
      %ne3A_1458 = arith.cmpi ne, %rem3A_1456, %ne3A_1457 : i32
      %and3A_1459 = arith.andi %ne3A_1455, %ne3A_1458 : i1
      %sub3A_1460 = arith.constant 1 : i32
      %sub3A_1461 = arith.subi %div3A_1440, %sub3A_1460 : i32
      %select_n3A_1462 = arith.select %and3A_1459, %sub3A_1461, %div3A_1440 : i32
      %jit3A_1463 = arith.constant 8 : i32
      %eq3A_1464 = arith.constant 0 : i32
      %eq3A_1465 = arith.cmpi eq, %jit3A_1463, %eq3A_1464 : i32
      %jit3A_1466 = arith.constant 1 : i32
      %select_n3A_1467 = arith.select %eq3A_1465, %jit3A_1466, %jit3A_1463 : i32
      %rem3A_1468 = arith.remsi %add3A_1438, %select_n3A_1467 : i32
      %ne3A_1469 = arith.constant 0 : i32
      %ne3A_1470 = arith.cmpi ne, %rem3A_1468, %ne3A_1469 : i32
      %lt3A_1471 = arith.constant 0 : i32
      %lt3A_1472 = arith.cmpi slt, %rem3A_1468, %lt3A_1471 : i32
      %lt3A_1473 = arith.constant 0 : i32
      %lt3A_1474 = arith.cmpi slt, %select_n3A_1467, %lt3A_1473 : i32
      %ne3A_1475 = arith.xori %lt3A_1472, %lt3A_1474 : i1
      %and3A_1476 = arith.andi %ne3A_1475, %ne3A_1470 : i1
      %add3A_1477 = arith.addi %rem3A_1468, %select_n3A_1467 : i32
      %select_n3A_1478 = arith.select %and3A_1476, %add3A_1477, %rem3A_1468 : i32
      %mul3A_1479 = arith.constant 16384 : i32
      %mul3A_1480 = arith.muli %select_n3A_1462, %mul3A_1479 : i32
      %add3A_1481 = arith.addi %mul3A_1480, %mul3A_2 : i32
      %mul3A_1482 = arith.constant 64 : i32
      %mul3A_1483 = arith.muli %select_n3A_1478, %mul3A_1482 : i32
      %add3A_1484 = arith.addi %add3A_1481, %mul3A_1483 : i32
      %dma_wait3A_1485 = arith.constant 2 : i32
      %dma_wait3A_1486 = arith.constant 2 : i32
      %dma_wait3A_1487 = arith.constant 0 : i32
      %dma_wait3A_1488 = arith.constant 0 : i32
      %dma_wait3A_1489 = tpu.memref_slice %arg6[%dma_wait3A_1485, %dma_wait3A_1487, %dma_wait3A_1488] : memref<8x64x128xf32, #tpu.memory_space<vmem>> -> memref<1x64x128xf32, #tpu.memory_space<vmem>>
      %dma_wait3A_1490 = tpu.memref_squeeze %dma_wait3A_1489 : memref<1x64x128xf32, #tpu.memory_space<vmem>> -> memref<64x128xf32, #tpu.memory_space<vmem>>
      %dma_wait3A_1491 = arith.constant 0 : i32
      %dma_wait3A_1492 = tpu.memref_slice %arg4[%add3A_1484, %dma_wait3A_1491] : memref<819200x128xf32, #tpu.memory_space<hbm>> -> memref<64x128xf32, #tpu.memory_space<hbm>>
      %dma_wait3A_1493 = tpu.memref_slice %arg8[%dma_wait3A_1486] : memref<8x!tpu.dma_semaphore, #tpu.memory_space<semaphore_mem>> -> memref<1x!tpu.dma_semaphore, #tpu.memory_space<semaphore_mem>>
      %dma_wait3A_1494 = tpu.memref_squeeze %dma_wait3A_1493 : memref<1x!tpu.dma_semaphore, #tpu.memory_space<semaphore_mem>> -> memref<!tpu.dma_semaphore, #tpu.memory_space<semaphore_mem>>
      %dma_wait3A_1495 = arith.constant 0 : i32
      %dma_wait3A_1496 = tpu.memref_slice %arg4[%add3A_1484, %dma_wait3A_1495] : memref<819200x128xf32, #tpu.memory_space<hbm>> -> memref<64x128xf32, #tpu.memory_space<hbm>>
      %dma_wait3A_1497 = arith.constant 0 : i32
      %dma_wait3A_1498 = arith.constant 0 : i32
      %dma_wait3A_1499 = tpu.memref_slice %arg6[%dma_wait3A_1485, %dma_wait3A_1497, %dma_wait3A_1498] : memref<8x64x128xf32, #tpu.memory_space<vmem>> -> memref<1x64x128xf32, #tpu.memory_space<vmem>>
      %dma_wait3A_1500 = tpu.memref_squeeze %dma_wait3A_1499 : memref<1x64x128xf32, #tpu.memory_space<vmem>> -> memref<64x128xf32, #tpu.memory_space<vmem>>
      tpu.wait_dma2 semaphore(%dma_wait3A_1494 : memref<!tpu.dma_semaphore, #tpu.memory_space<semaphore_mem>>) src(%dma_wait3A_1500 : memref<64x128xf32, #tpu.memory_space<vmem>>) dst(%dma_wait3A_1496 : memref<64x128xf32, #tpu.memory_space<hbm>>)
      %add3A_1501 = arith.constant 8 : i32
      %add3A_1502 = arith.addi %mul3A_568, %add3A_1501 : i32
      %add3A_1503 = arith.constant 2 : i32
      %add3A_1504 = arith.addi %add3A_1502, %add3A_1503 : i32
      %jit3A_1505 = arith.constant 8 : i32
      %div3A_1506 = arith.divsi %add3A_1504, %jit3A_1505 : i32
      %sign3A_1507 = arith.constant 0 : i32
      %sign3A_1508 = arith.cmpi sgt, %add3A_1504, %sign3A_1507 : i32
      %sign3A_1509 = arith.extui %sign3A_1508 : i1 to i32
      %sign3A_1510 = arith.constant 0 : i32
      %sign3A_1511 = arith.cmpi slt, %add3A_1504, %sign3A_1510 : i32
      %sign3A_1512 = arith.extui %sign3A_1511 : i1 to i32
      %sign3A_1513 = arith.subi %sign3A_1509, %sign3A_1512 : i32
      %sign3A_1514 = arith.constant 0 : i32
      %sign3A_1515 = arith.cmpi sgt, %jit3A_1505, %sign3A_1514 : i32
      %sign3A_1516 = arith.extui %sign3A_1515 : i1 to i32
      %sign3A_1517 = arith.constant 0 : i32
      %sign3A_1518 = arith.cmpi slt, %jit3A_1505, %sign3A_1517 : i32
      %sign3A_1519 = arith.extui %sign3A_1518 : i1 to i32
      %sign3A_1520 = arith.subi %sign3A_1516, %sign3A_1519 : i32
      %ne3A_1521 = arith.cmpi ne, %sign3A_1513, %sign3A_1520 : i32
      %rem3A_1522 = arith.remsi %add3A_1504, %jit3A_1505 : i32
      %ne3A_1523 = arith.constant 0 : i32
      %ne3A_1524 = arith.cmpi ne, %rem3A_1522, %ne3A_1523 : i32
      %and3A_1525 = arith.andi %ne3A_1521, %ne3A_1524 : i1
      %sub3A_1526 = arith.constant 1 : i32
      %sub3A_1527 = arith.subi %div3A_1506, %sub3A_1526 : i32
      %select_n3A_1528 = arith.select %and3A_1525, %sub3A_1527, %div3A_1506 : i32
      %jit3A_1529 = arith.constant 8 : i32
      %eq3A_1530 = arith.constant 0 : i32
      %eq3A_1531 = arith.cmpi eq, %jit3A_1529, %eq3A_1530 : i32
      %jit3A_1532 = arith.constant 1 : i32
      %select_n3A_1533 = arith.select %eq3A_1531, %jit3A_1532, %jit3A_1529 : i32
      %rem3A_1534 = arith.remsi %add3A_1504, %select_n3A_1533 : i32
      %ne3A_1535 = arith.constant 0 : i32
      %ne3A_1536 = arith.cmpi ne, %rem3A_1534, %ne3A_1535 : i32
      %lt3A_1537 = arith.constant 0 : i32
      %lt3A_1538 = arith.cmpi slt, %rem3A_1534, %lt3A_1537 : i32
      %lt3A_1539 = arith.constant 0 : i32
      %lt3A_1540 = arith.cmpi slt, %select_n3A_1533, %lt3A_1539 : i32
      %ne3A_1541 = arith.xori %lt3A_1538, %lt3A_1540 : i1
      %and3A_1542 = arith.andi %ne3A_1541, %ne3A_1536 : i1
      %add3A_1543 = arith.addi %rem3A_1534, %select_n3A_1533 : i32
      %select_n3A_1544 = arith.select %and3A_1542, %add3A_1543, %rem3A_1534 : i32
      %mul3A_1545 = arith.constant 64 : i32
      %mul3A_1546 = arith.muli %select_n3A_1544, %mul3A_1545 : i32
      %dma_start3A_1547 = arith.constant 2 : i32
      %dma_start3A_1548 = arith.constant 2 : i32
      %dma_start3A_1549 = arith.constant 0 : i32
      %dma_start3A_1550 = arith.constant 0 : i32
      %dma_start3A_1551 = tpu.memref_slice %arg6[%dma_start3A_1547, %dma_start3A_1549, %dma_start3A_1550] : memref<8x64x128xf32, #tpu.memory_space<vmem>> -> memref<1x64x128xf32, #tpu.memory_space<vmem>>
      %dma_start3A_1552 = tpu.memref_squeeze %dma_start3A_1551 : memref<1x64x128xf32, #tpu.memory_space<vmem>> -> memref<64x128xf32, #tpu.memory_space<vmem>>
      %dma_start3A_1553 = tpu.memref_slice %arg5[%select_n3A_1528, %mul3A_1546] : memref<50x512xi32, #tpu.memory_space<vmem>> -> memref<1x64xi32, #tpu.memory_space<vmem>>
      %dma_start3A_1554 = tpu.memref_squeeze %dma_start3A_1553 : memref<1x64xi32, #tpu.memory_space<vmem>> -> memref<64xi32, #tpu.memory_space<vmem>>
      %dma_start3A_1555 = arith.constant 0 : i32
      %dma_start3A_1556 = arith.constant 0 : i32
      %dma_start3A_1557 = tpu.memref_slice %arg3[%dma_start3A_1555, %dma_start3A_1556] : memref<100000x128xf32, #tpu.memory_space<hbm>> -> memref<100000x128xf32, #tpu.memory_space<hbm>>
      %dma_start3A_1558 = tpu.memref_slice %arg7[%dma_start3A_1548] : memref<8x!tpu.dma_semaphore, #tpu.memory_space<semaphore_mem>> -> memref<1x!tpu.dma_semaphore, #tpu.memory_space<semaphore_mem>>
      %dma_start3A_1559 = tpu.memref_squeeze %dma_start3A_1558 : memref<1x!tpu.dma_semaphore, #tpu.memory_space<semaphore_mem>> -> memref<!tpu.dma_semaphore, #tpu.memory_space<semaphore_mem>>
      tpu.enqueue_indirect_dma source(%dma_start3A_1557 : memref<100000x128xf32, #tpu.memory_space<hbm>>) target(%dma_start3A_1552 : memref<64x128xf32, #tpu.memory_space<vmem>>) offsets(%dma_start3A_1554 : memref<64xi32, #tpu.memory_space<vmem>>) semaphore(%dma_start3A_1559 : memref<!tpu.dma_semaphore, #tpu.memory_space<semaphore_mem>>)
      %add3A_1560 = arith.constant 3 : i32
      %add3A_1561 = arith.addi %mul3A_568, %add3A_1560 : i32
      %jit3A_1562 = arith.constant 8 : i32
      %div3A_1563 = arith.divsi %add3A_1561, %jit3A_1562 : i32
      %sign3A_1564 = arith.constant 0 : i32
      %sign3A_1565 = arith.cmpi sgt, %add3A_1561, %sign3A_1564 : i32
      %sign3A_1566 = arith.extui %sign3A_1565 : i1 to i32
      %sign3A_1567 = arith.constant 0 : i32
      %sign3A_1568 = arith.cmpi slt, %add3A_1561, %sign3A_1567 : i32
      %sign3A_1569 = arith.extui %sign3A_1568 : i1 to i32
      %sign3A_1570 = arith.subi %sign3A_1566, %sign3A_1569 : i32
      %sign3A_1571 = arith.constant 0 : i32
      %sign3A_1572 = arith.cmpi sgt, %jit3A_1562, %sign3A_1571 : i32
      %sign3A_1573 = arith.extui %sign3A_1572 : i1 to i32
      %sign3A_1574 = arith.constant 0 : i32
      %sign3A_1575 = arith.cmpi slt, %jit3A_1562, %sign3A_1574 : i32
      %sign3A_1576 = arith.extui %sign3A_1575 : i1 to i32
      %sign3A_1577 = arith.subi %sign3A_1573, %sign3A_1576 : i32
      %ne3A_1578 = arith.cmpi ne, %sign3A_1570, %sign3A_1577 : i32
      %rem3A_1579 = arith.remsi %add3A_1561, %jit3A_1562 : i32
      %ne3A_1580 = arith.constant 0 : i32
      %ne3A_1581 = arith.cmpi ne, %rem3A_1579, %ne3A_1580 : i32
      %and3A_1582 = arith.andi %ne3A_1578, %ne3A_1581 : i1
      %sub3A_1583 = arith.constant 1 : i32
      %sub3A_1584 = arith.subi %div3A_1563, %sub3A_1583 : i32
      %select_n3A_1585 = arith.select %and3A_1582, %sub3A_1584, %div3A_1563 : i32
      %jit3A_1586 = arith.constant 8 : i32
      %eq3A_1587 = arith.constant 0 : i32
      %eq3A_1588 = arith.cmpi eq, %jit3A_1586, %eq3A_1587 : i32
      %jit3A_1589 = arith.constant 1 : i32
      %select_n3A_1590 = arith.select %eq3A_1588, %jit3A_1589, %jit3A_1586 : i32
      %rem3A_1591 = arith.remsi %add3A_1561, %select_n3A_1590 : i32
      %ne3A_1592 = arith.constant 0 : i32
      %ne3A_1593 = arith.cmpi ne, %rem3A_1591, %ne3A_1592 : i32
      %lt3A_1594 = arith.constant 0 : i32
      %lt3A_1595 = arith.cmpi slt, %rem3A_1591, %lt3A_1594 : i32
      %lt3A_1596 = arith.constant 0 : i32
      %lt3A_1597 = arith.cmpi slt, %select_n3A_1590, %lt3A_1596 : i32
      %ne3A_1598 = arith.xori %lt3A_1595, %lt3A_1597 : i1
      %and3A_1599 = arith.andi %ne3A_1598, %ne3A_1593 : i1
      %add3A_1600 = arith.addi %rem3A_1591, %select_n3A_1590 : i32
      %select_n3A_1601 = arith.select %and3A_1599, %add3A_1600, %rem3A_1591 : i32
      %mul3A_1602 = arith.constant 16384 : i32
      %mul3A_1603 = arith.muli %select_n3A_1585, %mul3A_1602 : i32
      %add3A_1604 = arith.addi %mul3A_1603, %mul3A_2 : i32
      %mul3A_1605 = arith.constant 64 : i32
      %mul3A_1606 = arith.muli %select_n3A_1601, %mul3A_1605 : i32
      %add3A_1607 = arith.addi %add3A_1604, %mul3A_1606 : i32
      %dma_wait3A_1608 = arith.constant 3 : i32
      %dma_wait3A_1609 = arith.constant 3 : i32
      %dma_wait3A_1610 = arith.constant 0 : i32
      %dma_wait3A_1611 = arith.constant 0 : i32
      %dma_wait3A_1612 = tpu.memref_slice %arg6[%dma_wait3A_1608, %dma_wait3A_1610, %dma_wait3A_1611] : memref<8x64x128xf32, #tpu.memory_space<vmem>> -> memref<1x64x128xf32, #tpu.memory_space<vmem>>
      %dma_wait3A_1613 = tpu.memref_squeeze %dma_wait3A_1612 : memref<1x64x128xf32, #tpu.memory_space<vmem>> -> memref<64x128xf32, #tpu.memory_space<vmem>>
      %dma_wait3A_1614 = arith.constant 0 : i32
      %dma_wait3A_1615 = tpu.memref_slice %arg4[%add3A_1607, %dma_wait3A_1614] : memref<819200x128xf32, #tpu.memory_space<hbm>> -> memref<64x128xf32, #tpu.memory_space<hbm>>
      %dma_wait3A_1616 = tpu.memref_slice %arg8[%dma_wait3A_1609] : memref<8x!tpu.dma_semaphore, #tpu.memory_space<semaphore_mem>> -> memref<1x!tpu.dma_semaphore, #tpu.memory_space<semaphore_mem>>
      %dma_wait3A_1617 = tpu.memref_squeeze %dma_wait3A_1616 : memref<1x!tpu.dma_semaphore, #tpu.memory_space<semaphore_mem>> -> memref<!tpu.dma_semaphore, #tpu.memory_space<semaphore_mem>>
      %dma_wait3A_1618 = arith.constant 0 : i32
      %dma_wait3A_1619 = tpu.memref_slice %arg4[%add3A_1607, %dma_wait3A_1618] : memref<819200x128xf32, #tpu.memory_space<hbm>> -> memref<64x128xf32, #tpu.memory_space<hbm>>
      %dma_wait3A_1620 = arith.constant 0 : i32
      %dma_wait3A_1621 = arith.constant 0 : i32
      %dma_wait3A_1622 = tpu.memref_slice %arg6[%dma_wait3A_1608, %dma_wait3A_1620, %dma_wait3A_1621] : memref<8x64x128xf32, #tpu.memory_space<vmem>> -> memref<1x64x128xf32, #tpu.memory_space<vmem>>
      %dma_wait3A_1623 = tpu.memref_squeeze %dma_wait3A_1622 : memref<1x64x128xf32, #tpu.memory_space<vmem>> -> memref<64x128xf32, #tpu.memory_space<vmem>>
      tpu.wait_dma2 semaphore(%dma_wait3A_1617 : memref<!tpu.dma_semaphore, #tpu.memory_space<semaphore_mem>>) src(%dma_wait3A_1623 : memref<64x128xf32, #tpu.memory_space<vmem>>) dst(%dma_wait3A_1619 : memref<64x128xf32, #tpu.memory_space<hbm>>)
      %add3A_1624 = arith.constant 8 : i32
      %add3A_1625 = arith.addi %mul3A_568, %add3A_1624 : i32
      %add3A_1626 = arith.constant 3 : i32
      %add3A_1627 = arith.addi %add3A_1625, %add3A_1626 : i32
      %jit3A_1628 = arith.constant 8 : i32
      %div3A_1629 = arith.divsi %add3A_1627, %jit3A_1628 : i32
      %sign3A_1630 = arith.constant 0 : i32
      %sign3A_1631 = arith.cmpi sgt, %add3A_1627, %sign3A_1630 : i32
      %sign3A_1632 = arith.extui %sign3A_1631 : i1 to i32
      %sign3A_1633 = arith.constant 0 : i32
      %sign3A_1634 = arith.cmpi slt, %add3A_1627, %sign3A_1633 : i32
      %sign3A_1635 = arith.extui %sign3A_1634 : i1 to i32
      %sign3A_1636 = arith.subi %sign3A_1632, %sign3A_1635 : i32
      %sign3A_1637 = arith.constant 0 : i32
      %sign3A_1638 = arith.cmpi sgt, %jit3A_1628, %sign3A_1637 : i32
      %sign3A_1639 = arith.extui %sign3A_1638 : i1 to i32
      %sign3A_1640 = arith.constant 0 : i32
      %sign3A_1641 = arith.cmpi slt, %jit3A_1628, %sign3A_1640 : i32
      %sign3A_1642 = arith.extui %sign3A_1641 : i1 to i32
      %sign3A_1643 = arith.subi %sign3A_1639, %sign3A_1642 : i32
      %ne3A_1644 = arith.cmpi ne, %sign3A_1636, %sign3A_1643 : i32
      %rem3A_1645 = arith.remsi %add3A_1627, %jit3A_1628 : i32
      %ne3A_1646 = arith.constant 0 : i32
      %ne3A_1647 = arith.cmpi ne, %rem3A_1645, %ne3A_1646 : i32
      %and3A_1648 = arith.andi %ne3A_1644, %ne3A_1647 : i1
      %sub3A_1649 = arith.constant 1 : i32
      %sub3A_1650 = arith.subi %div3A_1629, %sub3A_1649 : i32
      %select_n3A_1651 = arith.select %and3A_1648, %sub3A_1650, %div3A_1629 : i32
      %jit3A_1652 = arith.constant 8 : i32
      %eq3A_1653 = arith.constant 0 : i32
      %eq3A_1654 = arith.cmpi eq, %jit3A_1652, %eq3A_1653 : i32
      %jit3A_1655 = arith.constant 1 : i32
      %select_n3A_1656 = arith.select %eq3A_1654, %jit3A_1655, %jit3A_1652 : i32
      %rem3A_1657 = arith.remsi %add3A_1627, %select_n3A_1656 : i32
      %ne3A_1658 = arith.constant 0 : i32
      %ne3A_1659 = arith.cmpi ne, %rem3A_1657, %ne3A_1658 : i32
      %lt3A_1660 = arith.constant 0 : i32
      %lt3A_1661 = arith.cmpi slt, %rem3A_1657, %lt3A_1660 : i32
      %lt3A_1662 = arith.constant 0 : i32
      %lt3A_1663 = arith.cmpi slt, %select_n3A_1656, %lt3A_1662 : i32
      %ne3A_1664 = arith.xori %lt3A_1661, %lt3A_1663 : i1
      %and3A_1665 = arith.andi %ne3A_1664, %ne3A_1659 : i1
      %add3A_1666 = arith.addi %rem3A_1657, %select_n3A_1656 : i32
      %select_n3A_1667 = arith.select %and3A_1665, %add3A_1666, %rem3A_1657 : i32
      %mul3A_1668 = arith.constant 64 : i32
      %mul3A_1669 = arith.muli %select_n3A_1667, %mul3A_1668 : i32
      %dma_start3A_1670 = arith.constant 3 : i32
      %dma_start3A_1671 = arith.constant 3 : i32
      %dma_start3A_1672 = arith.constant 0 : i32
      %dma_start3A_1673 = arith.constant 0 : i32
      %dma_start3A_1674 = tpu.memref_slice %arg6[%dma_start3A_1670, %dma_start3A_1672, %dma_start3A_1673] : memref<8x64x128xf32, #tpu.memory_space<vmem>> -> memref<1x64x128xf32, #tpu.memory_space<vmem>>
      %dma_start3A_1675 = tpu.memref_squeeze %dma_start3A_1674 : memref<1x64x128xf32, #tpu.memory_space<vmem>> -> memref<64x128xf32, #tpu.memory_space<vmem>>
      %dma_start3A_1676 = tpu.memref_slice %arg5[%select_n3A_1651, %mul3A_1669] : memref<50x512xi32, #tpu.memory_space<vmem>> -> memref<1x64xi32, #tpu.memory_space<vmem>>
      %dma_start3A_1677 = tpu.memref_squeeze %dma_start3A_1676 : memref<1x64xi32, #tpu.memory_space<vmem>> -> memref<64xi32, #tpu.memory_space<vmem>>
      %dma_start3A_1678 = arith.constant 0 : i32
      %dma_start3A_1679 = arith.constant 0 : i32
      %dma_start3A_1680 = tpu.memref_slice %arg3[%dma_start3A_1678, %dma_start3A_1679] : memref<100000x128xf32, #tpu.memory_space<hbm>> -> memref<100000x128xf32, #tpu.memory_space<hbm>>
      %dma_start3A_1681 = tpu.memref_slice %arg7[%dma_start3A_1671] : memref<8x!tpu.dma_semaphore, #tpu.memory_space<semaphore_mem>> -> memref<1x!tpu.dma_semaphore, #tpu.memory_space<semaphore_mem>>
      %dma_start3A_1682 = tpu.memref_squeeze %dma_start3A_1681 : memref<1x!tpu.dma_semaphore, #tpu.memory_space<semaphore_mem>> -> memref<!tpu.dma_semaphore, #tpu.memory_space<semaphore_mem>>
      tpu.enqueue_indirect_dma source(%dma_start3A_1680 : memref<100000x128xf32, #tpu.memory_space<hbm>>) target(%dma_start3A_1675 : memref<64x128xf32, #tpu.memory_space<vmem>>) offsets(%dma_start3A_1677 : memref<64xi32, #tpu.memory_space<vmem>>) semaphore(%dma_start3A_1682 : memref<!tpu.dma_semaphore, #tpu.memory_space<semaphore_mem>>)
      %add3A_1683 = arith.constant 4 : i32
      %add3A_1684 = arith.addi %mul3A_568, %add3A_1683 : i32
      %jit3A_1685 = arith.constant 8 : i32
      %div3A_1686 = arith.divsi %add3A_1684, %jit3A_1685 : i32
      %sign3A_1687 = arith.constant 0 : i32
      %sign3A_1688 = arith.cmpi sgt, %add3A_1684, %sign3A_1687 : i32
      %sign3A_1689 = arith.extui %sign3A_1688 : i1 to i32
      %sign3A_1690 = arith.constant 0 : i32
      %sign3A_1691 = arith.cmpi slt, %add3A_1684, %sign3A_1690 : i32
      %sign3A_1692 = arith.extui %sign3A_1691 : i1 to i32
      %sign3A_1693 = arith.subi %sign3A_1689, %sign3A_1692 : i32
      %sign3A_1694 = arith.constant 0 : i32
      %sign3A_1695 = arith.cmpi sgt, %jit3A_1685, %sign3A_1694 : i32
      %sign3A_1696 = arith.extui %sign3A_1695 : i1 to i32
      %sign3A_1697 = arith.constant 0 : i32
      %sign3A_1698 = arith.cmpi slt, %jit3A_1685, %sign3A_1697 : i32
      %sign3A_1699 = arith.extui %sign3A_1698 : i1 to i32
      %sign3A_1700 = arith.subi %sign3A_1696, %sign3A_1699 : i32
      %ne3A_1701 = arith.cmpi ne, %sign3A_1693, %sign3A_1700 : i32
      %rem3A_1702 = arith.remsi %add3A_1684, %jit3A_1685 : i32
      %ne3A_1703 = arith.constant 0 : i32
      %ne3A_1704 = arith.cmpi ne, %rem3A_1702, %ne3A_1703 : i32
      %and3A_1705 = arith.andi %ne3A_1701, %ne3A_1704 : i1
      %sub3A_1706 = arith.constant 1 : i32
      %sub3A_1707 = arith.subi %div3A_1686, %sub3A_1706 : i32
      %select_n3A_1708 = arith.select %and3A_1705, %sub3A_1707, %div3A_1686 : i32
      %jit3A_1709 = arith.constant 8 : i32
      %eq3A_1710 = arith.constant 0 : i32
      %eq3A_1711 = arith.cmpi eq, %jit3A_1709, %eq3A_1710 : i32
      %jit3A_1712 = arith.constant 1 : i32
      %select_n3A_1713 = arith.select %eq3A_1711, %jit3A_1712, %jit3A_1709 : i32
      %rem3A_1714 = arith.remsi %add3A_1684, %select_n3A_1713 : i32
      %ne3A_1715 = arith.constant 0 : i32
      %ne3A_1716 = arith.cmpi ne, %rem3A_1714, %ne3A_1715 : i32
      %lt3A_1717 = arith.constant 0 : i32
      %lt3A_1718 = arith.cmpi slt, %rem3A_1714, %lt3A_1717 : i32
      %lt3A_1719 = arith.constant 0 : i32
      %lt3A_1720 = arith.cmpi slt, %select_n3A_1713, %lt3A_1719 : i32
      %ne3A_1721 = arith.xori %lt3A_1718, %lt3A_1720 : i1
      %and3A_1722 = arith.andi %ne3A_1721, %ne3A_1716 : i1
      %add3A_1723 = arith.addi %rem3A_1714, %select_n3A_1713 : i32
      %select_n3A_1724 = arith.select %and3A_1722, %add3A_1723, %rem3A_1714 : i32
      %mul3A_1725 = arith.constant 16384 : i32
      %mul3A_1726 = arith.muli %select_n3A_1708, %mul3A_1725 : i32
      %add3A_1727 = arith.addi %mul3A_1726, %mul3A_2 : i32
      %mul3A_1728 = arith.constant 64 : i32
      %mul3A_1729 = arith.muli %select_n3A_1724, %mul3A_1728 : i32
      %add3A_1730 = arith.addi %add3A_1727, %mul3A_1729 : i32
      %dma_wait3A_1731 = arith.constant 4 : i32
      %dma_wait3A_1732 = arith.constant 4 : i32
      %dma_wait3A_1733 = arith.constant 0 : i32
      %dma_wait3A_1734 = arith.constant 0 : i32
      %dma_wait3A_1735 = tpu.memref_slice %arg6[%dma_wait3A_1731, %dma_wait3A_1733, %dma_wait3A_1734] : memref<8x64x128xf32, #tpu.memory_space<vmem>> -> memref<1x64x128xf32, #tpu.memory_space<vmem>>
      %dma_wait3A_1736 = tpu.memref_squeeze %dma_wait3A_1735 : memref<1x64x128xf32, #tpu.memory_space<vmem>> -> memref<64x128xf32, #tpu.memory_space<vmem>>
      %dma_wait3A_1737 = arith.constant 0 : i32
      %dma_wait3A_1738 = tpu.memref_slice %arg4[%add3A_1730, %dma_wait3A_1737] : memref<819200x128xf32, #tpu.memory_space<hbm>> -> memref<64x128xf32, #tpu.memory_space<hbm>>
      %dma_wait3A_1739 = tpu.memref_slice %arg8[%dma_wait3A_1732] : memref<8x!tpu.dma_semaphore, #tpu.memory_space<semaphore_mem>> -> memref<1x!tpu.dma_semaphore, #tpu.memory_space<semaphore_mem>>
      %dma_wait3A_1740 = tpu.memref_squeeze %dma_wait3A_1739 : memref<1x!tpu.dma_semaphore, #tpu.memory_space<semaphore_mem>> -> memref<!tpu.dma_semaphore, #tpu.memory_space<semaphore_mem>>
      %dma_wait3A_1741 = arith.constant 0 : i32
      %dma_wait3A_1742 = tpu.memref_slice %arg4[%add3A_1730, %dma_wait3A_1741] : memref<819200x128xf32, #tpu.memory_space<hbm>> -> memref<64x128xf32, #tpu.memory_space<hbm>>
      %dma_wait3A_1743 = arith.constant 0 : i32
      %dma_wait3A_1744 = arith.constant 0 : i32
      %dma_wait3A_1745 = tpu.memref_slice %arg6[%dma_wait3A_1731, %dma_wait3A_1743, %dma_wait3A_1744] : memref<8x64x128xf32, #tpu.memory_space<vmem>> -> memref<1x64x128xf32, #tpu.memory_space<vmem>>
      %dma_wait3A_1746 = tpu.memref_squeeze %dma_wait3A_1745 : memref<1x64x128xf32, #tpu.memory_space<vmem>> -> memref<64x128xf32, #tpu.memory_space<vmem>>
      tpu.wait_dma2 semaphore(%dma_wait3A_1740 : memref<!tpu.dma_semaphore, #tpu.memory_space<semaphore_mem>>) src(%dma_wait3A_1746 : memref<64x128xf32, #tpu.memory_space<vmem>>) dst(%dma_wait3A_1742 : memref<64x128xf32, #tpu.memory_space<hbm>>)
      %add3A_1747 = arith.constant 8 : i32
      %add3A_1748 = arith.addi %mul3A_568, %add3A_1747 : i32
      %add3A_1749 = arith.constant 4 : i32
      %add3A_1750 = arith.addi %add3A_1748, %add3A_1749 : i32
      %jit3A_1751 = arith.constant 8 : i32
      %div3A_1752 = arith.divsi %add3A_1750, %jit3A_1751 : i32
      %sign3A_1753 = arith.constant 0 : i32
      %sign3A_1754 = arith.cmpi sgt, %add3A_1750, %sign3A_1753 : i32
      %sign3A_1755 = arith.extui %sign3A_1754 : i1 to i32
      %sign3A_1756 = arith.constant 0 : i32
      %sign3A_1757 = arith.cmpi slt, %add3A_1750, %sign3A_1756 : i32
      %sign3A_1758 = arith.extui %sign3A_1757 : i1 to i32
      %sign3A_1759 = arith.subi %sign3A_1755, %sign3A_1758 : i32
      %sign3A_1760 = arith.constant 0 : i32
      %sign3A_1761 = arith.cmpi sgt, %jit3A_1751, %sign3A_1760 : i32
      %sign3A_1762 = arith.extui %sign3A_1761 : i1 to i32
      %sign3A_1763 = arith.constant 0 : i32
      %sign3A_1764 = arith.cmpi slt, %jit3A_1751, %sign3A_1763 : i32
      %sign3A_1765 = arith.extui %sign3A_1764 : i1 to i32
      %sign3A_1766 = arith.subi %sign3A_1762, %sign3A_1765 : i32
      %ne3A_1767 = arith.cmpi ne, %sign3A_1759, %sign3A_1766 : i32
      %rem3A_1768 = arith.remsi %add3A_1750, %jit3A_1751 : i32
      %ne3A_1769 = arith.constant 0 : i32
      %ne3A_1770 = arith.cmpi ne, %rem3A_1768, %ne3A_1769 : i32
      %and3A_1771 = arith.andi %ne3A_1767, %ne3A_1770 : i1
      %sub3A_1772 = arith.constant 1 : i32
      %sub3A_1773 = arith.subi %div3A_1752, %sub3A_1772 : i32
      %select_n3A_1774 = arith.select %and3A_1771, %sub3A_1773, %div3A_1752 : i32
      %jit3A_1775 = arith.constant 8 : i32
      %eq3A_1776 = arith.constant 0 : i32
      %eq3A_1777 = arith.cmpi eq, %jit3A_1775, %eq3A_1776 : i32
      %jit3A_1778 = arith.constant 1 : i32
      %select_n3A_1779 = arith.select %eq3A_1777, %jit3A_1778, %jit3A_1775 : i32
      %rem3A_1780 = arith.remsi %add3A_1750, %select_n3A_1779 : i32
      %ne3A_1781 = arith.constant 0 : i32
      %ne3A_1782 = arith.cmpi ne, %rem3A_1780, %ne3A_1781 : i32
      %lt3A_1783 = arith.constant 0 : i32
      %lt3A_1784 = arith.cmpi slt, %rem3A_1780, %lt3A_1783 : i32
      %lt3A_1785 = arith.constant 0 : i32
      %lt3A_1786 = arith.cmpi slt, %select_n3A_1779, %lt3A_1785 : i32
      %ne3A_1787 = arith.xori %lt3A_1784, %lt3A_1786 : i1
      %and3A_1788 = arith.andi %ne3A_1787, %ne3A_1782 : i1
      %add3A_1789 = arith.addi %rem3A_1780, %select_n3A_1779 : i32
      %select_n3A_1790 = arith.select %and3A_1788, %add3A_1789, %rem3A_1780 : i32
      %mul3A_1791 = arith.constant 64 : i32
      %mul3A_1792 = arith.muli %select_n3A_1790, %mul3A_1791 : i32
      %dma_start3A_1793 = arith.constant 4 : i32
      %dma_start3A_1794 = arith.constant 4 : i32
      %dma_start3A_1795 = arith.constant 0 : i32
      %dma_start3A_1796 = arith.constant 0 : i32
      %dma_start3A_1797 = tpu.memref_slice %arg6[%dma_start3A_1793, %dma_start3A_1795, %dma_start3A_1796] : memref<8x64x128xf32, #tpu.memory_space<vmem>> -> memref<1x64x128xf32, #tpu.memory_space<vmem>>
      %dma_start3A_1798 = tpu.memref_squeeze %dma_start3A_1797 : memref<1x64x128xf32, #tpu.memory_space<vmem>> -> memref<64x128xf32, #tpu.memory_space<vmem>>
      %dma_start3A_1799 = tpu.memref_slice %arg5[%select_n3A_1774, %mul3A_1792] : memref<50x512xi32, #tpu.memory_space<vmem>> -> memref<1x64xi32, #tpu.memory_space<vmem>>
      %dma_start3A_1800 = tpu.memref_squeeze %dma_start3A_1799 : memref<1x64xi32, #tpu.memory_space<vmem>> -> memref<64xi32, #tpu.memory_space<vmem>>
      %dma_start3A_1801 = arith.constant 0 : i32
      %dma_start3A_1802 = arith.constant 0 : i32
      %dma_start3A_1803 = tpu.memref_slice %arg3[%dma_start3A_1801, %dma_start3A_1802] : memref<100000x128xf32, #tpu.memory_space<hbm>> -> memref<100000x128xf32, #tpu.memory_space<hbm>>
      %dma_start3A_1804 = tpu.memref_slice %arg7[%dma_start3A_1794] : memref<8x!tpu.dma_semaphore, #tpu.memory_space<semaphore_mem>> -> memref<1x!tpu.dma_semaphore, #tpu.memory_space<semaphore_mem>>
      %dma_start3A_1805 = tpu.memref_squeeze %dma_start3A_1804 : memref<1x!tpu.dma_semaphore, #tpu.memory_space<semaphore_mem>> -> memref<!tpu.dma_semaphore, #tpu.memory_space<semaphore_mem>>
      tpu.enqueue_indirect_dma source(%dma_start3A_1803 : memref<100000x128xf32, #tpu.memory_space<hbm>>) target(%dma_start3A_1798 : memref<64x128xf32, #tpu.memory_space<vmem>>) offsets(%dma_start3A_1800 : memref<64xi32, #tpu.memory_space<vmem>>) semaphore(%dma_start3A_1805 : memref<!tpu.dma_semaphore, #tpu.memory_space<semaphore_mem>>)
      %add3A_1806 = arith.constant 5 : i32
      %add3A_1807 = arith.addi %mul3A_568, %add3A_1806 : i32
      %jit3A_1808 = arith.constant 8 : i32
      %div3A_1809 = arith.divsi %add3A_1807, %jit3A_1808 : i32
      %sign3A_1810 = arith.constant 0 : i32
      %sign3A_1811 = arith.cmpi sgt, %add3A_1807, %sign3A_1810 : i32
      %sign3A_1812 = arith.extui %sign3A_1811 : i1 to i32
      %sign3A_1813 = arith.constant 0 : i32
      %sign3A_1814 = arith.cmpi slt, %add3A_1807, %sign3A_1813 : i32
      %sign3A_1815 = arith.extui %sign3A_1814 : i1 to i32
      %sign3A_1816 = arith.subi %sign3A_1812, %sign3A_1815 : i32
      %sign3A_1817 = arith.constant 0 : i32
      %sign3A_1818 = arith.cmpi sgt, %jit3A_1808, %sign3A_1817 : i32
      %sign3A_1819 = arith.extui %sign3A_1818 : i1 to i32
      %sign3A_1820 = arith.constant 0 : i32
      %sign3A_1821 = arith.cmpi slt, %jit3A_1808, %sign3A_1820 : i32
      %sign3A_1822 = arith.extui %sign3A_1821 : i1 to i32
      %sign3A_1823 = arith.subi %sign3A_1819, %sign3A_1822 : i32
      %ne3A_1824 = arith.cmpi ne, %sign3A_1816, %sign3A_1823 : i32
      %rem3A_1825 = arith.remsi %add3A_1807, %jit3A_1808 : i32
      %ne3A_1826 = arith.constant 0 : i32
      %ne3A_1827 = arith.cmpi ne, %rem3A_1825, %ne3A_1826 : i32
      %and3A_1828 = arith.andi %ne3A_1824, %ne3A_1827 : i1
      %sub3A_1829 = arith.constant 1 : i32
      %sub3A_1830 = arith.subi %div3A_1809, %sub3A_1829 : i32
      %select_n3A_1831 = arith.select %and3A_1828, %sub3A_1830, %div3A_1809 : i32
      %jit3A_1832 = arith.constant 8 : i32
      %eq3A_1833 = arith.constant 0 : i32
      %eq3A_1834 = arith.cmpi eq, %jit3A_1832, %eq3A_1833 : i32
      %jit3A_1835 = arith.constant 1 : i32
      %select_n3A_1836 = arith.select %eq3A_1834, %jit3A_1835, %jit3A_1832 : i32
      %rem3A_1837 = arith.remsi %add3A_1807, %select_n3A_1836 : i32
      %ne3A_1838 = arith.constant 0 : i32
      %ne3A_1839 = arith.cmpi ne, %rem3A_1837, %ne3A_1838 : i32
      %lt3A_1840 = arith.constant 0 : i32
      %lt3A_1841 = arith.cmpi slt, %rem3A_1837, %lt3A_1840 : i32
      %lt3A_1842 = arith.constant 0 : i32
      %lt3A_1843 = arith.cmpi slt, %select_n3A_1836, %lt3A_1842 : i32
      %ne3A_1844 = arith.xori %lt3A_1841, %lt3A_1843 : i1
      %and3A_1845 = arith.andi %ne3A_1844, %ne3A_1839 : i1
      %add3A_1846 = arith.addi %rem3A_1837, %select_n3A_1836 : i32
      %select_n3A_1847 = arith.select %and3A_1845, %add3A_1846, %rem3A_1837 : i32
      %mul3A_1848 = arith.constant 16384 : i32
      %mul3A_1849 = arith.muli %select_n3A_1831, %mul3A_1848 : i32
      %add3A_1850 = arith.addi %mul3A_1849, %mul3A_2 : i32
      %mul3A_1851 = arith.constant 64 : i32
      %mul3A_1852 = arith.muli %select_n3A_1847, %mul3A_1851 : i32
      %add3A_1853 = arith.addi %add3A_1850, %mul3A_1852 : i32
      %dma_wait3A_1854 = arith.constant 5 : i32
      %dma_wait3A_1855 = arith.constant 5 : i32
      %dma_wait3A_1856 = arith.constant 0 : i32
      %dma_wait3A_1857 = arith.constant 0 : i32
      %dma_wait3A_1858 = tpu.memref_slice %arg6[%dma_wait3A_1854, %dma_wait3A_1856, %dma_wait3A_1857] : memref<8x64x128xf32, #tpu.memory_space<vmem>> -> memref<1x64x128xf32, #tpu.memory_space<vmem>>
      %dma_wait3A_1859 = tpu.memref_squeeze %dma_wait3A_1858 : memref<1x64x128xf32, #tpu.memory_space<vmem>> -> memref<64x128xf32, #tpu.memory_space<vmem>>
      %dma_wait3A_1860 = arith.constant 0 : i32
      %dma_wait3A_1861 = tpu.memref_slice %arg4[%add3A_1853, %dma_wait3A_1860] : memref<819200x128xf32, #tpu.memory_space<hbm>> -> memref<64x128xf32, #tpu.memory_space<hbm>>
      %dma_wait3A_1862 = tpu.memref_slice %arg8[%dma_wait3A_1855] : memref<8x!tpu.dma_semaphore, #tpu.memory_space<semaphore_mem>> -> memref<1x!tpu.dma_semaphore, #tpu.memory_space<semaphore_mem>>
      %dma_wait3A_1863 = tpu.memref_squeeze %dma_wait3A_1862 : memref<1x!tpu.dma_semaphore, #tpu.memory_space<semaphore_mem>> -> memref<!tpu.dma_semaphore, #tpu.memory_space<semaphore_mem>>
      %dma_wait3A_1864 = arith.constant 0 : i32
      %dma_wait3A_1865 = tpu.memref_slice %arg4[%add3A_1853, %dma_wait3A_1864] : memref<819200x128xf32, #tpu.memory_space<hbm>> -> memref<64x128xf32, #tpu.memory_space<hbm>>
      %dma_wait3A_1866 = arith.constant 0 : i32
      %dma_wait3A_1867 = arith.constant 0 : i32
      %dma_wait3A_1868 = tpu.memref_slice %arg6[%dma_wait3A_1854, %dma_wait3A_1866, %dma_wait3A_1867] : memref<8x64x128xf32, #tpu.memory_space<vmem>> -> memref<1x64x128xf32, #tpu.memory_space<vmem>>
      %dma_wait3A_1869 = tpu.memref_squeeze %dma_wait3A_1868 : memref<1x64x128xf32, #tpu.memory_space<vmem>> -> memref<64x128xf32, #tpu.memory_space<vmem>>
      tpu.wait_dma2 semaphore(%dma_wait3A_1863 : memref<!tpu.dma_semaphore, #tpu.memory_space<semaphore_mem>>) src(%dma_wait3A_1869 : memref<64x128xf32, #tpu.memory_space<vmem>>) dst(%dma_wait3A_1865 : memref<64x128xf32, #tpu.memory_space<hbm>>)
      %add3A_1870 = arith.constant 8 : i32
      %add3A_1871 = arith.addi %mul3A_568, %add3A_1870 : i32
      %add3A_1872 = arith.constant 5 : i32
      %add3A_1873 = arith.addi %add3A_1871, %add3A_1872 : i32
      %jit3A_1874 = arith.constant 8 : i32
      %div3A_1875 = arith.divsi %add3A_1873, %jit3A_1874 : i32
      %sign3A_1876 = arith.constant 0 : i32
      %sign3A_1877 = arith.cmpi sgt, %add3A_1873, %sign3A_1876 : i32
      %sign3A_1878 = arith.extui %sign3A_1877 : i1 to i32
      %sign3A_1879 = arith.constant 0 : i32
      %sign3A_1880 = arith.cmpi slt, %add3A_1873, %sign3A_1879 : i32
      %sign3A_1881 = arith.extui %sign3A_1880 : i1 to i32
      %sign3A_1882 = arith.subi %sign3A_1878, %sign3A_1881 : i32
      %sign3A_1883 = arith.constant 0 : i32
      %sign3A_1884 = arith.cmpi sgt, %jit3A_1874, %sign3A_1883 : i32
      %sign3A_1885 = arith.extui %sign3A_1884 : i1 to i32
      %sign3A_1886 = arith.constant 0 : i32
      %sign3A_1887 = arith.cmpi slt, %jit3A_1874, %sign3A_1886 : i32
      %sign3A_1888 = arith.extui %sign3A_1887 : i1 to i32
      %sign3A_1889 = arith.subi %sign3A_1885, %sign3A_1888 : i32
      %ne3A_1890 = arith.cmpi ne, %sign3A_1882, %sign3A_1889 : i32
      %rem3A_1891 = arith.remsi %add3A_1873, %jit3A_1874 : i32
      %ne3A_1892 = arith.constant 0 : i32
      %ne3A_1893 = arith.cmpi ne, %rem3A_1891, %ne3A_1892 : i32
      %and3A_1894 = arith.andi %ne3A_1890, %ne3A_1893 : i1
      %sub3A_1895 = arith.constant 1 : i32
      %sub3A_1896 = arith.subi %div3A_1875, %sub3A_1895 : i32
      %select_n3A_1897 = arith.select %and3A_1894, %sub3A_1896, %div3A_1875 : i32
      %jit3A_1898 = arith.constant 8 : i32
      %eq3A_1899 = arith.constant 0 : i32
      %eq3A_1900 = arith.cmpi eq, %jit3A_1898, %eq3A_1899 : i32
      %jit3A_1901 = arith.constant 1 : i32
      %select_n3A_1902 = arith.select %eq3A_1900, %jit3A_1901, %jit3A_1898 : i32
      %rem3A_1903 = arith.remsi %add3A_1873, %select_n3A_1902 : i32
      %ne3A_1904 = arith.constant 0 : i32
      %ne3A_1905 = arith.cmpi ne, %rem3A_1903, %ne3A_1904 : i32
      %lt3A_1906 = arith.constant 0 : i32
      %lt3A_1907 = arith.cmpi slt, %rem3A_1903, %lt3A_1906 : i32
      %lt3A_1908 = arith.constant 0 : i32
      %lt3A_1909 = arith.cmpi slt, %select_n3A_1902, %lt3A_1908 : i32
      %ne3A_1910 = arith.xori %lt3A_1907, %lt3A_1909 : i1
      %and3A_1911 = arith.andi %ne3A_1910, %ne3A_1905 : i1
      %add3A_1912 = arith.addi %rem3A_1903, %select_n3A_1902 : i32
      %select_n3A_1913 = arith.select %and3A_1911, %add3A_1912, %rem3A_1903 : i32
      %mul3A_1914 = arith.constant 64 : i32
      %mul3A_1915 = arith.muli %select_n3A_1913, %mul3A_1914 : i32
      %dma_start3A_1916 = arith.constant 5 : i32
      %dma_start3A_1917 = arith.constant 5 : i32
      %dma_start3A_1918 = arith.constant 0 : i32
      %dma_start3A_1919 = arith.constant 0 : i32
      %dma_start3A_1920 = tpu.memref_slice %arg6[%dma_start3A_1916, %dma_start3A_1918, %dma_start3A_1919] : memref<8x64x128xf32, #tpu.memory_space<vmem>> -> memref<1x64x128xf32, #tpu.memory_space<vmem>>
      %dma_start3A_1921 = tpu.memref_squeeze %dma_start3A_1920 : memref<1x64x128xf32, #tpu.memory_space<vmem>> -> memref<64x128xf32, #tpu.memory_space<vmem>>
      %dma_start3A_1922 = tpu.memref_slice %arg5[%select_n3A_1897, %mul3A_1915] : memref<50x512xi32, #tpu.memory_space<vmem>> -> memref<1x64xi32, #tpu.memory_space<vmem>>
      %dma_start3A_1923 = tpu.memref_squeeze %dma_start3A_1922 : memref<1x64xi32, #tpu.memory_space<vmem>> -> memref<64xi32, #tpu.memory_space<vmem>>
      %dma_start3A_1924 = arith.constant 0 : i32
      %dma_start3A_1925 = arith.constant 0 : i32
      %dma_start3A_1926 = tpu.memref_slice %arg3[%dma_start3A_1924, %dma_start3A_1925] : memref<100000x128xf32, #tpu.memory_space<hbm>> -> memref<100000x128xf32, #tpu.memory_space<hbm>>
      %dma_start3A_1927 = tpu.memref_slice %arg7[%dma_start3A_1917] : memref<8x!tpu.dma_semaphore, #tpu.memory_space<semaphore_mem>> -> memref<1x!tpu.dma_semaphore, #tpu.memory_space<semaphore_mem>>
      %dma_start3A_1928 = tpu.memref_squeeze %dma_start3A_1927 : memref<1x!tpu.dma_semaphore, #tpu.memory_space<semaphore_mem>> -> memref<!tpu.dma_semaphore, #tpu.memory_space<semaphore_mem>>
      tpu.enqueue_indirect_dma source(%dma_start3A_1926 : memref<100000x128xf32, #tpu.memory_space<hbm>>) target(%dma_start3A_1921 : memref<64x128xf32, #tpu.memory_space<vmem>>) offsets(%dma_start3A_1923 : memref<64xi32, #tpu.memory_space<vmem>>) semaphore(%dma_start3A_1928 : memref<!tpu.dma_semaphore, #tpu.memory_space<semaphore_mem>>)
      %add3A_1929 = arith.constant 6 : i32
      %add3A_1930 = arith.addi %mul3A_568, %add3A_1929 : i32
      %jit3A_1931 = arith.constant 8 : i32
      %div3A_1932 = arith.divsi %add3A_1930, %jit3A_1931 : i32
      %sign3A_1933 = arith.constant 0 : i32
      %sign3A_1934 = arith.cmpi sgt, %add3A_1930, %sign3A_1933 : i32
      %sign3A_1935 = arith.extui %sign3A_1934 : i1 to i32
      %sign3A_1936 = arith.constant 0 : i32
      %sign3A_1937 = arith.cmpi slt, %add3A_1930, %sign3A_1936 : i32
      %sign3A_1938 = arith.extui %sign3A_1937 : i1 to i32
      %sign3A_1939 = arith.subi %sign3A_1935, %sign3A_1938 : i32
      %sign3A_1940 = arith.constant 0 : i32
      %sign3A_1941 = arith.cmpi sgt, %jit3A_1931, %sign3A_1940 : i32
      %sign3A_1942 = arith.extui %sign3A_1941 : i1 to i32
      %sign3A_1943 = arith.constant 0 : i32
      %sign3A_1944 = arith.cmpi slt, %jit3A_1931, %sign3A_1943 : i32
      %sign3A_1945 = arith.extui %sign3A_1944 : i1 to i32
      %sign3A_1946 = arith.subi %sign3A_1942, %sign3A_1945 : i32
      %ne3A_1947 = arith.cmpi ne, %sign3A_1939, %sign3A_1946 : i32
      %rem3A_1948 = arith.remsi %add3A_1930, %jit3A_1931 : i32
      %ne3A_1949 = arith.constant 0 : i32
      %ne3A_1950 = arith.cmpi ne, %rem3A_1948, %ne3A_1949 : i32
      %and3A_1951 = arith.andi %ne3A_1947, %ne3A_1950 : i1
      %sub3A_1952 = arith.constant 1 : i32
      %sub3A_1953 = arith.subi %div3A_1932, %sub3A_1952 : i32
      %select_n3A_1954 = arith.select %and3A_1951, %sub3A_1953, %div3A_1932 : i32
      %jit3A_1955 = arith.constant 8 : i32
      %eq3A_1956 = arith.constant 0 : i32
      %eq3A_1957 = arith.cmpi eq, %jit3A_1955, %eq3A_1956 : i32
      %jit3A_1958 = arith.constant 1 : i32
      %select_n3A_1959 = arith.select %eq3A_1957, %jit3A_1958, %jit3A_1955 : i32
      %rem3A_1960 = arith.remsi %add3A_1930, %select_n3A_1959 : i32
      %ne3A_1961 = arith.constant 0 : i32
      %ne3A_1962 = arith.cmpi ne, %rem3A_1960, %ne3A_1961 : i32
      %lt3A_1963 = arith.constant 0 : i32
      %lt3A_1964 = arith.cmpi slt, %rem3A_1960, %lt3A_1963 : i32
      %lt3A_1965 = arith.constant 0 : i32
      %lt3A_1966 = arith.cmpi slt, %select_n3A_1959, %lt3A_1965 : i32
      %ne3A_1967 = arith.xori %lt3A_1964, %lt3A_1966 : i1
      %and3A_1968 = arith.andi %ne3A_1967, %ne3A_1962 : i1
      %add3A_1969 = arith.addi %rem3A_1960, %select_n3A_1959 : i32
      %select_n3A_1970 = arith.select %and3A_1968, %add3A_1969, %rem3A_1960 : i32
      %mul3A_1971 = arith.constant 16384 : i32
      %mul3A_1972 = arith.muli %select_n3A_1954, %mul3A_1971 : i32
      %add3A_1973 = arith.addi %mul3A_1972, %mul3A_2 : i32
      %mul3A_1974 = arith.constant 64 : i32
      %mul3A_1975 = arith.muli %select_n3A_1970, %mul3A_1974 : i32
      %add3A_1976 = arith.addi %add3A_1973, %mul3A_1975 : i32
      %dma_wait3A_1977 = arith.constant 6 : i32
      %dma_wait3A_1978 = arith.constant 6 : i32
      %dma_wait3A_1979 = arith.constant 0 : i32
      %dma_wait3A_1980 = arith.constant 0 : i32
      %dma_wait3A_1981 = tpu.memref_slice %arg6[%dma_wait3A_1977, %dma_wait3A_1979, %dma_wait3A_1980] : memref<8x64x128xf32, #tpu.memory_space<vmem>> -> memref<1x64x128xf32, #tpu.memory_space<vmem>>
      %dma_wait3A_1982 = tpu.memref_squeeze %dma_wait3A_1981 : memref<1x64x128xf32, #tpu.memory_space<vmem>> -> memref<64x128xf32, #tpu.memory_space<vmem>>
      %dma_wait3A_1983 = arith.constant 0 : i32
      %dma_wait3A_1984 = tpu.memref_slice %arg4[%add3A_1976, %dma_wait3A_1983] : memref<819200x128xf32, #tpu.memory_space<hbm>> -> memref<64x128xf32, #tpu.memory_space<hbm>>
      %dma_wait3A_1985 = tpu.memref_slice %arg8[%dma_wait3A_1978] : memref<8x!tpu.dma_semaphore, #tpu.memory_space<semaphore_mem>> -> memref<1x!tpu.dma_semaphore, #tpu.memory_space<semaphore_mem>>
      %dma_wait3A_1986 = tpu.memref_squeeze %dma_wait3A_1985 : memref<1x!tpu.dma_semaphore, #tpu.memory_space<semaphore_mem>> -> memref<!tpu.dma_semaphore, #tpu.memory_space<semaphore_mem>>
      %dma_wait3A_1987 = arith.constant 0 : i32
      %dma_wait3A_1988 = tpu.memref_slice %arg4[%add3A_1976, %dma_wait3A_1987] : memref<819200x128xf32, #tpu.memory_space<hbm>> -> memref<64x128xf32, #tpu.memory_space<hbm>>
      %dma_wait3A_1989 = arith.constant 0 : i32
      %dma_wait3A_1990 = arith.constant 0 : i32
      %dma_wait3A_1991 = tpu.memref_slice %arg6[%dma_wait3A_1977, %dma_wait3A_1989, %dma_wait3A_1990] : memref<8x64x128xf32, #tpu.memory_space<vmem>> -> memref<1x64x128xf32, #tpu.memory_space<vmem>>
      %dma_wait3A_1992 = tpu.memref_squeeze %dma_wait3A_1991 : memref<1x64x128xf32, #tpu.memory_space<vmem>> -> memref<64x128xf32, #tpu.memory_space<vmem>>
      tpu.wait_dma2 semaphore(%dma_wait3A_1986 : memref<!tpu.dma_semaphore, #tpu.memory_space<semaphore_mem>>) src(%dma_wait3A_1992 : memref<64x128xf32, #tpu.memory_space<vmem>>) dst(%dma_wait3A_1988 : memref<64x128xf32, #tpu.memory_space<hbm>>)
      %add3A_1993 = arith.constant 8 : i32
      %add3A_1994 = arith.addi %mul3A_568, %add3A_1993 : i32
      %add3A_1995 = arith.constant 6 : i32
      %add3A_1996 = arith.addi %add3A_1994, %add3A_1995 : i32
      %jit3A_1997 = arith.constant 8 : i32
      %div3A_1998 = arith.divsi %add3A_1996, %jit3A_1997 : i32
      %sign3A_1999 = arith.constant 0 : i32
      %sign3A_2000 = arith.cmpi sgt, %add3A_1996, %sign3A_1999 : i32
      %sign3A_2001 = arith.extui %sign3A_2000 : i1 to i32
      %sign3A_2002 = arith.constant 0 : i32
      %sign3A_2003 = arith.cmpi slt, %add3A_1996, %sign3A_2002 : i32
      %sign3A_2004 = arith.extui %sign3A_2003 : i1 to i32
      %sign3A_2005 = arith.subi %sign3A_2001, %sign3A_2004 : i32
      %sign3A_2006 = arith.constant 0 : i32
      %sign3A_2007 = arith.cmpi sgt, %jit3A_1997, %sign3A_2006 : i32
      %sign3A_2008 = arith.extui %sign3A_2007 : i1 to i32
      %sign3A_2009 = arith.constant 0 : i32
      %sign3A_2010 = arith.cmpi slt, %jit3A_1997, %sign3A_2009 : i32
      %sign3A_2011 = arith.extui %sign3A_2010 : i1 to i32
      %sign3A_2012 = arith.subi %sign3A_2008, %sign3A_2011 : i32
      %ne3A_2013 = arith.cmpi ne, %sign3A_2005, %sign3A_2012 : i32
      %rem3A_2014 = arith.remsi %add3A_1996, %jit3A_1997 : i32
      %ne3A_2015 = arith.constant 0 : i32
      %ne3A_2016 = arith.cmpi ne, %rem3A_2014, %ne3A_2015 : i32
      %and3A_2017 = arith.andi %ne3A_2013, %ne3A_2016 : i1
      %sub3A_2018 = arith.constant 1 : i32
      %sub3A_2019 = arith.subi %div3A_1998, %sub3A_2018 : i32
      %select_n3A_2020 = arith.select %and3A_2017, %sub3A_2019, %div3A_1998 : i32
      %jit3A_2021 = arith.constant 8 : i32
      %eq3A_2022 = arith.constant 0 : i32
      %eq3A_2023 = arith.cmpi eq, %jit3A_2021, %eq3A_2022 : i32
      %jit3A_2024 = arith.constant 1 : i32
      %select_n3A_2025 = arith.select %eq3A_2023, %jit3A_2024, %jit3A_2021 : i32
      %rem3A_2026 = arith.remsi %add3A_1996, %select_n3A_2025 : i32
      %ne3A_2027 = arith.constant 0 : i32
      %ne3A_2028 = arith.cmpi ne, %rem3A_2026, %ne3A_2027 : i32
      %lt3A_2029 = arith.constant 0 : i32
      %lt3A_2030 = arith.cmpi slt, %rem3A_2026, %lt3A_2029 : i32
      %lt3A_2031 = arith.constant 0 : i32
      %lt3A_2032 = arith.cmpi slt, %select_n3A_2025, %lt3A_2031 : i32
      %ne3A_2033 = arith.xori %lt3A_2030, %lt3A_2032 : i1
      %and3A_2034 = arith.andi %ne3A_2033, %ne3A_2028 : i1
      %add3A_2035 = arith.addi %rem3A_2026, %select_n3A_2025 : i32
      %select_n3A_2036 = arith.select %and3A_2034, %add3A_2035, %rem3A_2026 : i32
      %mul3A_2037 = arith.constant 64 : i32
      %mul3A_2038 = arith.muli %select_n3A_2036, %mul3A_2037 : i32
      %dma_start3A_2039 = arith.constant 6 : i32
      %dma_start3A_2040 = arith.constant 6 : i32
      %dma_start3A_2041 = arith.constant 0 : i32
      %dma_start3A_2042 = arith.constant 0 : i32
      %dma_start3A_2043 = tpu.memref_slice %arg6[%dma_start3A_2039, %dma_start3A_2041, %dma_start3A_2042] : memref<8x64x128xf32, #tpu.memory_space<vmem>> -> memref<1x64x128xf32, #tpu.memory_space<vmem>>
      %dma_start3A_2044 = tpu.memref_squeeze %dma_start3A_2043 : memref<1x64x128xf32, #tpu.memory_space<vmem>> -> memref<64x128xf32, #tpu.memory_space<vmem>>
      %dma_start3A_2045 = tpu.memref_slice %arg5[%select_n3A_2020, %mul3A_2038] : memref<50x512xi32, #tpu.memory_space<vmem>> -> memref<1x64xi32, #tpu.memory_space<vmem>>
      %dma_start3A_2046 = tpu.memref_squeeze %dma_start3A_2045 : memref<1x64xi32, #tpu.memory_space<vmem>> -> memref<64xi32, #tpu.memory_space<vmem>>
      %dma_start3A_2047 = arith.constant 0 : i32
      %dma_start3A_2048 = arith.constant 0 : i32
      %dma_start3A_2049 = tpu.memref_slice %arg3[%dma_start3A_2047, %dma_start3A_2048] : memref<100000x128xf32, #tpu.memory_space<hbm>> -> memref<100000x128xf32, #tpu.memory_space<hbm>>
      %dma_start3A_2050 = tpu.memref_slice %arg7[%dma_start3A_2040] : memref<8x!tpu.dma_semaphore, #tpu.memory_space<semaphore_mem>> -> memref<1x!tpu.dma_semaphore, #tpu.memory_space<semaphore_mem>>
      %dma_start3A_2051 = tpu.memref_squeeze %dma_start3A_2050 : memref<1x!tpu.dma_semaphore, #tpu.memory_space<semaphore_mem>> -> memref<!tpu.dma_semaphore, #tpu.memory_space<semaphore_mem>>
      tpu.enqueue_indirect_dma source(%dma_start3A_2049 : memref<100000x128xf32, #tpu.memory_space<hbm>>) target(%dma_start3A_2044 : memref<64x128xf32, #tpu.memory_space<vmem>>) offsets(%dma_start3A_2046 : memref<64xi32, #tpu.memory_space<vmem>>) semaphore(%dma_start3A_2051 : memref<!tpu.dma_semaphore, #tpu.memory_space<semaphore_mem>>)
      %add3A_2052 = arith.constant 7 : i32
      %add3A_2053 = arith.addi %mul3A_568, %add3A_2052 : i32
      %jit3A_2054 = arith.constant 8 : i32
      %div3A_2055 = arith.divsi %add3A_2053, %jit3A_2054 : i32
      %sign3A_2056 = arith.constant 0 : i32
      %sign3A_2057 = arith.cmpi sgt, %add3A_2053, %sign3A_2056 : i32
      %sign3A_2058 = arith.extui %sign3A_2057 : i1 to i32
      %sign3A_2059 = arith.constant 0 : i32
      %sign3A_2060 = arith.cmpi slt, %add3A_2053, %sign3A_2059 : i32
      %sign3A_2061 = arith.extui %sign3A_2060 : i1 to i32
      %sign3A_2062 = arith.subi %sign3A_2058, %sign3A_2061 : i32
      %sign3A_2063 = arith.constant 0 : i32
      %sign3A_2064 = arith.cmpi sgt, %jit3A_2054, %sign3A_2063 : i32
      %sign3A_2065 = arith.extui %sign3A_2064 : i1 to i32
      %sign3A_2066 = arith.constant 0 : i32
      %sign3A_2067 = arith.cmpi slt, %jit3A_2054, %sign3A_2066 : i32
      %sign3A_2068 = arith.extui %sign3A_2067 : i1 to i32
      %sign3A_2069 = arith.subi %sign3A_2065, %sign3A_2068 : i32
      %ne3A_2070 = arith.cmpi ne, %sign3A_2062, %sign3A_2069 : i32
      %rem3A_2071 = arith.remsi %add3A_2053, %jit3A_2054 : i32
      %ne3A_2072 = arith.constant 0 : i32
      %ne3A_2073 = arith.cmpi ne, %rem3A_2071, %ne3A_2072 : i32
      %and3A_2074 = arith.andi %ne3A_2070, %ne3A_2073 : i1
      %sub3A_2075 = arith.constant 1 : i32
      %sub3A_2076 = arith.subi %div3A_2055, %sub3A_2075 : i32
      %select_n3A_2077 = arith.select %and3A_2074, %sub3A_2076, %div3A_2055 : i32
      %jit3A_2078 = arith.constant 8 : i32
      %eq3A_2079 = arith.constant 0 : i32
      %eq3A_2080 = arith.cmpi eq, %jit3A_2078, %eq3A_2079 : i32
      %jit3A_2081 = arith.constant 1 : i32
      %select_n3A_2082 = arith.select %eq3A_2080, %jit3A_2081, %jit3A_2078 : i32
      %rem3A_2083 = arith.remsi %add3A_2053, %select_n3A_2082 : i32
      %ne3A_2084 = arith.constant 0 : i32
      %ne3A_2085 = arith.cmpi ne, %rem3A_2083, %ne3A_2084 : i32
      %lt3A_2086 = arith.constant 0 : i32
      %lt3A_2087 = arith.cmpi slt, %rem3A_2083, %lt3A_2086 : i32
      %lt3A_2088 = arith.constant 0 : i32
      %lt3A_2089 = arith.cmpi slt, %select_n3A_2082, %lt3A_2088 : i32
      %ne3A_2090 = arith.xori %lt3A_2087, %lt3A_2089 : i1
      %and3A_2091 = arith.andi %ne3A_2090, %ne3A_2085 : i1
      %add3A_2092 = arith.addi %rem3A_2083, %select_n3A_2082 : i32
      %select_n3A_2093 = arith.select %and3A_2091, %add3A_2092, %rem3A_2083 : i32
      %mul3A_2094 = arith.constant 16384 : i32
      %mul3A_2095 = arith.muli %select_n3A_2077, %mul3A_2094 : i32
      %add3A_2096 = arith.addi %mul3A_2095, %mul3A_2 : i32
      %mul3A_2097 = arith.constant 64 : i32
      %mul3A_2098 = arith.muli %select_n3A_2093, %mul3A_2097 : i32
      %add3A_2099 = arith.addi %add3A_2096, %mul3A_2098 : i32
      %dma_wait3A_2100 = arith.constant 7 : i32
      %dma_wait3A_2101 = arith.constant 7 : i32
      %dma_wait3A_2102 = arith.constant 0 : i32
      %dma_wait3A_2103 = arith.constant 0 : i32
      %dma_wait3A_2104 = tpu.memref_slice %arg6[%dma_wait3A_2100, %dma_wait3A_2102, %dma_wait3A_2103] : memref<8x64x128xf32, #tpu.memory_space<vmem>> -> memref<1x64x128xf32, #tpu.memory_space<vmem>>
      %dma_wait3A_2105 = tpu.memref_squeeze %dma_wait3A_2104 : memref<1x64x128xf32, #tpu.memory_space<vmem>> -> memref<64x128xf32, #tpu.memory_space<vmem>>
      %dma_wait3A_2106 = arith.constant 0 : i32
      %dma_wait3A_2107 = tpu.memref_slice %arg4[%add3A_2099, %dma_wait3A_2106] : memref<819200x128xf32, #tpu.memory_space<hbm>> -> memref<64x128xf32, #tpu.memory_space<hbm>>
      %dma_wait3A_2108 = tpu.memref_slice %arg8[%dma_wait3A_2101] : memref<8x!tpu.dma_semaphore, #tpu.memory_space<semaphore_mem>> -> memref<1x!tpu.dma_semaphore, #tpu.memory_space<semaphore_mem>>
      %dma_wait3A_2109 = tpu.memref_squeeze %dma_wait3A_2108 : memref<1x!tpu.dma_semaphore, #tpu.memory_space<semaphore_mem>> -> memref<!tpu.dma_semaphore, #tpu.memory_space<semaphore_mem>>
      %dma_wait3A_2110 = arith.constant 0 : i32
      %dma_wait3A_2111 = tpu.memref_slice %arg4[%add3A_2099, %dma_wait3A_2110] : memref<819200x128xf32, #tpu.memory_space<hbm>> -> memref<64x128xf32, #tpu.memory_space<hbm>>
      %dma_wait3A_2112 = arith.constant 0 : i32
      %dma_wait3A_2113 = arith.constant 0 : i32
      %dma_wait3A_2114 = tpu.memref_slice %arg6[%dma_wait3A_2100, %dma_wait3A_2112, %dma_wait3A_2113] : memref<8x64x128xf32, #tpu.memory_space<vmem>> -> memref<1x64x128xf32, #tpu.memory_space<vmem>>
      %dma_wait3A_2115 = tpu.memref_squeeze %dma_wait3A_2114 : memref<1x64x128xf32, #tpu.memory_space<vmem>> -> memref<64x128xf32, #tpu.memory_space<vmem>>
      tpu.wait_dma2 semaphore(%dma_wait3A_2109 : memref<!tpu.dma_semaphore, #tpu.memory_space<semaphore_mem>>) src(%dma_wait3A_2115 : memref<64x128xf32, #tpu.memory_space<vmem>>) dst(%dma_wait3A_2111 : memref<64x128xf32, #tpu.memory_space<hbm>>)
      %add3A_2116 = arith.constant 8 : i32
      %add3A_2117 = arith.addi %mul3A_568, %add3A_2116 : i32
      %add3A_2118 = arith.constant 7 : i32
      %add3A_2119 = arith.addi %add3A_2117, %add3A_2118 : i32
      %jit3A_2120 = arith.constant 8 : i32
      %div3A_2121 = arith.divsi %add3A_2119, %jit3A_2120 : i32
      %sign3A_2122 = arith.constant 0 : i32
      %sign3A_2123 = arith.cmpi sgt, %add3A_2119, %sign3A_2122 : i32
      %sign3A_2124 = arith.extui %sign3A_2123 : i1 to i32
      %sign3A_2125 = arith.constant 0 : i32
      %sign3A_2126 = arith.cmpi slt, %add3A_2119, %sign3A_2125 : i32
      %sign3A_2127 = arith.extui %sign3A_2126 : i1 to i32
      %sign3A_2128 = arith.subi %sign3A_2124, %sign3A_2127 : i32
      %sign3A_2129 = arith.constant 0 : i32
      %sign3A_2130 = arith.cmpi sgt, %jit3A_2120, %sign3A_2129 : i32
      %sign3A_2131 = arith.extui %sign3A_2130 : i1 to i32
      %sign3A_2132 = arith.constant 0 : i32
      %sign3A_2133 = arith.cmpi slt, %jit3A_2120, %sign3A_2132 : i32
      %sign3A_2134 = arith.extui %sign3A_2133 : i1 to i32
      %sign3A_2135 = arith.subi %sign3A_2131, %sign3A_2134 : i32
      %ne3A_2136 = arith.cmpi ne, %sign3A_2128, %sign3A_2135 : i32
      %rem3A_2137 = arith.remsi %add3A_2119, %jit3A_2120 : i32
      %ne3A_2138 = arith.constant 0 : i32
      %ne3A_2139 = arith.cmpi ne, %rem3A_2137, %ne3A_2138 : i32
      %and3A_2140 = arith.andi %ne3A_2136, %ne3A_2139 : i1
      %sub3A_2141 = arith.constant 1 : i32
      %sub3A_2142 = arith.subi %div3A_2121, %sub3A_2141 : i32
      %select_n3A_2143 = arith.select %and3A_2140, %sub3A_2142, %div3A_2121 : i32
      %jit3A_2144 = arith.constant 8 : i32
      %eq3A_2145 = arith.constant 0 : i32
      %eq3A_2146 = arith.cmpi eq, %jit3A_2144, %eq3A_2145 : i32
      %jit3A_2147 = arith.constant 1 : i32
      %select_n3A_2148 = arith.select %eq3A_2146, %jit3A_2147, %jit3A_2144 : i32
      %rem3A_2149 = arith.remsi %add3A_2119, %select_n3A_2148 : i32
      %ne3A_2150 = arith.constant 0 : i32
      %ne3A_2151 = arith.cmpi ne, %rem3A_2149, %ne3A_2150 : i32
      %lt3A_2152 = arith.constant 0 : i32
      %lt3A_2153 = arith.cmpi slt, %rem3A_2149, %lt3A_2152 : i32
      %lt3A_2154 = arith.constant 0 : i32
      %lt3A_2155 = arith.cmpi slt, %select_n3A_2148, %lt3A_2154 : i32
      %ne3A_2156 = arith.xori %lt3A_2153, %lt3A_2155 : i1
      %and3A_2157 = arith.andi %ne3A_2156, %ne3A_2151 : i1
      %add3A_2158 = arith.addi %rem3A_2149, %select_n3A_2148 : i32
      %select_n3A_2159 = arith.select %and3A_2157, %add3A_2158, %rem3A_2149 : i32
      %mul3A_2160 = arith.constant 64 : i32
      %mul3A_2161 = arith.muli %select_n3A_2159, %mul3A_2160 : i32
      %dma_start3A_2162 = arith.constant 7 : i32
      %dma_start3A_2163 = arith.constant 7 : i32
      %dma_start3A_2164 = arith.constant 0 : i32
      %dma_start3A_2165 = arith.constant 0 : i32
      %dma_start3A_2166 = tpu.memref_slice %arg6[%dma_start3A_2162, %dma_start3A_2164, %dma_start3A_2165] : memref<8x64x128xf32, #tpu.memory_space<vmem>> -> memref<1x64x128xf32, #tpu.memory_space<vmem>>
      %dma_start3A_2167 = tpu.memref_squeeze %dma_start3A_2166 : memref<1x64x128xf32, #tpu.memory_space<vmem>> -> memref<64x128xf32, #tpu.memory_space<vmem>>
      %dma_start3A_2168 = tpu.memref_slice %arg5[%select_n3A_2143, %mul3A_2161] : memref<50x512xi32, #tpu.memory_space<vmem>> -> memref<1x64xi32, #tpu.memory_space<vmem>>
      %dma_start3A_2169 = tpu.memref_squeeze %dma_start3A_2168 : memref<1x64xi32, #tpu.memory_space<vmem>> -> memref<64xi32, #tpu.memory_space<vmem>>
      %dma_start3A_2170 = arith.constant 0 : i32
      %dma_start3A_2171 = arith.constant 0 : i32
      %dma_start3A_2172 = tpu.memref_slice %arg3[%dma_start3A_2170, %dma_start3A_2171] : memref<100000x128xf32, #tpu.memory_space<hbm>> -> memref<100000x128xf32, #tpu.memory_space<hbm>>
      %dma_start3A_2173 = tpu.memref_slice %arg7[%dma_start3A_2163] : memref<8x!tpu.dma_semaphore, #tpu.memory_space<semaphore_mem>> -> memref<1x!tpu.dma_semaphore, #tpu.memory_space<semaphore_mem>>
      %dma_start3A_2174 = tpu.memref_squeeze %dma_start3A_2173 : memref<1x!tpu.dma_semaphore, #tpu.memory_space<semaphore_mem>> -> memref<!tpu.dma_semaphore, #tpu.memory_space<semaphore_mem>>
      tpu.enqueue_indirect_dma source(%dma_start3A_2172 : memref<100000x128xf32, #tpu.memory_space<hbm>>) target(%dma_start3A_2167 : memref<64x128xf32, #tpu.memory_space<vmem>>) offsets(%dma_start3A_2169 : memref<64xi32, #tpu.memory_space<vmem>>) semaphore(%dma_start3A_2174 : memref<!tpu.dma_semaphore, #tpu.memory_space<semaphore_mem>>)
    }
    %scan3A_126 = arith.constant 49 : i32
    %dma_wait3A = arith.constant 0 : i32
    %dma_wait3A_127 = arith.constant 0 : i32
    %dma_wait3A_128 = arith.constant 0 : i32
    %dma_wait3A_129 = arith.constant 0 : i32
    %dma_wait3A_130 = arith.constant 0 : i32
    %dma_wait3A_131 = tpu.memref_slice %arg6[%dma_wait3A_127, %dma_wait3A_129, %dma_wait3A_130] : memref<8x64x128xf32, #tpu.memory_space<vmem>> -> memref<1x64x128xf32, #tpu.memory_space<vmem>>
    %dma_wait3A_132 = tpu.memref_squeeze %dma_wait3A_131 : memref<1x64x128xf32, #tpu.memory_space<vmem>> -> memref<64x128xf32, #tpu.memory_space<vmem>>
    %dma_wait3A_133 = arith.constant 0 : i32
    %dma_wait3A_134 = tpu.memref_slice %arg5[%dma_wait3A, %dma_wait3A_133] : memref<50x512xi32, #tpu.memory_space<vmem>> -> memref<1x64xi32, #tpu.memory_space<vmem>>
    %dma_wait3A_135 = tpu.memref_squeeze %dma_wait3A_134 : memref<1x64xi32, #tpu.memory_space<vmem>> -> memref<64xi32, #tpu.memory_space<vmem>>
    %dma_wait3A_136 = arith.constant 0 : i32
    %dma_wait3A_137 = arith.constant 0 : i32
    %dma_wait3A_138 = tpu.memref_slice %arg3[%dma_wait3A_136, %dma_wait3A_137] : memref<100000x128xf32, #tpu.memory_space<hbm>> -> memref<100000x128xf32, #tpu.memory_space<hbm>>
    %dma_wait3A_139 = tpu.memref_slice %arg7[%dma_wait3A_128] : memref<8x!tpu.dma_semaphore, #tpu.memory_space<semaphore_mem>> -> memref<1x!tpu.dma_semaphore, #tpu.memory_space<semaphore_mem>>
    %dma_wait3A_140 = tpu.memref_squeeze %dma_wait3A_139 : memref<1x!tpu.dma_semaphore, #tpu.memory_space<semaphore_mem>> -> memref<!tpu.dma_semaphore, #tpu.memory_space<semaphore_mem>>
    tpu.wait_indirect_dma semaphore(%dma_wait3A_140 : memref<!tpu.dma_semaphore, #tpu.memory_space<semaphore_mem>>) src(%dma_wait3A_138 : memref<100000x128xf32, #tpu.memory_space<hbm>>) dst(%dma_wait3A_132 : memref<64x128xf32, #tpu.memory_space<vmem>>)
    %add3A_141 = arith.constant 802816 : i32
    %add3A_142 = arith.addi %add3A_141, %mul3A_2 : i32
    %add3A_143 = arith.constant 0 : i32
    %add3A_144 = arith.addi %add3A_142, %add3A_143 : i32
    %dma_start3A_145 = arith.constant 0 : i32
    %dma_start3A_146 = arith.constant 0 : i32
    %dma_start3A_147 = arith.constant 0 : i32
    %dma_start3A_148 = arith.constant 0 : i32
    %dma_start3A_149 = tpu.memref_slice %arg6[%dma_start3A_145, %dma_start3A_147, %dma_start3A_148] : memref<8x64x128xf32, #tpu.memory_space<vmem>> -> memref<1x64x128xf32, #tpu.memory_space<vmem>>
    %dma_start3A_150 = tpu.memref_squeeze %dma_start3A_149 : memref<1x64x128xf32, #tpu.memory_space<vmem>> -> memref<64x128xf32, #tpu.memory_space<vmem>>
    %dma_start3A_151 = arith.constant 0 : i32
    %dma_start3A_152 = tpu.memref_slice %arg4[%add3A_144, %dma_start3A_151] : memref<819200x128xf32, #tpu.memory_space<hbm>> -> memref<64x128xf32, #tpu.memory_space<hbm>>
    %dma_start3A_153 = tpu.memref_slice %arg8[%dma_start3A_146] : memref<8x!tpu.dma_semaphore, #tpu.memory_space<semaphore_mem>> -> memref<1x!tpu.dma_semaphore, #tpu.memory_space<semaphore_mem>>
    %dma_start3A_154 = tpu.memref_squeeze %dma_start3A_153 : memref<1x!tpu.dma_semaphore, #tpu.memory_space<semaphore_mem>> -> memref<!tpu.dma_semaphore, #tpu.memory_space<semaphore_mem>>
    %dma_start3A_155 = arith.constant 0 : i32
    %dma_start3A_156 = tpu.memref_slice %arg4[%add3A_144, %dma_start3A_155] : memref<819200x128xf32, #tpu.memory_space<hbm>> -> memref<64x128xf32, #tpu.memory_space<hbm>>
    %dma_start3A_157 = arith.constant 0 : i32
    %dma_start3A_158 = arith.constant 0 : i32
    %dma_start3A_159 = tpu.memref_slice %arg6[%dma_start3A_145, %dma_start3A_157, %dma_start3A_158] : memref<8x64x128xf32, #tpu.memory_space<vmem>> -> memref<1x64x128xf32, #tpu.memory_space<vmem>>
    %dma_start3A_160 = tpu.memref_squeeze %dma_start3A_159 : memref<1x64x128xf32, #tpu.memory_space<vmem>> -> memref<64x128xf32, #tpu.memory_space<vmem>>
    tpu.enqueue_dma source(%dma_start3A_160 : memref<64x128xf32, #tpu.memory_space<vmem>>) target(%dma_start3A_156 : memref<64x128xf32, #tpu.memory_space<hbm>>) target_semaphore(%dma_start3A_154 : memref<!tpu.dma_semaphore, #tpu.memory_space<semaphore_mem>>)
    %dma_wait3A_161 = arith.constant 0 : i32
    %dma_wait3A_162 = arith.constant 1 : i32
    %dma_wait3A_163 = arith.constant 1 : i32
    %dma_wait3A_164 = arith.constant 0 : i32
    %dma_wait3A_165 = arith.constant 0 : i32
    %dma_wait3A_166 = tpu.memref_slice %arg6[%dma_wait3A_162, %dma_wait3A_164, %dma_wait3A_165] : memref<8x64x128xf32, #tpu.memory_space<vmem>> -> memref<1x64x128xf32, #tpu.memory_space<vmem>>
    %dma_wait3A_167 = tpu.memref_squeeze %dma_wait3A_166 : memref<1x64x128xf32, #tpu.memory_space<vmem>> -> memref<64x128xf32, #tpu.memory_space<vmem>>
    %dma_wait3A_168 = arith.constant 0 : i32
    %dma_wait3A_169 = tpu.memref_slice %arg5[%dma_wait3A_161, %dma_wait3A_168] : memref<50x512xi32, #tpu.memory_space<vmem>> -> memref<1x64xi32, #tpu.memory_space<vmem>>
    %dma_wait3A_170 = tpu.memref_squeeze %dma_wait3A_169 : memref<1x64xi32, #tpu.memory_space<vmem>> -> memref<64xi32, #tpu.memory_space<vmem>>
    %dma_wait3A_171 = arith.constant 0 : i32
    %dma_wait3A_172 = arith.constant 0 : i32
    %dma_wait3A_173 = tpu.memref_slice %arg3[%dma_wait3A_171, %dma_wait3A_172] : memref<100000x128xf32, #tpu.memory_space<hbm>> -> memref<100000x128xf32, #tpu.memory_space<hbm>>
    %dma_wait3A_174 = tpu.memref_slice %arg7[%dma_wait3A_163] : memref<8x!tpu.dma_semaphore, #tpu.memory_space<semaphore_mem>> -> memref<1x!tpu.dma_semaphore, #tpu.memory_space<semaphore_mem>>
    %dma_wait3A_175 = tpu.memref_squeeze %dma_wait3A_174 : memref<1x!tpu.dma_semaphore, #tpu.memory_space<semaphore_mem>> -> memref<!tpu.dma_semaphore, #tpu.memory_space<semaphore_mem>>
    tpu.wait_indirect_dma semaphore(%dma_wait3A_175 : memref<!tpu.dma_semaphore, #tpu.memory_space<semaphore_mem>>) src(%dma_wait3A_173 : memref<100000x128xf32, #tpu.memory_space<hbm>>) dst(%dma_wait3A_167 : memref<64x128xf32, #tpu.memory_space<vmem>>)
    %add3A_176 = arith.constant 802816 : i32
    %add3A_177 = arith.addi %add3A_176, %mul3A_2 : i32
    %add3A_178 = arith.constant 64 : i32
    %add3A_179 = arith.addi %add3A_177, %add3A_178 : i32
    %dma_start3A_180 = arith.constant 1 : i32
    %dma_start3A_181 = arith.constant 1 : i32
    %dma_start3A_182 = arith.constant 0 : i32
    %dma_start3A_183 = arith.constant 0 : i32
    %dma_start3A_184 = tpu.memref_slice %arg6[%dma_start3A_180, %dma_start3A_182, %dma_start3A_183] : memref<8x64x128xf32, #tpu.memory_space<vmem>> -> memref<1x64x128xf32, #tpu.memory_space<vmem>>
    %dma_start3A_185 = tpu.memref_squeeze %dma_start3A_184 : memref<1x64x128xf32, #tpu.memory_space<vmem>> -> memref<64x128xf32, #tpu.memory_space<vmem>>
    %dma_start3A_186 = arith.constant 0 : i32
    %dma_start3A_187 = tpu.memref_slice %arg4[%add3A_179, %dma_start3A_186] : memref<819200x128xf32, #tpu.memory_space<hbm>> -> memref<64x128xf32, #tpu.memory_space<hbm>>
    %dma_start3A_188 = tpu.memref_slice %arg8[%dma_start3A_181] : memref<8x!tpu.dma_semaphore, #tpu.memory_space<semaphore_mem>> -> memref<1x!tpu.dma_semaphore, #tpu.memory_space<semaphore_mem>>
    %dma_start3A_189 = tpu.memref_squeeze %dma_start3A_188 : memref<1x!tpu.dma_semaphore, #tpu.memory_space<semaphore_mem>> -> memref<!tpu.dma_semaphore, #tpu.memory_space<semaphore_mem>>
    %dma_start3A_190 = arith.constant 0 : i32
    %dma_start3A_191 = tpu.memref_slice %arg4[%add3A_179, %dma_start3A_190] : memref<819200x128xf32, #tpu.memory_space<hbm>> -> memref<64x128xf32, #tpu.memory_space<hbm>>
    %dma_start3A_192 = arith.constant 0 : i32
    %dma_start3A_193 = arith.constant 0 : i32
    %dma_start3A_194 = tpu.memref_slice %arg6[%dma_start3A_180, %dma_start3A_192, %dma_start3A_193] : memref<8x64x128xf32, #tpu.memory_space<vmem>> -> memref<1x64x128xf32, #tpu.memory_space<vmem>>
    %dma_start3A_195 = tpu.memref_squeeze %dma_start3A_194 : memref<1x64x128xf32, #tpu.memory_space<vmem>> -> memref<64x128xf32, #tpu.memory_space<vmem>>
    tpu.enqueue_dma source(%dma_start3A_195 : memref<64x128xf32, #tpu.memory_space<vmem>>) target(%dma_start3A_191 : memref<64x128xf32, #tpu.memory_space<hbm>>) target_semaphore(%dma_start3A_189 : memref<!tpu.dma_semaphore, #tpu.memory_space<semaphore_mem>>)
    %dma_wait3A_196 = arith.constant 0 : i32
    %dma_wait3A_197 = arith.constant 2 : i32
    %dma_wait3A_198 = arith.constant 2 : i32
    %dma_wait3A_199 = arith.constant 0 : i32
    %dma_wait3A_200 = arith.constant 0 : i32
    %dma_wait3A_201 = tpu.memref_slice %arg6[%dma_wait3A_197, %dma_wait3A_199, %dma_wait3A_200] : memref<8x64x128xf32, #tpu.memory_space<vmem>> -> memref<1x64x128xf32, #tpu.memory_space<vmem>>
    %dma_wait3A_202 = tpu.memref_squeeze %dma_wait3A_201 : memref<1x64x128xf32, #tpu.memory_space<vmem>> -> memref<64x128xf32, #tpu.memory_space<vmem>>
    %dma_wait3A_203 = arith.constant 0 : i32
    %dma_wait3A_204 = tpu.memref_slice %arg5[%dma_wait3A_196, %dma_wait3A_203] : memref<50x512xi32, #tpu.memory_space<vmem>> -> memref<1x64xi32, #tpu.memory_space<vmem>>
    %dma_wait3A_205 = tpu.memref_squeeze %dma_wait3A_204 : memref<1x64xi32, #tpu.memory_space<vmem>> -> memref<64xi32, #tpu.memory_space<vmem>>
    %dma_wait3A_206 = arith.constant 0 : i32
    %dma_wait3A_207 = arith.constant 0 : i32
    %dma_wait3A_208 = tpu.memref_slice %arg3[%dma_wait3A_206, %dma_wait3A_207] : memref<100000x128xf32, #tpu.memory_space<hbm>> -> memref<100000x128xf32, #tpu.memory_space<hbm>>
    %dma_wait3A_209 = tpu.memref_slice %arg7[%dma_wait3A_198] : memref<8x!tpu.dma_semaphore, #tpu.memory_space<semaphore_mem>> -> memref<1x!tpu.dma_semaphore, #tpu.memory_space<semaphore_mem>>
    %dma_wait3A_210 = tpu.memref_squeeze %dma_wait3A_209 : memref<1x!tpu.dma_semaphore, #tpu.memory_space<semaphore_mem>> -> memref<!tpu.dma_semaphore, #tpu.memory_space<semaphore_mem>>
    tpu.wait_indirect_dma semaphore(%dma_wait3A_210 : memref<!tpu.dma_semaphore, #tpu.memory_space<semaphore_mem>>) src(%dma_wait3A_208 : memref<100000x128xf32, #tpu.memory_space<hbm>>) dst(%dma_wait3A_202 : memref<64x128xf32, #tpu.memory_space<vmem>>)
    %add3A_211 = arith.constant 802816 : i32
    %add3A_212 = arith.addi %add3A_211, %mul3A_2 : i32
    %add3A_213 = arith.constant 128 : i32
    %add3A_214 = arith.addi %add3A_212, %add3A_213 : i32
    %dma_start3A_215 = arith.constant 2 : i32
    %dma_start3A_216 = arith.constant 2 : i32
    %dma_start3A_217 = arith.constant 0 : i32
    %dma_start3A_218 = arith.constant 0 : i32
    %dma_start3A_219 = tpu.memref_slice %arg6[%dma_start3A_215, %dma_start3A_217, %dma_start3A_218] : memref<8x64x128xf32, #tpu.memory_space<vmem>> -> memref<1x64x128xf32, #tpu.memory_space<vmem>>
    %dma_start3A_220 = tpu.memref_squeeze %dma_start3A_219 : memref<1x64x128xf32, #tpu.memory_space<vmem>> -> memref<64x128xf32, #tpu.memory_space<vmem>>
    %dma_start3A_221 = arith.constant 0 : i32
    %dma_start3A_222 = tpu.memref_slice %arg4[%add3A_214, %dma_start3A_221] : memref<819200x128xf32, #tpu.memory_space<hbm>> -> memref<64x128xf32, #tpu.memory_space<hbm>>
    %dma_start3A_223 = tpu.memref_slice %arg8[%dma_start3A_216] : memref<8x!tpu.dma_semaphore, #tpu.memory_space<semaphore_mem>> -> memref<1x!tpu.dma_semaphore, #tpu.memory_space<semaphore_mem>>
    %dma_start3A_224 = tpu.memref_squeeze %dma_start3A_223 : memref<1x!tpu.dma_semaphore, #tpu.memory_space<semaphore_mem>> -> memref<!tpu.dma_semaphore, #tpu.memory_space<semaphore_mem>>
    %dma_start3A_225 = arith.constant 0 : i32
    %dma_start3A_226 = tpu.memref_slice %arg4[%add3A_214, %dma_start3A_225] : memref<819200x128xf32, #tpu.memory_space<hbm>> -> memref<64x128xf32, #tpu.memory_space<hbm>>
    %dma_start3A_227 = arith.constant 0 : i32
    %dma_start3A_228 = arith.constant 0 : i32
    %dma_start3A_229 = tpu.memref_slice %arg6[%dma_start3A_215, %dma_start3A_227, %dma_start3A_228] : memref<8x64x128xf32, #tpu.memory_space<vmem>> -> memref<1x64x128xf32, #tpu.memory_space<vmem>>
    %dma_start3A_230 = tpu.memref_squeeze %dma_start3A_229 : memref<1x64x128xf32, #tpu.memory_space<vmem>> -> memref<64x128xf32, #tpu.memory_space<vmem>>
    tpu.enqueue_dma source(%dma_start3A_230 : memref<64x128xf32, #tpu.memory_space<vmem>>) target(%dma_start3A_226 : memref<64x128xf32, #tpu.memory_space<hbm>>) target_semaphore(%dma_start3A_224 : memref<!tpu.dma_semaphore, #tpu.memory_space<semaphore_mem>>)
    %dma_wait3A_231 = arith.constant 0 : i32
    %dma_wait3A_232 = arith.constant 3 : i32
    %dma_wait3A_233 = arith.constant 3 : i32
    %dma_wait3A_234 = arith.constant 0 : i32
    %dma_wait3A_235 = arith.constant 0 : i32
    %dma_wait3A_236 = tpu.memref_slice %arg6[%dma_wait3A_232, %dma_wait3A_234, %dma_wait3A_235] : memref<8x64x128xf32, #tpu.memory_space<vmem>> -> memref<1x64x128xf32, #tpu.memory_space<vmem>>
    %dma_wait3A_237 = tpu.memref_squeeze %dma_wait3A_236 : memref<1x64x128xf32, #tpu.memory_space<vmem>> -> memref<64x128xf32, #tpu.memory_space<vmem>>
    %dma_wait3A_238 = arith.constant 0 : i32
    %dma_wait3A_239 = tpu.memref_slice %arg5[%dma_wait3A_231, %dma_wait3A_238] : memref<50x512xi32, #tpu.memory_space<vmem>> -> memref<1x64xi32, #tpu.memory_space<vmem>>
    %dma_wait3A_240 = tpu.memref_squeeze %dma_wait3A_239 : memref<1x64xi32, #tpu.memory_space<vmem>> -> memref<64xi32, #tpu.memory_space<vmem>>
    %dma_wait3A_241 = arith.constant 0 : i32
    %dma_wait3A_242 = arith.constant 0 : i32
    %dma_wait3A_243 = tpu.memref_slice %arg3[%dma_wait3A_241, %dma_wait3A_242] : memref<100000x128xf32, #tpu.memory_space<hbm>> -> memref<100000x128xf32, #tpu.memory_space<hbm>>
    %dma_wait3A_244 = tpu.memref_slice %arg7[%dma_wait3A_233] : memref<8x!tpu.dma_semaphore, #tpu.memory_space<semaphore_mem>> -> memref<1x!tpu.dma_semaphore, #tpu.memory_space<semaphore_mem>>
    %dma_wait3A_245 = tpu.memref_squeeze %dma_wait3A_244 : memref<1x!tpu.dma_semaphore, #tpu.memory_space<semaphore_mem>> -> memref<!tpu.dma_semaphore, #tpu.memory_space<semaphore_mem>>
    tpu.wait_indirect_dma semaphore(%dma_wait3A_245 : memref<!tpu.dma_semaphore, #tpu.memory_space<semaphore_mem>>) src(%dma_wait3A_243 : memref<100000x128xf32, #tpu.memory_space<hbm>>) dst(%dma_wait3A_237 : memref<64x128xf32, #tpu.memory_space<vmem>>)
    %add3A_246 = arith.constant 802816 : i32
    %add3A_247 = arith.addi %add3A_246, %mul3A_2 : i32
    %add3A_248 = arith.constant 192 : i32
    %add3A_249 = arith.addi %add3A_247, %add3A_248 : i32
    %dma_start3A_250 = arith.constant 3 : i32
    %dma_start3A_251 = arith.constant 3 : i32
    %dma_start3A_252 = arith.constant 0 : i32
    %dma_start3A_253 = arith.constant 0 : i32
    %dma_start3A_254 = tpu.memref_slice %arg6[%dma_start3A_250, %dma_start3A_252, %dma_start3A_253] : memref<8x64x128xf32, #tpu.memory_space<vmem>> -> memref<1x64x128xf32, #tpu.memory_space<vmem>>
    %dma_start3A_255 = tpu.memref_squeeze %dma_start3A_254 : memref<1x64x128xf32, #tpu.memory_space<vmem>> -> memref<64x128xf32, #tpu.memory_space<vmem>>
    %dma_start3A_256 = arith.constant 0 : i32
    %dma_start3A_257 = tpu.memref_slice %arg4[%add3A_249, %dma_start3A_256] : memref<819200x128xf32, #tpu.memory_space<hbm>> -> memref<64x128xf32, #tpu.memory_space<hbm>>
    %dma_start3A_258 = tpu.memref_slice %arg8[%dma_start3A_251] : memref<8x!tpu.dma_semaphore, #tpu.memory_space<semaphore_mem>> -> memref<1x!tpu.dma_semaphore, #tpu.memory_space<semaphore_mem>>
    %dma_start3A_259 = tpu.memref_squeeze %dma_start3A_258 : memref<1x!tpu.dma_semaphore, #tpu.memory_space<semaphore_mem>> -> memref<!tpu.dma_semaphore, #tpu.memory_space<semaphore_mem>>
    %dma_start3A_260 = arith.constant 0 : i32
    %dma_start3A_261 = tpu.memref_slice %arg4[%add3A_249, %dma_start3A_260] : memref<819200x128xf32, #tpu.memory_space<hbm>> -> memref<64x128xf32, #tpu.memory_space<hbm>>
    %dma_start3A_262 = arith.constant 0 : i32
    %dma_start3A_263 = arith.constant 0 : i32
    %dma_start3A_264 = tpu.memref_slice %arg6[%dma_start3A_250, %dma_start3A_262, %dma_start3A_263] : memref<8x64x128xf32, #tpu.memory_space<vmem>> -> memref<1x64x128xf32, #tpu.memory_space<vmem>>
    %dma_start3A_265 = tpu.memref_squeeze %dma_start3A_264 : memref<1x64x128xf32, #tpu.memory_space<vmem>> -> memref<64x128xf32, #tpu.memory_space<vmem>>
    tpu.enqueue_dma source(%dma_start3A_265 : memref<64x128xf32, #tpu.memory_space<vmem>>) target(%dma_start3A_261 : memref<64x128xf32, #tpu.memory_space<hbm>>) target_semaphore(%dma_start3A_259 : memref<!tpu.dma_semaphore, #tpu.memory_space<semaphore_mem>>)
    %dma_wait3A_266 = arith.constant 0 : i32
    %dma_wait3A_267 = arith.constant 4 : i32
    %dma_wait3A_268 = arith.constant 4 : i32
    %dma_wait3A_269 = arith.constant 0 : i32
    %dma_wait3A_270 = arith.constant 0 : i32
    %dma_wait3A_271 = tpu.memref_slice %arg6[%dma_wait3A_267, %dma_wait3A_269, %dma_wait3A_270] : memref<8x64x128xf32, #tpu.memory_space<vmem>> -> memref<1x64x128xf32, #tpu.memory_space<vmem>>
    %dma_wait3A_272 = tpu.memref_squeeze %dma_wait3A_271 : memref<1x64x128xf32, #tpu.memory_space<vmem>> -> memref<64x128xf32, #tpu.memory_space<vmem>>
    %dma_wait3A_273 = arith.constant 0 : i32
    %dma_wait3A_274 = tpu.memref_slice %arg5[%dma_wait3A_266, %dma_wait3A_273] : memref<50x512xi32, #tpu.memory_space<vmem>> -> memref<1x64xi32, #tpu.memory_space<vmem>>
    %dma_wait3A_275 = tpu.memref_squeeze %dma_wait3A_274 : memref<1x64xi32, #tpu.memory_space<vmem>> -> memref<64xi32, #tpu.memory_space<vmem>>
    %dma_wait3A_276 = arith.constant 0 : i32
    %dma_wait3A_277 = arith.constant 0 : i32
    %dma_wait3A_278 = tpu.memref_slice %arg3[%dma_wait3A_276, %dma_wait3A_277] : memref<100000x128xf32, #tpu.memory_space<hbm>> -> memref<100000x128xf32, #tpu.memory_space<hbm>>
    %dma_wait3A_279 = tpu.memref_slice %arg7[%dma_wait3A_268] : memref<8x!tpu.dma_semaphore, #tpu.memory_space<semaphore_mem>> -> memref<1x!tpu.dma_semaphore, #tpu.memory_space<semaphore_mem>>
    %dma_wait3A_280 = tpu.memref_squeeze %dma_wait3A_279 : memref<1x!tpu.dma_semaphore, #tpu.memory_space<semaphore_mem>> -> memref<!tpu.dma_semaphore, #tpu.memory_space<semaphore_mem>>
    tpu.wait_indirect_dma semaphore(%dma_wait3A_280 : memref<!tpu.dma_semaphore, #tpu.memory_space<semaphore_mem>>) src(%dma_wait3A_278 : memref<100000x128xf32, #tpu.memory_space<hbm>>) dst(%dma_wait3A_272 : memref<64x128xf32, #tpu.memory_space<vmem>>)
    %add3A_281 = arith.constant 802816 : i32
    %add3A_282 = arith.addi %add3A_281, %mul3A_2 : i32
    %add3A_283 = arith.constant 256 : i32
    %add3A_284 = arith.addi %add3A_282, %add3A_283 : i32
    %dma_start3A_285 = arith.constant 4 : i32
    %dma_start3A_286 = arith.constant 4 : i32
    %dma_start3A_287 = arith.constant 0 : i32
    %dma_start3A_288 = arith.constant 0 : i32
    %dma_start3A_289 = tpu.memref_slice %arg6[%dma_start3A_285, %dma_start3A_287, %dma_start3A_288] : memref<8x64x128xf32, #tpu.memory_space<vmem>> -> memref<1x64x128xf32, #tpu.memory_space<vmem>>
    %dma_start3A_290 = tpu.memref_squeeze %dma_start3A_289 : memref<1x64x128xf32, #tpu.memory_space<vmem>> -> memref<64x128xf32, #tpu.memory_space<vmem>>
    %dma_start3A_291 = arith.constant 0 : i32
    %dma_start3A_292 = tpu.memref_slice %arg4[%add3A_284, %dma_start3A_291] : memref<819200x128xf32, #tpu.memory_space<hbm>> -> memref<64x128xf32, #tpu.memory_space<hbm>>
    %dma_start3A_293 = tpu.memref_slice %arg8[%dma_start3A_286] : memref<8x!tpu.dma_semaphore, #tpu.memory_space<semaphore_mem>> -> memref<1x!tpu.dma_semaphore, #tpu.memory_space<semaphore_mem>>
    %dma_start3A_294 = tpu.memref_squeeze %dma_start3A_293 : memref<1x!tpu.dma_semaphore, #tpu.memory_space<semaphore_mem>> -> memref<!tpu.dma_semaphore, #tpu.memory_space<semaphore_mem>>
    %dma_start3A_295 = arith.constant 0 : i32
    %dma_start3A_296 = tpu.memref_slice %arg4[%add3A_284, %dma_start3A_295] : memref<819200x128xf32, #tpu.memory_space<hbm>> -> memref<64x128xf32, #tpu.memory_space<hbm>>
    %dma_start3A_297 = arith.constant 0 : i32
    %dma_start3A_298 = arith.constant 0 : i32
    %dma_start3A_299 = tpu.memref_slice %arg6[%dma_start3A_285, %dma_start3A_297, %dma_start3A_298] : memref<8x64x128xf32, #tpu.memory_space<vmem>> -> memref<1x64x128xf32, #tpu.memory_space<vmem>>
    %dma_start3A_300 = tpu.memref_squeeze %dma_start3A_299 : memref<1x64x128xf32, #tpu.memory_space<vmem>> -> memref<64x128xf32, #tpu.memory_space<vmem>>
    tpu.enqueue_dma source(%dma_start3A_300 : memref<64x128xf32, #tpu.memory_space<vmem>>) target(%dma_start3A_296 : memref<64x128xf32, #tpu.memory_space<hbm>>) target_semaphore(%dma_start3A_294 : memref<!tpu.dma_semaphore, #tpu.memory_space<semaphore_mem>>)
    %dma_wait3A_301 = arith.constant 0 : i32
    %dma_wait3A_302 = arith.constant 5 : i32
    %dma_wait3A_303 = arith.constant 5 : i32
    %dma_wait3A_304 = arith.constant 0 : i32
    %dma_wait3A_305 = arith.constant 0 : i32
    %dma_wait3A_306 = tpu.memref_slice %arg6[%dma_wait3A_302, %dma_wait3A_304, %dma_wait3A_305] : memref<8x64x128xf32, #tpu.memory_space<vmem>> -> memref<1x64x128xf32, #tpu.memory_space<vmem>>
    %dma_wait3A_307 = tpu.memref_squeeze %dma_wait3A_306 : memref<1x64x128xf32, #tpu.memory_space<vmem>> -> memref<64x128xf32, #tpu.memory_space<vmem>>
    %dma_wait3A_308 = arith.constant 0 : i32
    %dma_wait3A_309 = tpu.memref_slice %arg5[%dma_wait3A_301, %dma_wait3A_308] : memref<50x512xi32, #tpu.memory_space<vmem>> -> memref<1x64xi32, #tpu.memory_space<vmem>>
    %dma_wait3A_310 = tpu.memref_squeeze %dma_wait3A_309 : memref<1x64xi32, #tpu.memory_space<vmem>> -> memref<64xi32, #tpu.memory_space<vmem>>
    %dma_wait3A_311 = arith.constant 0 : i32
    %dma_wait3A_312 = arith.constant 0 : i32
    %dma_wait3A_313 = tpu.memref_slice %arg3[%dma_wait3A_311, %dma_wait3A_312] : memref<100000x128xf32, #tpu.memory_space<hbm>> -> memref<100000x128xf32, #tpu.memory_space<hbm>>
    %dma_wait3A_314 = tpu.memref_slice %arg7[%dma_wait3A_303] : memref<8x!tpu.dma_semaphore, #tpu.memory_space<semaphore_mem>> -> memref<1x!tpu.dma_semaphore, #tpu.memory_space<semaphore_mem>>
    %dma_wait3A_315 = tpu.memref_squeeze %dma_wait3A_314 : memref<1x!tpu.dma_semaphore, #tpu.memory_space<semaphore_mem>> -> memref<!tpu.dma_semaphore, #tpu.memory_space<semaphore_mem>>
    tpu.wait_indirect_dma semaphore(%dma_wait3A_315 : memref<!tpu.dma_semaphore, #tpu.memory_space<semaphore_mem>>) src(%dma_wait3A_313 : memref<100000x128xf32, #tpu.memory_space<hbm>>) dst(%dma_wait3A_307 : memref<64x128xf32, #tpu.memory_space<vmem>>)
    %add3A_316 = arith.constant 802816 : i32
    %add3A_317 = arith.addi %add3A_316, %mul3A_2 : i32
    %add3A_318 = arith.constant 320 : i32
    %add3A_319 = arith.addi %add3A_317, %add3A_318 : i32
    %dma_start3A_320 = arith.constant 5 : i32
    %dma_start3A_321 = arith.constant 5 : i32
    %dma_start3A_322 = arith.constant 0 : i32
    %dma_start3A_323 = arith.constant 0 : i32
    %dma_start3A_324 = tpu.memref_slice %arg6[%dma_start3A_320, %dma_start3A_322, %dma_start3A_323] : memref<8x64x128xf32, #tpu.memory_space<vmem>> -> memref<1x64x128xf32, #tpu.memory_space<vmem>>
    %dma_start3A_325 = tpu.memref_squeeze %dma_start3A_324 : memref<1x64x128xf32, #tpu.memory_space<vmem>> -> memref<64x128xf32, #tpu.memory_space<vmem>>
    %dma_start3A_326 = arith.constant 0 : i32
    %dma_start3A_327 = tpu.memref_slice %arg4[%add3A_319, %dma_start3A_326] : memref<819200x128xf32, #tpu.memory_space<hbm>> -> memref<64x128xf32, #tpu.memory_space<hbm>>
    %dma_start3A_328 = tpu.memref_slice %arg8[%dma_start3A_321] : memref<8x!tpu.dma_semaphore, #tpu.memory_space<semaphore_mem>> -> memref<1x!tpu.dma_semaphore, #tpu.memory_space<semaphore_mem>>
    %dma_start3A_329 = tpu.memref_squeeze %dma_start3A_328 : memref<1x!tpu.dma_semaphore, #tpu.memory_space<semaphore_mem>> -> memref<!tpu.dma_semaphore, #tpu.memory_space<semaphore_mem>>
    %dma_start3A_330 = arith.constant 0 : i32
    %dma_start3A_331 = tpu.memref_slice %arg4[%add3A_319, %dma_start3A_330] : memref<819200x128xf32, #tpu.memory_space<hbm>> -> memref<64x128xf32, #tpu.memory_space<hbm>>
    %dma_start3A_332 = arith.constant 0 : i32
    %dma_start3A_333 = arith.constant 0 : i32
    %dma_start3A_334 = tpu.memref_slice %arg6[%dma_start3A_320, %dma_start3A_332, %dma_start3A_333] : memref<8x64x128xf32, #tpu.memory_space<vmem>> -> memref<1x64x128xf32, #tpu.memory_space<vmem>>
    %dma_start3A_335 = tpu.memref_squeeze %dma_start3A_334 : memref<1x64x128xf32, #tpu.memory_space<vmem>> -> memref<64x128xf32, #tpu.memory_space<vmem>>
    tpu.enqueue_dma source(%dma_start3A_335 : memref<64x128xf32, #tpu.memory_space<vmem>>) target(%dma_start3A_331 : memref<64x128xf32, #tpu.memory_space<hbm>>) target_semaphore(%dma_start3A_329 : memref<!tpu.dma_semaphore, #tpu.memory_space<semaphore_mem>>)
    %dma_wait3A_336 = arith.constant 0 : i32
    %dma_wait3A_337 = arith.constant 6 : i32
    %dma_wait3A_338 = arith.constant 6 : i32
    %dma_wait3A_339 = arith.constant 0 : i32
    %dma_wait3A_340 = arith.constant 0 : i32
    %dma_wait3A_341 = tpu.memref_slice %arg6[%dma_wait3A_337, %dma_wait3A_339, %dma_wait3A_340] : memref<8x64x128xf32, #tpu.memory_space<vmem>> -> memref<1x64x128xf32, #tpu.memory_space<vmem>>
    %dma_wait3A_342 = tpu.memref_squeeze %dma_wait3A_341 : memref<1x64x128xf32, #tpu.memory_space<vmem>> -> memref<64x128xf32, #tpu.memory_space<vmem>>
    %dma_wait3A_343 = arith.constant 0 : i32
    %dma_wait3A_344 = tpu.memref_slice %arg5[%dma_wait3A_336, %dma_wait3A_343] : memref<50x512xi32, #tpu.memory_space<vmem>> -> memref<1x64xi32, #tpu.memory_space<vmem>>
    %dma_wait3A_345 = tpu.memref_squeeze %dma_wait3A_344 : memref<1x64xi32, #tpu.memory_space<vmem>> -> memref<64xi32, #tpu.memory_space<vmem>>
    %dma_wait3A_346 = arith.constant 0 : i32
    %dma_wait3A_347 = arith.constant 0 : i32
    %dma_wait3A_348 = tpu.memref_slice %arg3[%dma_wait3A_346, %dma_wait3A_347] : memref<100000x128xf32, #tpu.memory_space<hbm>> -> memref<100000x128xf32, #tpu.memory_space<hbm>>
    %dma_wait3A_349 = tpu.memref_slice %arg7[%dma_wait3A_338] : memref<8x!tpu.dma_semaphore, #tpu.memory_space<semaphore_mem>> -> memref<1x!tpu.dma_semaphore, #tpu.memory_space<semaphore_mem>>
    %dma_wait3A_350 = tpu.memref_squeeze %dma_wait3A_349 : memref<1x!tpu.dma_semaphore, #tpu.memory_space<semaphore_mem>> -> memref<!tpu.dma_semaphore, #tpu.memory_space<semaphore_mem>>
    tpu.wait_indirect_dma semaphore(%dma_wait3A_350 : memref<!tpu.dma_semaphore, #tpu.memory_space<semaphore_mem>>) src(%dma_wait3A_348 : memref<100000x128xf32, #tpu.memory_space<hbm>>) dst(%dma_wait3A_342 : memref<64x128xf32, #tpu.memory_space<vmem>>)
    %add3A_351 = arith.constant 802816 : i32
    %add3A_352 = arith.addi %add3A_351, %mul3A_2 : i32
    %add3A_353 = arith.constant 384 : i32
    %add3A_354 = arith.addi %add3A_352, %add3A_353 : i32
    %dma_start3A_355 = arith.constant 6 : i32
    %dma_start3A_356 = arith.constant 6 : i32
    %dma_start3A_357 = arith.constant 0 : i32
    %dma_start3A_358 = arith.constant 0 : i32
    %dma_start3A_359 = tpu.memref_slice %arg6[%dma_start3A_355, %dma_start3A_357, %dma_start3A_358] : memref<8x64x128xf32, #tpu.memory_space<vmem>> -> memref<1x64x128xf32, #tpu.memory_space<vmem>>
    %dma_start3A_360 = tpu.memref_squeeze %dma_start3A_359 : memref<1x64x128xf32, #tpu.memory_space<vmem>> -> memref<64x128xf32, #tpu.memory_space<vmem>>
    %dma_start3A_361 = arith.constant 0 : i32
    %dma_start3A_362 = tpu.memref_slice %arg4[%add3A_354, %dma_start3A_361] : memref<819200x128xf32, #tpu.memory_space<hbm>> -> memref<64x128xf32, #tpu.memory_space<hbm>>
    %dma_start3A_363 = tpu.memref_slice %arg8[%dma_start3A_356] : memref<8x!tpu.dma_semaphore, #tpu.memory_space<semaphore_mem>> -> memref<1x!tpu.dma_semaphore, #tpu.memory_space<semaphore_mem>>
    %dma_start3A_364 = tpu.memref_squeeze %dma_start3A_363 : memref<1x!tpu.dma_semaphore, #tpu.memory_space<semaphore_mem>> -> memref<!tpu.dma_semaphore, #tpu.memory_space<semaphore_mem>>
    %dma_start3A_365 = arith.constant 0 : i32
    %dma_start3A_366 = tpu.memref_slice %arg4[%add3A_354, %dma_start3A_365] : memref<819200x128xf32, #tpu.memory_space<hbm>> -> memref<64x128xf32, #tpu.memory_space<hbm>>
    %dma_start3A_367 = arith.constant 0 : i32
    %dma_start3A_368 = arith.constant 0 : i32
    %dma_start3A_369 = tpu.memref_slice %arg6[%dma_start3A_355, %dma_start3A_367, %dma_start3A_368] : memref<8x64x128xf32, #tpu.memory_space<vmem>> -> memref<1x64x128xf32, #tpu.memory_space<vmem>>
    %dma_start3A_370 = tpu.memref_squeeze %dma_start3A_369 : memref<1x64x128xf32, #tpu.memory_space<vmem>> -> memref<64x128xf32, #tpu.memory_space<vmem>>
    tpu.enqueue_dma source(%dma_start3A_370 : memref<64x128xf32, #tpu.memory_space<vmem>>) target(%dma_start3A_366 : memref<64x128xf32, #tpu.memory_space<hbm>>) target_semaphore(%dma_start3A_364 : memref<!tpu.dma_semaphore, #tpu.memory_space<semaphore_mem>>)
    %dma_wait3A_371 = arith.constant 0 : i32
    %dma_wait3A_372 = arith.constant 7 : i32
    %dma_wait3A_373 = arith.constant 7 : i32
    %dma_wait3A_374 = arith.constant 0 : i32
    %dma_wait3A_375 = arith.constant 0 : i32
    %dma_wait3A_376 = tpu.memref_slice %arg6[%dma_wait3A_372, %dma_wait3A_374, %dma_wait3A_375] : memref<8x64x128xf32, #tpu.memory_space<vmem>> -> memref<1x64x128xf32, #tpu.memory_space<vmem>>
    %dma_wait3A_377 = tpu.memref_squeeze %dma_wait3A_376 : memref<1x64x128xf32, #tpu.memory_space<vmem>> -> memref<64x128xf32, #tpu.memory_space<vmem>>
    %dma_wait3A_378 = arith.constant 0 : i32
    %dma_wait3A_379 = tpu.memref_slice %arg5[%dma_wait3A_371, %dma_wait3A_378] : memref<50x512xi32, #tpu.memory_space<vmem>> -> memref<1x64xi32, #tpu.memory_space<vmem>>
    %dma_wait3A_380 = tpu.memref_squeeze %dma_wait3A_379 : memref<1x64xi32, #tpu.memory_space<vmem>> -> memref<64xi32, #tpu.memory_space<vmem>>
    %dma_wait3A_381 = arith.constant 0 : i32
    %dma_wait3A_382 = arith.constant 0 : i32
    %dma_wait3A_383 = tpu.memref_slice %arg3[%dma_wait3A_381, %dma_wait3A_382] : memref<100000x128xf32, #tpu.memory_space<hbm>> -> memref<100000x128xf32, #tpu.memory_space<hbm>>
    %dma_wait3A_384 = tpu.memref_slice %arg7[%dma_wait3A_373] : memref<8x!tpu.dma_semaphore, #tpu.memory_space<semaphore_mem>> -> memref<1x!tpu.dma_semaphore, #tpu.memory_space<semaphore_mem>>
    %dma_wait3A_385 = tpu.memref_squeeze %dma_wait3A_384 : memref<1x!tpu.dma_semaphore, #tpu.memory_space<semaphore_mem>> -> memref<!tpu.dma_semaphore, #tpu.memory_space<semaphore_mem>>
    tpu.wait_indirect_dma semaphore(%dma_wait3A_385 : memref<!tpu.dma_semaphore, #tpu.memory_space<semaphore_mem>>) src(%dma_wait3A_383 : memref<100000x128xf32, #tpu.memory_space<hbm>>) dst(%dma_wait3A_377 : memref<64x128xf32, #tpu.memory_space<vmem>>)
    %add3A_386 = arith.constant 802816 : i32
    %add3A_387 = arith.addi %add3A_386, %mul3A_2 : i32
    %add3A_388 = arith.constant 448 : i32
    %add3A_389 = arith.addi %add3A_387, %add3A_388 : i32
    %dma_start3A_390 = arith.constant 7 : i32
    %dma_start3A_391 = arith.constant 7 : i32
    %dma_start3A_392 = arith.constant 0 : i32
    %dma_start3A_393 = arith.constant 0 : i32
    %dma_start3A_394 = tpu.memref_slice %arg6[%dma_start3A_390, %dma_start3A_392, %dma_start3A_393] : memref<8x64x128xf32, #tpu.memory_space<vmem>> -> memref<1x64x128xf32, #tpu.memory_space<vmem>>
    %dma_start3A_395 = tpu.memref_squeeze %dma_start3A_394 : memref<1x64x128xf32, #tpu.memory_space<vmem>> -> memref<64x128xf32, #tpu.memory_space<vmem>>
    %dma_start3A_396 = arith.constant 0 : i32
    %dma_start3A_397 = tpu.memref_slice %arg4[%add3A_389, %dma_start3A_396] : memref<819200x128xf32, #tpu.memory_space<hbm>> -> memref<64x128xf32, #tpu.memory_space<hbm>>
    %dma_start3A_398 = tpu.memref_slice %arg8[%dma_start3A_391] : memref<8x!tpu.dma_semaphore, #tpu.memory_space<semaphore_mem>> -> memref<1x!tpu.dma_semaphore, #tpu.memory_space<semaphore_mem>>
    %dma_start3A_399 = tpu.memref_squeeze %dma_start3A_398 : memref<1x!tpu.dma_semaphore, #tpu.memory_space<semaphore_mem>> -> memref<!tpu.dma_semaphore, #tpu.memory_space<semaphore_mem>>
    %dma_start3A_400 = arith.constant 0 : i32
    %dma_start3A_401 = tpu.memref_slice %arg4[%add3A_389, %dma_start3A_400] : memref<819200x128xf32, #tpu.memory_space<hbm>> -> memref<64x128xf32, #tpu.memory_space<hbm>>
    %dma_start3A_402 = arith.constant 0 : i32
    %dma_start3A_403 = arith.constant 0 : i32
    %dma_start3A_404 = tpu.memref_slice %arg6[%dma_start3A_390, %dma_start3A_402, %dma_start3A_403] : memref<8x64x128xf32, #tpu.memory_space<vmem>> -> memref<1x64x128xf32, #tpu.memory_space<vmem>>
    %dma_start3A_405 = tpu.memref_squeeze %dma_start3A_404 : memref<1x64x128xf32, #tpu.memory_space<vmem>> -> memref<64x128xf32, #tpu.memory_space<vmem>>
    tpu.enqueue_dma source(%dma_start3A_405 : memref<64x128xf32, #tpu.memory_space<vmem>>) target(%dma_start3A_401 : memref<64x128xf32, #tpu.memory_space<hbm>>) target_semaphore(%dma_start3A_399 : memref<!tpu.dma_semaphore, #tpu.memory_space<semaphore_mem>>)
    %add3A_406 = arith.constant 802816 : i32
    %add3A_407 = arith.addi %add3A_406, %mul3A_2 : i32
    %add3A_408 = arith.constant 0 : i32
    %add3A_409 = arith.addi %add3A_407, %add3A_408 : i32
    %dma_wait3A_410 = arith.constant 0 : i32
    %dma_wait3A_411 = arith.constant 0 : i32
    %dma_wait3A_412 = arith.constant 0 : i32
    %dma_wait3A_413 = arith.constant 0 : i32
    %dma_wait3A_414 = tpu.memref_slice %arg6[%dma_wait3A_410, %dma_wait3A_412, %dma_wait3A_413] : memref<8x64x128xf32, #tpu.memory_space<vmem>> -> memref<1x64x128xf32, #tpu.memory_space<vmem>>
    %dma_wait3A_415 = tpu.memref_squeeze %dma_wait3A_414 : memref<1x64x128xf32, #tpu.memory_space<vmem>> -> memref<64x128xf32, #tpu.memory_space<vmem>>
    %dma_wait3A_416 = arith.constant 0 : i32
    %dma_wait3A_417 = tpu.memref_slice %arg4[%add3A_409, %dma_wait3A_416] : memref<819200x128xf32, #tpu.memory_space<hbm>> -> memref<64x128xf32, #tpu.memory_space<hbm>>
    %dma_wait3A_418 = tpu.memref_slice %arg8[%dma_wait3A_411] : memref<8x!tpu.dma_semaphore, #tpu.memory_space<semaphore_mem>> -> memref<1x!tpu.dma_semaphore, #tpu.memory_space<semaphore_mem>>
    %dma_wait3A_419 = tpu.memref_squeeze %dma_wait3A_418 : memref<1x!tpu.dma_semaphore, #tpu.memory_space<semaphore_mem>> -> memref<!tpu.dma_semaphore, #tpu.memory_space<semaphore_mem>>
    %dma_wait3A_420 = arith.constant 0 : i32
    %dma_wait3A_421 = tpu.memref_slice %arg4[%add3A_409, %dma_wait3A_420] : memref<819200x128xf32, #tpu.memory_space<hbm>> -> memref<64x128xf32, #tpu.memory_space<hbm>>
    %dma_wait3A_422 = arith.constant 0 : i32
    %dma_wait3A_423 = arith.constant 0 : i32
    %dma_wait3A_424 = tpu.memref_slice %arg6[%dma_wait3A_410, %dma_wait3A_422, %dma_wait3A_423] : memref<8x64x128xf32, #tpu.memory_space<vmem>> -> memref<1x64x128xf32, #tpu.memory_space<vmem>>
    %dma_wait3A_425 = tpu.memref_squeeze %dma_wait3A_424 : memref<1x64x128xf32, #tpu.memory_space<vmem>> -> memref<64x128xf32, #tpu.memory_space<vmem>>
    tpu.wait_dma2 semaphore(%dma_wait3A_419 : memref<!tpu.dma_semaphore, #tpu.memory_space<semaphore_mem>>) src(%dma_wait3A_425 : memref<64x128xf32, #tpu.memory_space<vmem>>) dst(%dma_wait3A_421 : memref<64x128xf32, #tpu.memory_space<hbm>>)
    %add3A_426 = arith.constant 802816 : i32
    %add3A_427 = arith.addi %add3A_426, %mul3A_2 : i32
    %add3A_428 = arith.constant 64 : i32
    %add3A_429 = arith.addi %add3A_427, %add3A_428 : i32
    %dma_wait3A_430 = arith.constant 1 : i32
    %dma_wait3A_431 = arith.constant 1 : i32
    %dma_wait3A_432 = arith.constant 0 : i32
    %dma_wait3A_433 = arith.constant 0 : i32
    %dma_wait3A_434 = tpu.memref_slice %arg6[%dma_wait3A_430, %dma_wait3A_432, %dma_wait3A_433] : memref<8x64x128xf32, #tpu.memory_space<vmem>> -> memref<1x64x128xf32, #tpu.memory_space<vmem>>
    %dma_wait3A_435 = tpu.memref_squeeze %dma_wait3A_434 : memref<1x64x128xf32, #tpu.memory_space<vmem>> -> memref<64x128xf32, #tpu.memory_space<vmem>>
    %dma_wait3A_436 = arith.constant 0 : i32
    %dma_wait3A_437 = tpu.memref_slice %arg4[%add3A_429, %dma_wait3A_436] : memref<819200x128xf32, #tpu.memory_space<hbm>> -> memref<64x128xf32, #tpu.memory_space<hbm>>
    %dma_wait3A_438 = tpu.memref_slice %arg8[%dma_wait3A_431] : memref<8x!tpu.dma_semaphore, #tpu.memory_space<semaphore_mem>> -> memref<1x!tpu.dma_semaphore, #tpu.memory_space<semaphore_mem>>
    %dma_wait3A_439 = tpu.memref_squeeze %dma_wait3A_438 : memref<1x!tpu.dma_semaphore, #tpu.memory_space<semaphore_mem>> -> memref<!tpu.dma_semaphore, #tpu.memory_space<semaphore_mem>>
    %dma_wait3A_440 = arith.constant 0 : i32
    %dma_wait3A_441 = tpu.memref_slice %arg4[%add3A_429, %dma_wait3A_440] : memref<819200x128xf32, #tpu.memory_space<hbm>> -> memref<64x128xf32, #tpu.memory_space<hbm>>
    %dma_wait3A_442 = arith.constant 0 : i32
    %dma_wait3A_443 = arith.constant 0 : i32
    %dma_wait3A_444 = tpu.memref_slice %arg6[%dma_wait3A_430, %dma_wait3A_442, %dma_wait3A_443] : memref<8x64x128xf32, #tpu.memory_space<vmem>> -> memref<1x64x128xf32, #tpu.memory_space<vmem>>
    %dma_wait3A_445 = tpu.memref_squeeze %dma_wait3A_444 : memref<1x64x128xf32, #tpu.memory_space<vmem>> -> memref<64x128xf32, #tpu.memory_space<vmem>>
    tpu.wait_dma2 semaphore(%dma_wait3A_439 : memref<!tpu.dma_semaphore, #tpu.memory_space<semaphore_mem>>) src(%dma_wait3A_445 : memref<64x128xf32, #tpu.memory_space<vmem>>) dst(%dma_wait3A_441 : memref<64x128xf32, #tpu.memory_space<hbm>>)
    %add3A_446 = arith.constant 802816 : i32
    %add3A_447 = arith.addi %add3A_446, %mul3A_2 : i32
    %add3A_448 = arith.constant 128 : i32
    %add3A_449 = arith.addi %add3A_447, %add3A_448 : i32
    %dma_wait3A_450 = arith.constant 2 : i32
    %dma_wait3A_451 = arith.constant 2 : i32
    %dma_wait3A_452 = arith.constant 0 : i32
    %dma_wait3A_453 = arith.constant 0 : i32
    %dma_wait3A_454 = tpu.memref_slice %arg6[%dma_wait3A_450, %dma_wait3A_452, %dma_wait3A_453] : memref<8x64x128xf32, #tpu.memory_space<vmem>> -> memref<1x64x128xf32, #tpu.memory_space<vmem>>
    %dma_wait3A_455 = tpu.memref_squeeze %dma_wait3A_454 : memref<1x64x128xf32, #tpu.memory_space<vmem>> -> memref<64x128xf32, #tpu.memory_space<vmem>>
    %dma_wait3A_456 = arith.constant 0 : i32
    %dma_wait3A_457 = tpu.memref_slice %arg4[%add3A_449, %dma_wait3A_456] : memref<819200x128xf32, #tpu.memory_space<hbm>> -> memref<64x128xf32, #tpu.memory_space<hbm>>
    %dma_wait3A_458 = tpu.memref_slice %arg8[%dma_wait3A_451] : memref<8x!tpu.dma_semaphore, #tpu.memory_space<semaphore_mem>> -> memref<1x!tpu.dma_semaphore, #tpu.memory_space<semaphore_mem>>
    %dma_wait3A_459 = tpu.memref_squeeze %dma_wait3A_458 : memref<1x!tpu.dma_semaphore, #tpu.memory_space<semaphore_mem>> -> memref<!tpu.dma_semaphore, #tpu.memory_space<semaphore_mem>>
    %dma_wait3A_460 = arith.constant 0 : i32
    %dma_wait3A_461 = tpu.memref_slice %arg4[%add3A_449, %dma_wait3A_460] : memref<819200x128xf32, #tpu.memory_space<hbm>> -> memref<64x128xf32, #tpu.memory_space<hbm>>
    %dma_wait3A_462 = arith.constant 0 : i32
    %dma_wait3A_463 = arith.constant 0 : i32
    %dma_wait3A_464 = tpu.memref_slice %arg6[%dma_wait3A_450, %dma_wait3A_462, %dma_wait3A_463] : memref<8x64x128xf32, #tpu.memory_space<vmem>> -> memref<1x64x128xf32, #tpu.memory_space<vmem>>
    %dma_wait3A_465 = tpu.memref_squeeze %dma_wait3A_464 : memref<1x64x128xf32, #tpu.memory_space<vmem>> -> memref<64x128xf32, #tpu.memory_space<vmem>>
    tpu.wait_dma2 semaphore(%dma_wait3A_459 : memref<!tpu.dma_semaphore, #tpu.memory_space<semaphore_mem>>) src(%dma_wait3A_465 : memref<64x128xf32, #tpu.memory_space<vmem>>) dst(%dma_wait3A_461 : memref<64x128xf32, #tpu.memory_space<hbm>>)
    %add3A_466 = arith.constant 802816 : i32
    %add3A_467 = arith.addi %add3A_466, %mul3A_2 : i32
    %add3A_468 = arith.constant 192 : i32
    %add3A_469 = arith.addi %add3A_467, %add3A_468 : i32
    %dma_wait3A_470 = arith.constant 3 : i32
    %dma_wait3A_471 = arith.constant 3 : i32
    %dma_wait3A_472 = arith.constant 0 : i32
    %dma_wait3A_473 = arith.constant 0 : i32
    %dma_wait3A_474 = tpu.memref_slice %arg6[%dma_wait3A_470, %dma_wait3A_472, %dma_wait3A_473] : memref<8x64x128xf32, #tpu.memory_space<vmem>> -> memref<1x64x128xf32, #tpu.memory_space<vmem>>
    %dma_wait3A_475 = tpu.memref_squeeze %dma_wait3A_474 : memref<1x64x128xf32, #tpu.memory_space<vmem>> -> memref<64x128xf32, #tpu.memory_space<vmem>>
    %dma_wait3A_476 = arith.constant 0 : i32
    %dma_wait3A_477 = tpu.memref_slice %arg4[%add3A_469, %dma_wait3A_476] : memref<819200x128xf32, #tpu.memory_space<hbm>> -> memref<64x128xf32, #tpu.memory_space<hbm>>
    %dma_wait3A_478 = tpu.memref_slice %arg8[%dma_wait3A_471] : memref<8x!tpu.dma_semaphore, #tpu.memory_space<semaphore_mem>> -> memref<1x!tpu.dma_semaphore, #tpu.memory_space<semaphore_mem>>
    %dma_wait3A_479 = tpu.memref_squeeze %dma_wait3A_478 : memref<1x!tpu.dma_semaphore, #tpu.memory_space<semaphore_mem>> -> memref<!tpu.dma_semaphore, #tpu.memory_space<semaphore_mem>>
    %dma_wait3A_480 = arith.constant 0 : i32
    %dma_wait3A_481 = tpu.memref_slice %arg4[%add3A_469, %dma_wait3A_480] : memref<819200x128xf32, #tpu.memory_space<hbm>> -> memref<64x128xf32, #tpu.memory_space<hbm>>
    %dma_wait3A_482 = arith.constant 0 : i32
    %dma_wait3A_483 = arith.constant 0 : i32
    %dma_wait3A_484 = tpu.memref_slice %arg6[%dma_wait3A_470, %dma_wait3A_482, %dma_wait3A_483] : memref<8x64x128xf32, #tpu.memory_space<vmem>> -> memref<1x64x128xf32, #tpu.memory_space<vmem>>
    %dma_wait3A_485 = tpu.memref_squeeze %dma_wait3A_484 : memref<1x64x128xf32, #tpu.memory_space<vmem>> -> memref<64x128xf32, #tpu.memory_space<vmem>>
    tpu.wait_dma2 semaphore(%dma_wait3A_479 : memref<!tpu.dma_semaphore, #tpu.memory_space<semaphore_mem>>) src(%dma_wait3A_485 : memref<64x128xf32, #tpu.memory_space<vmem>>) dst(%dma_wait3A_481 : memref<64x128xf32, #tpu.memory_space<hbm>>)
    %add3A_486 = arith.constant 802816 : i32
    %add3A_487 = arith.addi %add3A_486, %mul3A_2 : i32
    %add3A_488 = arith.constant 256 : i32
    %add3A_489 = arith.addi %add3A_487, %add3A_488 : i32
    %dma_wait3A_490 = arith.constant 4 : i32
    %dma_wait3A_491 = arith.constant 4 : i32
    %dma_wait3A_492 = arith.constant 0 : i32
    %dma_wait3A_493 = arith.constant 0 : i32
    %dma_wait3A_494 = tpu.memref_slice %arg6[%dma_wait3A_490, %dma_wait3A_492, %dma_wait3A_493] : memref<8x64x128xf32, #tpu.memory_space<vmem>> -> memref<1x64x128xf32, #tpu.memory_space<vmem>>
    %dma_wait3A_495 = tpu.memref_squeeze %dma_wait3A_494 : memref<1x64x128xf32, #tpu.memory_space<vmem>> -> memref<64x128xf32, #tpu.memory_space<vmem>>
    %dma_wait3A_496 = arith.constant 0 : i32
    %dma_wait3A_497 = tpu.memref_slice %arg4[%add3A_489, %dma_wait3A_496] : memref<819200x128xf32, #tpu.memory_space<hbm>> -> memref<64x128xf32, #tpu.memory_space<hbm>>
    %dma_wait3A_498 = tpu.memref_slice %arg8[%dma_wait3A_491] : memref<8x!tpu.dma_semaphore, #tpu.memory_space<semaphore_mem>> -> memref<1x!tpu.dma_semaphore, #tpu.memory_space<semaphore_mem>>
    %dma_wait3A_499 = tpu.memref_squeeze %dma_wait3A_498 : memref<1x!tpu.dma_semaphore, #tpu.memory_space<semaphore_mem>> -> memref<!tpu.dma_semaphore, #tpu.memory_space<semaphore_mem>>
    %dma_wait3A_500 = arith.constant 0 : i32
    %dma_wait3A_501 = tpu.memref_slice %arg4[%add3A_489, %dma_wait3A_500] : memref<819200x128xf32, #tpu.memory_space<hbm>> -> memref<64x128xf32, #tpu.memory_space<hbm>>
    %dma_wait3A_502 = arith.constant 0 : i32
    %dma_wait3A_503 = arith.constant 0 : i32
    %dma_wait3A_504 = tpu.memref_slice %arg6[%dma_wait3A_490, %dma_wait3A_502, %dma_wait3A_503] : memref<8x64x128xf32, #tpu.memory_space<vmem>> -> memref<1x64x128xf32, #tpu.memory_space<vmem>>
    %dma_wait3A_505 = tpu.memref_squeeze %dma_wait3A_504 : memref<1x64x128xf32, #tpu.memory_space<vmem>> -> memref<64x128xf32, #tpu.memory_space<vmem>>
    tpu.wait_dma2 semaphore(%dma_wait3A_499 : memref<!tpu.dma_semaphore, #tpu.memory_space<semaphore_mem>>) src(%dma_wait3A_505 : memref<64x128xf32, #tpu.memory_space<vmem>>) dst(%dma_wait3A_501 : memref<64x128xf32, #tpu.memory_space<hbm>>)
    %add3A_506 = arith.constant 802816 : i32
    %add3A_507 = arith.addi %add3A_506, %mul3A_2 : i32
    %add3A_508 = arith.constant 320 : i32
    %add3A_509 = arith.addi %add3A_507, %add3A_508 : i32
    %dma_wait3A_510 = arith.constant 5 : i32
    %dma_wait3A_511 = arith.constant 5 : i32
    %dma_wait3A_512 = arith.constant 0 : i32
    %dma_wait3A_513 = arith.constant 0 : i32
    %dma_wait3A_514 = tpu.memref_slice %arg6[%dma_wait3A_510, %dma_wait3A_512, %dma_wait3A_513] : memref<8x64x128xf32, #tpu.memory_space<vmem>> -> memref<1x64x128xf32, #tpu.memory_space<vmem>>
    %dma_wait3A_515 = tpu.memref_squeeze %dma_wait3A_514 : memref<1x64x128xf32, #tpu.memory_space<vmem>> -> memref<64x128xf32, #tpu.memory_space<vmem>>
    %dma_wait3A_516 = arith.constant 0 : i32
    %dma_wait3A_517 = tpu.memref_slice %arg4[%add3A_509, %dma_wait3A_516] : memref<819200x128xf32, #tpu.memory_space<hbm>> -> memref<64x128xf32, #tpu.memory_space<hbm>>
    %dma_wait3A_518 = tpu.memref_slice %arg8[%dma_wait3A_511] : memref<8x!tpu.dma_semaphore, #tpu.memory_space<semaphore_mem>> -> memref<1x!tpu.dma_semaphore, #tpu.memory_space<semaphore_mem>>
    %dma_wait3A_519 = tpu.memref_squeeze %dma_wait3A_518 : memref<1x!tpu.dma_semaphore, #tpu.memory_space<semaphore_mem>> -> memref<!tpu.dma_semaphore, #tpu.memory_space<semaphore_mem>>
    %dma_wait3A_520 = arith.constant 0 : i32
    %dma_wait3A_521 = tpu.memref_slice %arg4[%add3A_509, %dma_wait3A_520] : memref<819200x128xf32, #tpu.memory_space<hbm>> -> memref<64x128xf32, #tpu.memory_space<hbm>>
    %dma_wait3A_522 = arith.constant 0 : i32
    %dma_wait3A_523 = arith.constant 0 : i32
    %dma_wait3A_524 = tpu.memref_slice %arg6[%dma_wait3A_510, %dma_wait3A_522, %dma_wait3A_523] : memref<8x64x128xf32, #tpu.memory_space<vmem>> -> memref<1x64x128xf32, #tpu.memory_space<vmem>>
    %dma_wait3A_525 = tpu.memref_squeeze %dma_wait3A_524 : memref<1x64x128xf32, #tpu.memory_space<vmem>> -> memref<64x128xf32, #tpu.memory_space<vmem>>
    tpu.wait_dma2 semaphore(%dma_wait3A_519 : memref<!tpu.dma_semaphore, #tpu.memory_space<semaphore_mem>>) src(%dma_wait3A_525 : memref<64x128xf32, #tpu.memory_space<vmem>>) dst(%dma_wait3A_521 : memref<64x128xf32, #tpu.memory_space<hbm>>)
    %add3A_526 = arith.constant 802816 : i32
    %add3A_527 = arith.addi %add3A_526, %mul3A_2 : i32
    %add3A_528 = arith.constant 384 : i32
    %add3A_529 = arith.addi %add3A_527, %add3A_528 : i32
    %dma_wait3A_530 = arith.constant 6 : i32
    %dma_wait3A_531 = arith.constant 6 : i32
    %dma_wait3A_532 = arith.constant 0 : i32
    %dma_wait3A_533 = arith.constant 0 : i32
    %dma_wait3A_534 = tpu.memref_slice %arg6[%dma_wait3A_530, %dma_wait3A_532, %dma_wait3A_533] : memref<8x64x128xf32, #tpu.memory_space<vmem>> -> memref<1x64x128xf32, #tpu.memory_space<vmem>>
    %dma_wait3A_535 = tpu.memref_squeeze %dma_wait3A_534 : memref<1x64x128xf32, #tpu.memory_space<vmem>> -> memref<64x128xf32, #tpu.memory_space<vmem>>
    %dma_wait3A_536 = arith.constant 0 : i32
    %dma_wait3A_537 = tpu.memref_slice %arg4[%add3A_529, %dma_wait3A_536] : memref<819200x128xf32, #tpu.memory_space<hbm>> -> memref<64x128xf32, #tpu.memory_space<hbm>>
    %dma_wait3A_538 = tpu.memref_slice %arg8[%dma_wait3A_531] : memref<8x!tpu.dma_semaphore, #tpu.memory_space<semaphore_mem>> -> memref<1x!tpu.dma_semaphore, #tpu.memory_space<semaphore_mem>>
    %dma_wait3A_539 = tpu.memref_squeeze %dma_wait3A_538 : memref<1x!tpu.dma_semaphore, #tpu.memory_space<semaphore_mem>> -> memref<!tpu.dma_semaphore, #tpu.memory_space<semaphore_mem>>
    %dma_wait3A_540 = arith.constant 0 : i32
    %dma_wait3A_541 = tpu.memref_slice %arg4[%add3A_529, %dma_wait3A_540] : memref<819200x128xf32, #tpu.memory_space<hbm>> -> memref<64x128xf32, #tpu.memory_space<hbm>>
    %dma_wait3A_542 = arith.constant 0 : i32
    %dma_wait3A_543 = arith.constant 0 : i32
    %dma_wait3A_544 = tpu.memref_slice %arg6[%dma_wait3A_530, %dma_wait3A_542, %dma_wait3A_543] : memref<8x64x128xf32, #tpu.memory_space<vmem>> -> memref<1x64x128xf32, #tpu.memory_space<vmem>>
    %dma_wait3A_545 = tpu.memref_squeeze %dma_wait3A_544 : memref<1x64x128xf32, #tpu.memory_space<vmem>> -> memref<64x128xf32, #tpu.memory_space<vmem>>
    tpu.wait_dma2 semaphore(%dma_wait3A_539 : memref<!tpu.dma_semaphore, #tpu.memory_space<semaphore_mem>>) src(%dma_wait3A_545 : memref<64x128xf32, #tpu.memory_space<vmem>>) dst(%dma_wait3A_541 : memref<64x128xf32, #tpu.memory_space<hbm>>)
    %add3A_546 = arith.constant 802816 : i32
    %add3A_547 = arith.addi %add3A_546, %mul3A_2 : i32
    %add3A_548 = arith.constant 448 : i32
    %add3A_549 = arith.addi %add3A_547, %add3A_548 : i32
    %dma_wait3A_550 = arith.constant 7 : i32
    %dma_wait3A_551 = arith.constant 7 : i32
    %dma_wait3A_552 = arith.constant 0 : i32
    %dma_wait3A_553 = arith.constant 0 : i32
    %dma_wait3A_554 = tpu.memref_slice %arg6[%dma_wait3A_550, %dma_wait3A_552, %dma_wait3A_553] : memref<8x64x128xf32, #tpu.memory_space<vmem>> -> memref<1x64x128xf32, #tpu.memory_space<vmem>>
    %dma_wait3A_555 = tpu.memref_squeeze %dma_wait3A_554 : memref<1x64x128xf32, #tpu.memory_space<vmem>> -> memref<64x128xf32, #tpu.memory_space<vmem>>
    %dma_wait3A_556 = arith.constant 0 : i32
    %dma_wait3A_557 = tpu.memref_slice %arg4[%add3A_549, %dma_wait3A_556] : memref<819200x128xf32, #tpu.memory_space<hbm>> -> memref<64x128xf32, #tpu.memory_space<hbm>>
    %dma_wait3A_558 = tpu.memref_slice %arg8[%dma_wait3A_551] : memref<8x!tpu.dma_semaphore, #tpu.memory_space<semaphore_mem>> -> memref<1x!tpu.dma_semaphore, #tpu.memory_space<semaphore_mem>>
    %dma_wait3A_559 = tpu.memref_squeeze %dma_wait3A_558 : memref<1x!tpu.dma_semaphore, #tpu.memory_space<semaphore_mem>> -> memref<!tpu.dma_semaphore, #tpu.memory_space<semaphore_mem>>
    %dma_wait3A_560 = arith.constant 0 : i32
    %dma_wait3A_561 = tpu.memref_slice %arg4[%add3A_549, %dma_wait3A_560] : memref<819200x128xf32, #tpu.memory_space<hbm>> -> memref<64x128xf32, #tpu.memory_space<hbm>>
    %dma_wait3A_562 = arith.constant 0 : i32
    %dma_wait3A_563 = arith.constant 0 : i32
    %dma_wait3A_564 = tpu.memref_slice %arg6[%dma_wait3A_550, %dma_wait3A_562, %dma_wait3A_563] : memref<8x64x128xf32, #tpu.memory_space<vmem>> -> memref<1x64x128xf32, #tpu.memory_space<vmem>>
    %dma_wait3A_565 = tpu.memref_squeeze %dma_wait3A_564 : memref<1x64x128xf32, #tpu.memory_space<vmem>> -> memref<64x128xf32, #tpu.memory_space<vmem>>
    tpu.wait_dma2 semaphore(%dma_wait3A_559 : memref<!tpu.dma_semaphore, #tpu.memory_space<semaphore_mem>>) src(%dma_wait3A_565 : memref<64x128xf32, #tpu.memory_space<vmem>>) dst(%dma_wait3A_561 : memref<64x128xf32, #tpu.memory_space<hbm>>)
    return
  }
}

</mosaic_0001>

<sc_bundles>
// kernel: kernel.3.cloned.1.call-start
scs
__scs_entry_jumppad:
0x0: {  	(pc) =	sbr.rel $0x88, $3  }
0x1: {  	(tag) =	ssettag $0x0;
	lr =	simm.s32 $0x1  }
0x2: {  	[smem:$0x3F9F] =	sst lr;
	_ =	strace $0xD0000000  }
0x3: {  	_ = 	snop  }
0x4: {  	_ = 	snop  }
0x5: {  	_ = 	snop  }
0x6: {  	_ = 	snop  }
0x7: {  	_ = 	snop  }
__scs_overlays_trampoline_lowered:
0x8: {  	[smem:$0x3FAE] =	sst s0  }
0x9: {  	[smem:$0x3FAF] =	sst s1  }
0xa: {  	[smem:$0x3FB0] =	sst s2  }
0xb: {  	[smem:$0x3FB1] =	sst s3  }
0xc: {  	[smem:$0x3FB2] =	sst s4  }
0xd: {  	[smem:$0x3FB3] =	sst s5  }
0xe: {  	[smem:$0x3FB4] =	sst s6  }
0xf: {  	[smem:$0x3FB5] =	sst s7  }
0x10: {  	[smem:$0x3FB6] =	sst s8  }
0x11: {  	[smem:$0x3FB7] =	sst s9;
	s0 =	simm.s32 @!p0 $0x0  }
0x12: {  	s1 =	sld [smem:$0x3F9D];
	s0 =	simm.s32 @p0 $0x1  }
0x13: {  	[smem:$0x3FB8] =	sst s0;
	s0 =	simm.s32 @!p1 $0x0  }
0x14: {  	s2 =	sld [smem:$0x3F9C];
	s0 =	simm.s32 @p1 $0x1  }
0x15: {  	[smem:$0x3FB9] =	sst s0;
	s0 =	simm.s32 @!p2 $0x0  }
0x16: {  	s3 =	sld [smem:$0x3FDB];
	s0 =	simm.s32 @p2 $0x1  }
0x17: {  	s4 =	simm.s32 $0x1BF5;
	[smem:$0x3FBB] =	sst s0  }
0x18: {  	s0 =	sld [smem:$0x3F9E];
	_ =	swait.ge [sflag:s4], $0x0  }
0x19: {  	s7 =	sld [smem:$0x3F9F]  }
0x1a: {  	s8 =	sadd.s32 $0xFFFFE003, lr  }
0x1b: {  	s9 =	sadd.s32 $0xFFFFFEF7, lr;
	s5 =	simm.s32 $0xFFFFFFFF;
	p2 =	slt.u32 s8, $0xFFFFF086  }
0x1c: {  	p1 =	slt.u32 s9, $0xF7A;
	s5 =	simm.s32 @!p2 $0x0  }
0x1d: {  	s5 =	simm.s32 @p1 $0x1;
	p0 =	seq.s32 s7, s2  }
0x1e: {  	s7 =	smul.u32 @!p0 $0xF7A, s2;
	p2 =	seq.s32 @!p0 s5, $0x0  }
0x1f: {  	s9 =	smul.u32 $0xF7A, s1;
	s8 =	simm.s32 @!p0 $0x1BF5;
	p2 =	por !p2, p0  }
0x20: {  	[sflag:s8] =	ssyncset.s32 @!p0 $0xFFFFF086;
	s6 =	sadd.s32 @!p0 s3, s7;
	s7 =	simm.s32 @!p0 $0x108  }
0x21: {  	s3 =	sadd.s32 s3, s9;
	s6 =	sadd.s32 @!p0 $0x88, s6;
	s7 =	simm.s32 @p2 $0x1082  }
0x22: {  	[simem:s7], [sflag:s8] =	dma.local @!p0 [hbm:s6], $0xF7A  }
0x23: {  	s9 =	sor.u32 $0xD0000000, s2;
	s6 =	simm.s32 $0x108;
	_ =	swait.ge @!p0 [sflag:s8], $0x0  }
0x24: {  	s3 =	sadd.s32 $0x88, s3;
	s6 =	simm.s32 @!p1 $0x1082;
	[sflag:s4] =	ssyncset.s32 $0xFFFFF086  }
0x25: {  	[simem:s6], [sflag:s4] =	dma.local [hbm:s3], $0xF7A  }
0x26: {  	[smem:$0x3F9F] =	sst s1;
	(tag) =	ssettag s2;
	_ =	strace s9  }
0x27: {  	s1 =	sld [smem:$0x3FAF]  }
0x28: {  	s2 =	sld [smem:$0x3FB0]  }
0x29: {  	s4 =	sld [smem:$0x3FB2]  }
0x2a: {  	p0 =	seq.s32 s5, $0x0;
	s5 =	sld [smem:$0x3FB3]  }
0x2b: {  	s6 =	sld [smem:$0x3FB4]  }
0x2c: {  	s7 =	sld [smem:$0x3FB5]  }
0x2d: {  	s3 =	simm.s32 $0x108;
	s8 =	sld [smem:$0x3FB6]  }
0x2e: {  	s3 =	simm.s32 @!p0 $0x1082;
	s9 =	sld [smem:$0x3FB7]  }
0x2f: {  	lr =	sadd.s32 s0, s3;
	s0 =	sld [smem:$0x3FAE]  }
0x30: {  	s3 =	sld [smem:$0x3FB1]  }
0x31: {  	[smem:$0x3FBA] =	sst s10  }
0x32: {  	s10 =	sld [smem:$0x3FB8];
	_ =	sdelay $0x3  }
0x33: {  	p0 =	seq.s32 s10, $0x1;
	s10 =	sld [smem:$0x3FBA];
	_ =	sdelay $0x3  }
0x34: {  	[smem:$0x3FBA] =	sst s10  }
0x35: {  	s10 =	sld [smem:$0x3FB9];
	_ =	sdelay $0x3  }
0x36: {  	p1 =	seq.s32 s10, $0x1;
	s10 =	sld [smem:$0x3FBA];
	_ =	sdelay $0x3  }
0x37: {  	[smem:$0x3FBA] =	sst s10  }
0x38: {  	s10 =	sld [smem:$0x3FBB]  }
0x39: {  	_ = 	snop;
	(pc) =	sbr.ind lr, $3  }
0x3a: {  	_ = 	snop  }
0x3b: {  	_ = 	snop  }
0x3c: {  	p2 =	seq.s32 s10, $0x1;
	s10 =	sld [smem:$0x3FBA]  }
0x3d: {  	_ =	shalt  }
0x3e: {  	_ =	shalt  }
0x3f: {  	_ =	shalt  }
0x40: {  	_ =	shalt  }
0x41: {  	_ =	shalt  }
0x42: {  	_ =	shalt  }
0x43: {  	_ =	shalt  }
0x44: {  	_ =	shalt  }
0x45: {  	_ =	shalt  }
0x46: {  	_ =	shalt  }
0x47: {  	_ =	shalt  }
0x48: {  	_ =	shalt  }
0x49: {  	_ =	shalt  }
0x4a: {  	_ =	shalt  }
0x4b: {  	_ =	shalt  }
0x4c: {  	_ =	shalt  }
0x4d: {  	_ =	shalt  }
0x4e: {  	_ =	shalt  }
0x4f: {  	_ =	shalt  }
0x50: {  	_ =	shalt  }
0x51: {  	_ =	shalt  }
0x52: {  	_ =	shalt  }
0x53: {  	_ =	shalt  }
0x54: {  	_ =	shalt  }
0x55: {  	_ =	shalt  }
0x56: {  	_ =	shalt  }
0x57: {  	_ =	shalt  }
0x58: {  	_ =	shalt  }
0x59: {  	_ =	shalt  }
0x5a: {  	_ =	shalt  }
0x5b: {  	_ =	shalt  }
0x5c: {  	_ =	shalt  }
0x5d: {  	_ =	shalt  }
0x5e: {  	_ =	shalt  }
0x5f: {  	_ =	shalt  }
0x60: {  	_ =	shalt  }
0x61: {  	_ =	shalt  }
0x62: {  	_ =	shalt  }
0x63: {  	_ =	shalt  }
0x64: {  	_ =	shalt  }
0x65: {  	_ =	shalt  }
0x66: {  	_ =	shalt  }
0x67: {  	_ =	shalt  }
0x68: {  	_ =	shalt  }
0x69: {  	_ =	shalt  }
0x6a: {  	_ =	shalt  }
0x6b: {  	_ =	shalt  }
0x6c: {  	_ =	shalt  }
0x6d: {  	_ =	shalt  }
0x6e: {  	_ =	shalt  }
0x6f: {  	_ =	shalt  }
0x70: {  	_ =	shalt  }
0x71: {  	_ =	shalt  }
0x72: {  	_ =	shalt  }
0x73: {  	_ =	shalt  }
0x74: {  	_ =	shalt  }
0x75: {  	_ =	shalt  }
0x76: {  	_ =	shalt  }
0x77: {  	_ =	shalt  }
0x78: {  	_ =	shalt  }
0x79: {  	_ =	shalt  }
0x7a: {  	_ =	shalt  }
0x7b: {  	_ =	shalt  }
0x7c: {  	_ =	shalt  }
0x7d: {  	_ =	shalt  }
0x7e: {  	_ =	shalt  }
0x7f: {  	_ =	shalt  }
0x80: {  	_ =	shalt  }
0x81: {  	_ =	shalt  }
0x82: {  	_ =	shalt  }
0x83: {  	_ =	shalt  }
0x84: {  	_ =	shalt  }
0x85: {  	_ =	shalt  }
0x86: {  	_ =	shalt  }
0x87: {  	_ =	shalt  }
.Lfunc_end0:
.L_simem_size_0:
called_computation_lowered:
.L_overlay_start_0:
0x88: {  	s2 =	sld [smem:$0x3FD9]  }
0x89: {  	s3 =	sld [smem:$0x3FFE];
	_ =	sdelay $0x1  }
0x8a: {  	s1 =	srdreg.scid  }
0x8b: {  	s0 =	sand.u32 $0x1, s1  }
0x8c: {  	s17 =	sshll.u32 s0, $0xA;
	s2 =	sadd.s32 s3, s2  }
0x8d: {  	s2 =	sadd.s32 s2, s17  }
0x8e: {  	[smem:$0x3FC6] =	sst s2  }
0x8f: {  	_ = 	snop  }
0x90: {  	s2 =	sld [smem:$0x3FC8]  }
0x91: {  	s18 =	sld [smem:$0x3FD0];
	(tm) =	ssettm $0x1  }
0x92: {  	s4 =	sld [smem:$0x3FFB];
	_ =	sdelay $0x3  }
0x93: {  	_ =	strace s4  }
0x94: {  	s4 =	sld [smem:$0x3FFC];
	_ =	sdelay $0x3  }
0x95: {  	_ =	strace s4  }
0x96: {  	s4 =	sld [smem:$0x3FFD];
	_ =	sdelay $0x3  }
0x97: {  	_ =	strace s4  }
0x98: {  	_ =	strace $0x8FFFFFFF  }
0x99: {  	s19 =	sld [smem:$0x3FDB];
	_ =	sdelay $0x1  }
0x9a: {  	s5 =	simm.s32 $_scs_section_size  }
0x9b: {  	s6 =	simm.s32 $_size__tile_overlayer_lowered;
	s7 =	simm.s32 $_tile_overlayer_lowered  }
0x9c: {  	s22 =	simm.s32 $0x1BFF;
	s21 =	sshll.u32 s7, $0x1;
	s4 =	sadd.s32 s5, s19  }
0x9d: {  	s8 =	simm.s32 $0x0;
	s20 =	sshll.u32 s6, $0x1;
	s6 =	sadd.s32 s21, s4  }
0x9e: {  	[timem:s8], [sflag:s22] =	dma.local [hbm:s6], s20  }
0x9f: {  	_ =	swait.ge [sflag:s22], s20  }
0xa0: {  	s5 =	ssub.s32 $0x0, s20;
	[sflag:s22] =	ssyncset.done $0x0  }
0xa1: {  	[sflag:s22] =	ssyncadd.s32 s5;
	_ =	sdelay $0x1  }
0xa2: {  	s23 =	simm.s32 $0x1B8B  }
0xa3: {  	_ =	swait.ge [sflag:s23], $0x1  }
0xa4: {  	[sflag:s23] =	ssyncset.done $0x0  }
0xa5: {  	s25 =	simm.s32 $0x1B8E;
	s24 =	sld [smem:$0x3FFE];
	[sflag:s23] =	ssyncadd.s32 $0xFFFFFFFF  }
0xa6: {  	s26 =	simm.s32 $execute0_lowered;
	[smem:$0x3FD2] =	sst s25  }
0xa7: {  	s6 =	sshll.u32 s26, $0x1;
	_ =	strace $0x80000046;
	[dreg:$0x1] =	wrdreg $0xFFFFFFFF  }
0xa8: {  	s28 =	simm.s32 $_size_execute0_lowered;
	s4 =	sadd.s32 s4, s6;
	[dreg:$0x0] =	wrdreg $0x0  }
0xa9: {  	s6 =	sshll.u32 s28, $0x1;
	[dreg:$0x2] =	wrdreg s4  }
0xaa: {  	[dreg:$0x3] =	wrdreg s6  }
0xab: {  	[dreg:$0x4] =	wrdreg $0xC0  }
0xac: {  	_ =	task [dreg:s8], $0x5FFFF  }
0xad: {  	[dreg:$0x1] =	wrdreg $0xFFFFFFFF  }
0xae: {  	[dreg:$0x0] =	wrdreg $0x60  }
0xaf: {  	[dreg:$0x2] =	wrdreg s24  }
0xb0: {  	[dreg:$0x3] =	wrdreg s2  }
0xb1: {  	[dreg:$0x4] =	wrdreg s18  }
0xb2: {  	[dreg:$0x5] =	wrdreg $0x9  }
0xb3: {  	_ =	task.clear_ibuf [dreg:s8], $0x6FFFF;
	_ =	strace $0x90000046  }
0xb4: {  	s29 =	simm.s32 $0x9;
	_ =	strace $0x80000048  }
0xb5: {  	_ =	swait.ge [sflag:s29], $0x1  }
0xb6: {  	[sflag:s29] =	ssyncadd.s32 $0xFFFFFFFF  }
0xb7: {  	_ =	strace $0x90000048  }
0xb8: {  	_ =	sfence  }
0xb9: {  	s30 =	sld [smem:$0x0];
	_ =	sdelay $0x2  }
0xba: {  	s31 =	sshll.u32 s1, $0xD;
	s1 =	sshrl.u32 s1, $0x2  }
0xbb: {  	s3 =	sand.u32 $0x4000, s31;
	s1 =	sadd.s32 s1, s30  }
0xbc: {  	s0 =	sor.u32 s3, s0;
	s1 =	sshll.u32 s1, $0x11  }
0xbd: {  	s0 =	sor.u32 s1, s0  }
0xbe: {  	s0 =	sadd.s32 $0x8F2B, s0  }
0xbf: {  	[sflag:s0] =	ssyncadd.remote.s32 $0x1  }
0xc0: {  	_ =	sfence.sel $0xFFFF  }
0xc1: {  	[dreg:$0x0] =	wrdreg $0xFFFFFFFF;
	(pc) =	sbr.abs _section_cstart, $3  }
0xc2: {  	[dreg:$0x1] =	wrdreg $0xFFFFFFFF  }
0xc3: {  	_ =	task.clear_ibuf [dreg:s8], $0x2FFFF;
	_ =	strace $0x9FFFFFFF  }
0xc4: {  	(tm) =	ssettm $0x7FFFFFFF  }
0xc5: {  	_ =	shalt  }
tec
execute0_lowered:
.L_overlay_start_1:
0x0: {  	(tag) =	ssettag $0x1  }
0x1: {  	s0 =	rddreg [dreg:$0x0]  }
0x2: {  	s2 =	rddreg [dreg:$0x1]  }
0x3: {  	s1 =	rddreg [dreg:$0x2];
	s3 =	srdreg.scid  }
0x4: {  	s7 =	stileid.u32;
	s29 =	simm.s32 $0x10400;
	s31 =	simm.s32 $0x12400  }
0x5: {  	s15 =	simm.s32 $0x1;
	s28 =	simm.s32 $0x6;
	s30 =	simm.s32 $0x7  }
0x6: {  	s9 =	simm.s32 $0xE;
	s10 =	simm.s32 $0xF;
	s4 =	sand.u32 $0x1, s3  }
0x7: {  	s11 =	simm.s32 $0x10;
	s5 =	sshll.u32 s7, $0xA;
	s6 =	sshll.u32 s4, $0x9  }
0x8: {  	s13 =	simm.s32 $0x0;
	s3 =	simm.s32 $0x0;
	s5 =	sor.u32 s6, s5  }
0x9: {  	s24 =	sshll.u32 s7, $0xE;
	s7 =	simm.s32 $0xC;
	s6 =	sshrl.u32 s5, $0x3  }
0xa: {  	[smem:$0x7FF] =	sst s3;
	s5 =	sshll.u32 s5, $0x4;
	s0 =	sadd.s32 s6, s0  }
0xb: {  	s16 =	ssub.s32 $0x2, s4;
	s5 =	sadd.s32 s5, s1;
	s0 =	sadd.s32 $0x400, s0  }
0xc: {  	_ =	strace $0x80000047;
	s17 =	sadd.s32 $0xC40000, s5;
	[dreg:$0x4] =	wrdreg s0  }
0xd: {  	s25 =	sadd.s32 s24, s1;
	s18 =	sadd.s32 $0xC40400, s5;
	[dreg:$0x5] =	wrdreg s17  }
0xe: {  	s26 =	sshll.u32 s4, $0xD;
	s8 =	sadd.s32 $0xC40800, s5;
	[dreg:$0x6] =	wrdreg s18  }
0xf: {  	s24 =	simm.s32 $0xC400;
	s20 =	sadd.s32 $0xC40C00, s5;
	[dreg:$0x7] =	wrdreg s8  }
0x10: {  	s4 =	simm.s32 $0x9;
	s21 =	sadd.s32 $0xC41400, s5;
	[dreg:$0x8] =	wrdreg s20  }
0x11: {  	s19 =	sshrl.u32 s16, $0x1;
	s22 =	sadd.s32 $0xC41800, s5;
	[dreg:$0x9] =	wrdreg s21  }
0x12: {  	s1 =	simm.s32 $0x14400;
	s23 =	sadd.s32 $0xC41000, s5;
	[dreg:$0xa] =	wrdreg s22  }
0x13: {  	s6 =	simm.s32 $0xB;
	s5 =	sadd.s32 $0xC41C00, s5;
	[dreg:$0xb] =	wrdreg s23  }
0x14: {  	s0 =	ssub.s32 s16, s19;
	[dreg:$0xc] =	wrdreg s5;
	s18 =	simm.s32 $0x40  }
0x15: {  	s19 =	simm.s32 $0x6400;
	s20 =	simm.s32 $0x8400;
	s22 =	simm.s32 $0xA400  }
0x16: {  	s16 =	simm.s32 $0x2;
	s21 =	simm.s32 $0x3;
	s23 =	simm.s32 $0x4  }
0x17: {  	s5 =	simm.s32 $0xA;
	s8 =	simm.s32 $0xD;
	s0 =	smax.u32 s0, $0x1  }
0x18: {  	[dreg:$0xd] =	wrdreg s0;
	s0 =	sadd.s32 s26, s25;
	s26 =	simm.s32 $0xE400  }
0x19: {  	s25 =	simm.s32 $0x5;
	[dreg:$0xe] =	wrdreg s0;
	s0 =	simm.s32 $0x8  }
.LBB2_1:
0x1a: {  	s12 =	rddreg [dreg:$0x4];
	s17 =	simm.s32 $0x200;
	s14 =	simm.s32 $0x4000  }
0x1b: {  	[tilespmem:s3], [sflag:$0x11] =	stream.strided.gather [hbm4b:s12+s17], $0x6400, s14, s17, $0x38;
	[tilespmem:$0x16400] =	vst v63  }
0x1c: {  	[dreg:$0xf] =	wrdreg s13;
	s17 =	simm.s32 $0x11  }
0x1d: {  	_ =	swait.ge [sflag:s17], $0x6400  }
0x1e: {  	[sflag:s17] =	ssyncset.done $0x0  }
0x1f: {  	[sflag:s17] =	ssyncadd.s32 $0xFFFF9C00  }
0x20: {  	[tilespmem:s19], [sflag:$0x1] =	stream.indirect.gather [hbm4b:s2+s18], $0x80, s3, s18, $0xb8;
	[tilespmem:$0x16400] =	vst v63  }
0x21: {  	_ = 	snop  }
0x22: {  	[tilespmem:s20], [sflag:$0x2] =	stream.indirect.gather [hbm4b:s2+s18], $0x80, s18, s18, $0xb8;
	[tilespmem:$0x16400] =	vst v63  }
0x23: {  	s13 =	simm.s32 $0x80  }
0x24: {  	[tilespmem:s22], [sflag:$0x3] =	stream.indirect.gather [hbm4b:s2+s18], $0x80, s13, s18, $0xb8;
	[tilespmem:$0x16400] =	vst v63  }
0x25: {  	s14 =	simm.s32 $0xC0  }
0x26: {  	[tilespmem:s24], [sflag:$0x4] =	stream.indirect.gather [hbm4b:s2+s18], $0x80, s14, s18, $0xb8;
	[tilespmem:$0x16400] =	vst v63  }
0x27: {  	s17 =	simm.s32 $0x100  }
0x28: {  	[tilespmem:s26], [sflag:$0x5] =	stream.indirect.gather [hbm4b:s2+s18], $0x80, s17, s18, $0xb8;
	[tilespmem:$0x16400] =	vst v63  }
0x29: {  	s13 =	simm.s32 $0x140  }
0x2a: {  	[tilespmem:s29], [sflag:$0x6] =	stream.indirect.gather [hbm4b:s2+s18], $0x80, s13, s18, $0xb8;
	[tilespmem:$0x16400] =	vst v63  }
0x2b: {  	s14 =	simm.s32 $0x180  }
0x2c: {  	[tilespmem:s31], [sflag:$0x7] =	stream.indirect.gather [hbm4b:s2+s18], $0x80, s14, s18, $0xb8;
	[tilespmem:$0x16400] =	vst v63  }
0x2d: {  	s17 =	simm.s32 $0x1C0  }
0x2e: {  	[tilespmem:s1], [sflag:$0x8] =	stream.indirect.gather [hbm4b:s2+s18], $0x80, s17, s18, $0xb8;
	[tilespmem:$0x16400] =	vst v63  }
0x2f: {  	_ =	swait.ge [sflag:s15], $0x2000  }
0x30: {  	[sflag:s15] =	ssyncset.done $0x0  }
0x31: {  	s14 =	rddreg [dreg:$0xe];
	[sflag:s15] =	ssyncadd.s32 $0xFFFFE000  }
0x32: {  	[hbm4b:s14+s3] =	stream.linear.scatter [tilespmem:s19], [sflag:$0x9], $0x2000, $0x38;
	[tilespmem:$0x16400] =	vst v63  }
0x33: {  	_ =	swait.ge [sflag:s16], $0x2000  }
0x34: {  	[sflag:s16] =	ssyncset.done $0x0  }
0x35: {  	s13 =	sadd.s32 $0x400, s14;
	[sflag:s16] =	ssyncadd.s32 $0xFFFFE000  }
0x36: {  	[hbm4b:s13+s3] =	stream.linear.scatter [tilespmem:s20], [sflag:$0xA], $0x2000, $0x38;
	[tilespmem:$0x16400] =	vst v63  }
0x37: {  	_ =	swait.ge [sflag:s21], $0x2000  }
0x38: {  	[sflag:s21] =	ssyncset.done $0x0  }
0x39: {  	s17 =	sadd.s32 $0x800, s14;
	[sflag:s21] =	ssyncadd.s32 $0xFFFFE000  }
0x3a: {  	[hbm4b:s17+s3] =	stream.linear.scatter [tilespmem:s22], [sflag:$0xB], $0x2000, $0x38;
	[tilespmem:$0x16400] =	vst v63  }
0x3b: {  	_ =	swait.ge [sflag:s23], $0x2000  }
0x3c: {  	[sflag:s23] =	ssyncset.done $0x0  }
0x3d: {  	s13 =	sadd.s32 $0xC00, s14;
	[sflag:s23] =	ssyncadd.s32 $0xFFFFE000  }
0x3e: {  	[hbm4b:s13+s3] =	stream.linear.scatter [tilespmem:s24], [sflag:$0xC], $0x2000, $0x38;
	[tilespmem:$0x16400] =	vst v63  }
0x3f: {  	_ =	swait.ge [sflag:s25], $0x2000  }
0x40: {  	[sflag:s25] =	ssyncset.done $0x0  }
0x41: {  	s17 =	sadd.s32 $0x1000, s14;
	[sflag:s25] =	ssyncadd.s32 $0xFFFFE000  }
0x42: {  	[hbm4b:s17+s3] =	stream.linear.scatter [tilespmem:s26], [sflag:$0xD], $0x2000, $0x38;
	[tilespmem:$0x16400] =	vst v63  }
0x43: {  	_ =	swait.ge [sflag:s28], $0x2000  }
0x44: {  	[sflag:s28] =	ssyncset.done $0x0  }
0x45: {  	s13 =	sadd.s32 $0x1400, s14;
	[sflag:s28] =	ssyncadd.s32 $0xFFFFE000  }
0x46: {  	[hbm4b:s13+s3] =	stream.linear.scatter [tilespmem:s29], [sflag:$0xE], $0x2000, $0x38;
	[tilespmem:$0x16400] =	vst v63  }
0x47: {  	_ =	swait.ge [sflag:s30], $0x2000  }
0x48: {  	[sflag:s30] =	ssyncset.done $0x0  }
0x49: {  	s17 =	sadd.s32 $0x1800, s14;
	[sflag:s30] =	ssyncadd.s32 $0xFFFFE000  }
0x4a: {  	[hbm4b:s17+s3] =	stream.linear.scatter [tilespmem:s31], [sflag:$0xF], $0x2000, $0x38;
	[tilespmem:$0x16400] =	vst v63  }
0x4b: {  	_ =	swait.ge [sflag:s0], $0x2000  }
0x4c: {  	[sflag:s0] =	ssyncset.done $0x0  }
0x4d: {  	s13 =	sadd.s32 $0x1C00, s14;
	[sflag:s0] =	ssyncadd.s32 $0xFFFFE000  }
0x4e: {  	[hbm4b:s13+s3] =	stream.linear.scatter [tilespmem:s1], [sflag:$0x10], $0x2000, $0x38;
	[tilespmem:$0x16400] =	vst v63  }
0x4f: {  	_ =	swait.ge [sflag:s4], $0x2000  }
0x50: {  	[sflag:s4] =	ssyncset.done $0x0  }
0x51: {  	s17 =	simm.s32 $0x200;
	[sflag:s4] =	ssyncadd.s32 $0xFFFFE000  }
0x52: {  	[tilespmem:s19], [sflag:$0x1] =	stream.indirect.gather [hbm4b:s2+s18], $0x80, s17, s18, $0xb8;
	[tilespmem:$0x16400] =	vst v63  }
0x53: {  	_ =	swait.ge [sflag:s5], $0x2000  }
0x54: {  	[sflag:s5] =	ssyncset.done $0x0  }
0x55: {  	s13 =	simm.s32 $0x240;
	[sflag:s5] =	ssyncadd.s32 $0xFFFFE000  }
0x56: {  	[tilespmem:s20], [sflag:$0x2] =	stream.indirect.gather [hbm4b:s2+s18], $0x80, s13, s18, $0xb8;
	[tilespmem:$0x16400] =	vst v63  }
0x57: {  	_ =	swait.ge [sflag:s6], $0x2000  }
0x58: {  	[sflag:s6] =	ssyncset.done $0x0  }
0x59: {  	s17 =	simm.s32 $0x280;
	[sflag:s6] =	ssyncadd.s32 $0xFFFFE000  }
0x5a: {  	[tilespmem:s22], [sflag:$0x3] =	stream.indirect.gather [hbm4b:s2+s18], $0x80, s17, s18, $0xb8;
	[tilespmem:$0x16400] =	vst v63  }
0x5b: {  	_ =	swait.ge [sflag:s7], $0x2000  }
0x5c: {  	[sflag:s7] =	ssyncset.done $0x0  }
0x5d: {  	s13 =	simm.s32 $0x2C0;
	[sflag:s7] =	ssyncadd.s32 $0xFFFFE000  }
0x5e: {  	[tilespmem:s24], [sflag:$0x4] =	stream.indirect.gather [hbm4b:s2+s18], $0x80, s13, s18, $0xb8;
	[tilespmem:$0x16400] =	vst v63  }
0x5f: {  	_ =	swait.ge [sflag:s8], $0x2000  }
0x60: {  	[sflag:s8] =	ssyncset.done $0x0  }
0x61: {  	s17 =	simm.s32 $0x300;
	[sflag:s8] =	ssyncadd.s32 $0xFFFFE000  }
0x62: {  	[tilespmem:s26], [sflag:$0x5] =	stream.indirect.gather [hbm4b:s2+s18], $0x80, s17, s18, $0xb8;
	[tilespmem:$0x16400] =	vst v63  }
0x63: {  	_ =	swait.ge [sflag:s9], $0x2000  }
0x64: {  	[sflag:s9] =	ssyncset.done $0x0  }
0x65: {  	s13 =	simm.s32 $0x340;
	[sflag:s9] =	ssyncadd.s32 $0xFFFFE000  }
0x66: {  	[tilespmem:s29], [sflag:$0x6] =	stream.indirect.gather [hbm4b:s2+s18], $0x80, s13, s18, $0xb8;
	[tilespmem:$0x16400] =	vst v63  }
0x67: {  	_ =	swait.ge [sflag:s10], $0x2000  }
0x68: {  	[sflag:s10] =	ssyncset.done $0x0  }
0x69: {  	s17 =	simm.s32 $0x380;
	[sflag:s10] =	ssyncadd.s32 $0xFFFFE000  }
0x6a: {  	[tilespmem:s31], [sflag:$0x7] =	stream.indirect.gather [hbm4b:s2+s18], $0x80, s17, s18, $0xb8;
	[tilespmem:$0x16400] =	vst v63  }
0x6b: {  	_ =	swait.ge [sflag:s11], $0x2000  }
0x6c: {  	s12 =	simm.s32 $0x3C0;
	[sflag:s11] =	ssyncset.done $0x0  }
0x6d: {  	s13 =	simm.s32 $0x800;
	s17 =	sadd.s32 $0x40000, s14;
	[sflag:s11] =	ssyncadd.s32 $0xFFFFE000  }
.LBB2_2:
0x6e: {  	[tilespmem:s1], [sflag:$0x8] =	stream.indirect.gather [hbm4b:s2+s18], $0x80, s12, s18, $0xb8;
	[tilespmem:$0x16400] =	vst v63  }
0x6f: {  	s12 =	smov.u32 s13  }
0x70: {  	p0 =	sne.s32 s13, $0x18000;
	s13 =	sadd.s32 $0x800, s13;
	_ =	swait.ge [sflag:s15], $0x2000  }
0x71: {  	[sflag:s15] =	ssyncset.done $0x0  }
0x72: {  	[sflag:s15] =	ssyncadd.s32 $0xFFFFE000  }
0x73: {  	[hbm4b:s17+s3] =	stream.linear.scatter [tilespmem:s19], [sflag:$0x9], $0x2000, $0x38;
	[tilespmem:$0x16400] =	vst v63  }
0x74: {  	_ =	swait.ge [sflag:s16], $0x2000  }
0x75: {  	[sflag:s16] =	ssyncset.done $0x0  }
0x76: {  	s14 =	sadd.s32 $0x400, s17;
	[sflag:s16] =	ssyncadd.s32 $0xFFFFE000  }
0x77: {  	[hbm4b:s14+s3] =	stream.linear.scatter [tilespmem:s20], [sflag:$0xA], $0x2000, $0x38;
	[tilespmem:$0x16400] =	vst v63  }
0x78: {  	_ =	swait.ge [sflag:s21], $0x2000  }
0x79: {  	[sflag:s21] =	ssyncset.done $0x0  }
0x7a: {  	s14 =	sadd.s32 $0x800, s17;
	[sflag:s21] =	ssyncadd.s32 $0xFFFFE000  }
0x7b: {  	[hbm4b:s14+s3] =	stream.linear.scatter [tilespmem:s22], [sflag:$0xB], $0x2000, $0x38;
	[tilespmem:$0x16400] =	vst v63  }
0x7c: {  	_ =	swait.ge [sflag:s23], $0x2000  }
0x7d: {  	[sflag:s23] =	ssyncset.done $0x0  }
0x7e: {  	s14 =	sadd.s32 $0xC00, s17;
	[sflag:s23] =	ssyncadd.s32 $0xFFFFE000  }
0x7f: {  	[hbm4b:s14+s3] =	stream.linear.scatter [tilespmem:s24], [sflag:$0xC], $0x2000, $0x38;
	[tilespmem:$0x16400] =	vst v63  }
0x80: {  	_ =	swait.ge [sflag:s25], $0x2000  }
0x81: {  	[sflag:s25] =	ssyncset.done $0x0  }
0x82: {  	s14 =	sadd.s32 $0x1000, s17;
	[sflag:s25] =	ssyncadd.s32 $0xFFFFE000  }
0x83: {  	[hbm4b:s14+s3] =	stream.linear.scatter [tilespmem:s26], [sflag:$0xD], $0x2000, $0x38;
	[tilespmem:$0x16400] =	vst v63  }
0x84: {  	_ =	swait.ge [sflag:s28], $0x2000  }
0x85: {  	[sflag:s28] =	ssyncset.done $0x0  }
0x86: {  	s14 =	sadd.s32 $0x1400, s17;
	[sflag:s28] =	ssyncadd.s32 $0xFFFFE000  }
0x87: {  	[hbm4b:s14+s3] =	stream.linear.scatter [tilespmem:s29], [sflag:$0xE], $0x2000, $0x38;
	[tilespmem:$0x16400] =	vst v63  }
0x88: {  	_ =	swait.ge [sflag:s30], $0x2000  }
0x89: {  	[sflag:s30] =	ssyncset.done $0x0  }
0x8a: {  	s14 =	sadd.s32 $0x1800, s17;
	[sflag:s30] =	ssyncadd.s32 $0xFFFFE000  }
0x8b: {  	[hbm4b:s14+s3] =	stream.linear.scatter [tilespmem:s31], [sflag:$0xF], $0x2000, $0x38;
	[tilespmem:$0x16400] =	vst v63  }
0x8c: {  	_ =	swait.ge [sflag:s0], $0x2000  }
0x8d: {  	[sflag:s0] =	ssyncset.done $0x0  }
0x8e: {  	s14 =	sadd.s32 $0x1C00, s17;
	[sflag:s0] =	ssyncadd.s32 $0xFFFFE000  }
0x8f: {  	[hbm4b:s14+s3] =	stream.linear.scatter [tilespmem:s1], [sflag:$0x10], $0x2000, $0x38;
	[tilespmem:$0x16400] =	vst v63  }
0x90: {  	_ =	swait.ge [sflag:s4], $0x2000  }
0x91: {  	s12 =	sshra.s32 s12, $0x2;
	[sflag:s4] =	ssyncset.done $0x0  }
0x92: {  	s14 =	sadd.s32 $0x200, s12;
	[sflag:s4] =	ssyncadd.s32 $0xFFFFE000  }
0x93: {  	[tilespmem:s19], [sflag:$0x1] =	stream.indirect.gather [hbm4b:s2+s18], $0x80, s14, s18, $0xb8;
	[tilespmem:$0x16400] =	vst v63  }
0x94: {  	_ =	swait.ge [sflag:s5], $0x2000  }
0x95: {  	[sflag:s5] =	ssyncset.done $0x0  }
0x96: {  	s14 =	sadd.s32 $0x240, s12;
	[sflag:s5] =	ssyncadd.s32 $0xFFFFE000  }
0x97: {  	[tilespmem:s20], [sflag:$0x2] =	stream.indirect.gather [hbm4b:s2+s18], $0x80, s14, s18, $0xb8;
	[tilespmem:$0x16400] =	vst v63  }
0x98: {  	_ =	swait.ge [sflag:s6], $0x2000  }
0x99: {  	[sflag:s6] =	ssyncset.done $0x0  }
0x9a: {  	s14 =	sadd.s32 $0x280, s12;
	[sflag:s6] =	ssyncadd.s32 $0xFFFFE000  }
0x9b: {  	[tilespmem:s22], [sflag:$0x3] =	stream.indirect.gather [hbm4b:s2+s18], $0x80, s14, s18, $0xb8;
	[tilespmem:$0x16400] =	vst v63  }
0x9c: {  	_ =	swait.ge [sflag:s7], $0x2000  }
0x9d: {  	[sflag:s7] =	ssyncset.done $0x0  }
0x9e: {  	s14 =	sadd.s32 $0x2C0, s12;
	[sflag:s7] =	ssyncadd.s32 $0xFFFFE000  }
0x9f: {  	[tilespmem:s24], [sflag:$0x4] =	stream.indirect.gather [hbm4b:s2+s18], $0x80, s14, s18, $0xb8;
	[tilespmem:$0x16400] =	vst v63  }
0xa0: {  	_ =	swait.ge [sflag:s8], $0x2000  }
0xa1: {  	[sflag:s8] =	ssyncset.done $0x0  }
0xa2: {  	s14 =	sadd.s32 $0x300, s12;
	[sflag:s8] =	ssyncadd.s32 $0xFFFFE000  }
0xa3: {  	[tilespmem:s26], [sflag:$0x5] =	stream.indirect.gather [hbm4b:s2+s18], $0x80, s14, s18, $0xb8;
	[tilespmem:$0x16400] =	vst v63  }
0xa4: {  	_ =	swait.ge [sflag:s9], $0x2000  }
0xa5: {  	[sflag:s9] =	ssyncset.done $0x0  }
0xa6: {  	s14 =	sadd.s32 $0x340, s12;
	[sflag:s9] =	ssyncadd.s32 $0xFFFFE000  }
0xa7: {  	[tilespmem:s29], [sflag:$0x6] =	stream.indirect.gather [hbm4b:s2+s18], $0x80, s14, s18, $0xb8;
	[tilespmem:$0x16400] =	vst v63  }
0xa8: {  	_ =	swait.ge [sflag:s10], $0x2000  }
0xa9: {  	[sflag:s10] =	ssyncset.done $0x0  }
.Ltmp0:
0xaa: {  	s14 =	sadd.s32 $0x380, s12;
	[sflag:s10] =	ssyncadd.s32 $0xFFFFE000;
	(pc) =	sbr.rel @p0 .LBB2_2-.Ltmp0, $4  }
0xab: {  	[tilespmem:s31], [sflag:$0x7] =	stream.indirect.gather [hbm4b:s2+s18], $0x80, s14, s18, $0xb8;
	[tilespmem:$0x16400] =	vst v63  }
0xac: {  	_ =	swait.ge [sflag:s11], $0x2000  }
0xad: {  	[sflag:s11] =	ssyncset.done $0x0  }
0xae: {  	s17 =	sadd.s32 $0x40000, s17;
	s12 =	sadd.s32 $0x3C0, s12;
	[sflag:s11] =	ssyncadd.s32 $0xFFFFE000  }
0xaf: {  	[tilespmem:s1], [sflag:$0x8] =	stream.indirect.gather [hbm4b:s2+s18], $0x80, s12, s18, $0xb8;
	[tilespmem:$0x16400] =	vst v63  }
0xb0: {  	_ =	swait.ge [sflag:s15], $0x2000  }
0xb1: {  	[sflag:s15] =	ssyncset.done $0x0  }
0xb2: {  	s13 =	rddreg [dreg:$0x5];
	[sflag:s15] =	ssyncadd.s32 $0xFFFFE000  }
0xb3: {  	[hbm4b:s13+s3] =	stream.linear.scatter [tilespmem:s19], [sflag:$0x9], $0x2000, $0x38;
	[tilespmem:$0x16400] =	vst v63  }
0xb4: {  	_ =	swait.ge [sflag:s16], $0x2000  }
0xb5: {  	[sflag:s16] =	ssyncset.done $0x0  }
0xb6: {  	s14 =	rddreg [dreg:$0x6];
	[sflag:s16] =	ssyncadd.s32 $0xFFFFE000  }
0xb7: {  	[hbm4b:s14+s3] =	stream.linear.scatter [tilespmem:s20], [sflag:$0xA], $0x2000, $0x38;
	[tilespmem:$0x16400] =	vst v63  }
0xb8: {  	_ =	swait.ge [sflag:s21], $0x2000  }
0xb9: {  	[sflag:s21] =	ssyncset.done $0x0  }
0xba: {  	s17 =	rddreg [dreg:$0x7];
	[sflag:s21] =	ssyncadd.s32 $0xFFFFE000  }
0xbb: {  	[hbm4b:s17+s3] =	stream.linear.scatter [tilespmem:s22], [sflag:$0xB], $0x2000, $0x38;
	[tilespmem:$0x16400] =	vst v63  }
0xbc: {  	_ =	swait.ge [sflag:s23], $0x2000  }
0xbd: {  	[sflag:s23] =	ssyncset.done $0x0  }
0xbe: {  	s13 =	rddreg [dreg:$0x8];
	[sflag:s23] =	ssyncadd.s32 $0xFFFFE000  }
0xbf: {  	[hbm4b:s13+s3] =	stream.linear.scatter [tilespmem:s24], [sflag:$0xC], $0x2000, $0x38;
	[tilespmem:$0x16400] =	vst v63  }
0xc0: {  	_ =	swait.ge [sflag:s25], $0x2000  }
0xc1: {  	[sflag:s25] =	ssyncset.done $0x0  }
0xc2: {  	s14 =	rddreg [dreg:$0xb];
	[sflag:s25] =	ssyncadd.s32 $0xFFFFE000  }
0xc3: {  	[hbm4b:s14+s3] =	stream.linear.scatter [tilespmem:s26], [sflag:$0xD], $0x2000, $0x38;
	[tilespmem:$0x16400] =	vst v63  }
0xc4: {  	_ =	swait.ge [sflag:s28], $0x2000  }
0xc5: {  	[sflag:s28] =	ssyncset.done $0x0  }
0xc6: {  	s17 =	rddreg [dreg:$0x9];
	[sflag:s28] =	ssyncadd.s32 $0xFFFFE000  }
0xc7: {  	[hbm4b:s17+s3] =	stream.linear.scatter [tilespmem:s29], [sflag:$0xE], $0x2000, $0x38;
	[tilespmem:$0x16400] =	vst v63  }
0xc8: {  	_ =	swait.ge [sflag:s30], $0x2000  }
0xc9: {  	[sflag:s30] =	ssyncset.done $0x0  }
0xca: {  	s13 =	rddreg [dreg:$0xa];
	[sflag:s30] =	ssyncadd.s32 $0xFFFFE000  }
0xcb: {  	[hbm4b:s13+s3] =	stream.linear.scatter [tilespmem:s31], [sflag:$0xF], $0x2000, $0x38;
	[tilespmem:$0x16400] =	vst v63  }
0xcc: {  	_ =	swait.ge [sflag:s0], $0x2000  }
0xcd: {  	[sflag:s0] =	ssyncset.done $0x0  }
0xce: {  	s14 =	rddreg [dreg:$0xc];
	[sflag:s0] =	ssyncadd.s32 $0xFFFFE000  }
0xcf: {  	[hbm4b:s14+s3] =	stream.linear.scatter [tilespmem:s1], [sflag:$0x10], $0x2000, $0x38;
	[tilespmem:$0x16400] =	vst v63  }
0xd0: {  	_ =	swait.ge [sflag:s4], $0x2000  }
0xd1: {  	[sflag:s4] =	ssyncset.done $0x0  }
0xd2: {  	[sflag:s4] =	ssyncadd.s32 $0xFFFFE000  }
0xd3: {  	_ =	swait.ge [sflag:s5], $0x2000  }
0xd4: {  	[sflag:s5] =	ssyncset.done $0x0  }
0xd5: {  	[sflag:s5] =	ssyncadd.s32 $0xFFFFE000  }
0xd6: {  	_ =	swait.ge [sflag:s6], $0x2000  }
0xd7: {  	[sflag:s6] =	ssyncset.done $0x0  }
0xd8: {  	[sflag:s6] =	ssyncadd.s32 $0xFFFFE000  }
0xd9: {  	_ =	swait.ge [sflag:s7], $0x2000  }
0xda: {  	[sflag:s7] =	ssyncset.done $0x0  }
0xdb: {  	[sflag:s7] =	ssyncadd.s32 $0xFFFFE000  }
0xdc: {  	_ =	swait.ge [sflag:s8], $0x2000  }
0xdd: {  	[sflag:s8] =	ssyncset.done $0x0  }
0xde: {  	[sflag:s8] =	ssyncadd.s32 $0xFFFFE000  }
0xdf: {  	_ =	swait.ge [sflag:s9], $0x2000  }
0xe0: {  	[sflag:s9] =	ssyncset.done $0x0  }
0xe1: {  	[sflag:s9] =	ssyncadd.s32 $0xFFFFE000  }
0xe2: {  	_ =	swait.ge [sflag:s10], $0x2000  }
0xe3: {  	[sflag:s10] =	ssyncset.done $0x0  }
0xe4: {  	[sflag:s10] =	ssyncadd.s32 $0xFFFFE000  }
0xe5: {  	_ =	swait.ge [sflag:s11], $0x2000  }
0xe6: {  	s13 =	rddreg [dreg:$0xf]  }
0xe7: {  	s17 =	rddreg [dreg:$0xd];
	s13 =	sadd.s32 $0x1, s13  }
0xe8: {  	p0 =	sne.s32 s13, s17  }
.Ltmp1:
0xe9: {  	_ = 	snop;
	(pc) =	sbr.rel @p0 .LBB2_1-.Ltmp1, $3  }
0xea: {  	_ =	sdelay $0x1  }
0xeb: {  	[sflag:s11] =	ssyncset.done $0x0  }
0xec: {  	[sflag:s11] =	ssyncadd.s32 $0xFFFFE000  }
0xed: {  	_ =	sfence.sel $0x180000  }
0xee: {  	[bflag:$0x0] =	sbarrier.arrive $0xFFFF  }
0xef: {  	_ =	strace $0x90000047  }
0xf0: {  	s0 =	stileid.u32;
	[bflag:$0x2] =	sbarrier.arrive $0xFFFF  }
0xf1: {  	p0 =	sne.s32 s0, $0x0;
	s0 =	rddreg [dreg:$0x3]  }
0xf2: {  	s0 =	sadd.s32 @!p0 $0x100000, s0  }
0xf3: {  	[sflag:s0] =	ssyncadd.tile.s32 @!p0 $0x1;
	_ =	shalt  }
.Lfunc_end2:
_tile_overlayer_lowered:
.L_overlay_start_2:
0xf4: {  	(tag) =	ssettag $0x2  }
0xf5: {  	s0 =	rddreg [dreg:$0x0];
	s2 =	stileid.u32  }
0xf6: {  	s1 =	rddreg [dreg:$0x1];
	p0 =	sne.s32 s2, $0x0  }
0xf7: {  	s3 =	rddreg [dreg:$0x2];
	[bflag:$0x3] =	sbarrier.arrive $0xFFFF;
	s2 =	simm.s32 @!p0 $0x1C11  }
0xf8: {  	[timem:s3], [sflag:s2] =	dma.local @!p0 [hbm:s0], s1  }
0xf9: {  	s0 =	simm.s32 @!p0 $0x11  }
0xfa: {  	_ =	swait.ge @!p0 [sflag:s0], s1  }
0xfb: {  	s1 =	ssub.s32 @!p0 $0x0, s1;
	[sflag:s0] =	ssyncset.done @!p0 $0x0  }
0xfc: {  	[sflag:s0] =	ssyncadd.s32 @!p0 s1  }
0xfd: {  	[bflag:$0x3] =	sbarrier.arrive $0xFFFF  }
0xfe: {  	_ =	shalt  }

</sc_bundles>
